<compile_context>
chip_gen: v7x
topology: tpu7x:2x2x1
jax: 0.10.2.dev20260603
libtpu: 0.0.44.dev20260713+nightly
codegen_flags: <defaults>
</compile_context>

<pallas_src>
import functools

import jax
import jax.numpy as jnp
from jax import lax
from jax.experimental import pallas as pl
from jax.experimental.pallas import tpu as pltpu
from jax.experimental.pallas import tpu_sc as plsc

POOL = 100
SEL = 10
PLEN = 5
DIM = 768
B = 1024
EPS = 1e-8

ROW_BLOCK = 256
LANES = 128
BIG = 1e30
D2 = PLEN * DIM
BSEL = B * SEL


def _topk_body(q_ref, kt_ref, idx_ref, sum_ref):
    q = q_ref[...]
    kt = kt_ref[...]
    dot = jnp.dot(q, kt, preferred_element_type=jnp.float32)
    qn = jnp.sqrt(jnp.sum(q * q, axis=1, keepdims=True))
    kn = jnp.sqrt(jnp.sum(kt * kt, axis=0, keepdims=True))
    denom = jnp.maximum(qn * kn, EPS)
    cdist = 1.0 - dot / denom
    lane = lax.broadcasted_iota(jnp.int32, (ROW_BLOCK, LANES), 1)
    vals = jnp.where(lane < POOL, cdist, BIG)

    total = jnp.zeros((ROW_BLOCK, 1), jnp.float32)
    idx_cols = []
    for _ in range(SEL):
        m = jnp.min(vals, axis=1, keepdims=True)
        amin = jnp.min(jnp.where(vals == m, lane, LANES), axis=1, keepdims=True)
        idx_cols.append(amin)
        total = total + m
        vals = jnp.where(lane == amin, BIG, vals)
    idx_ref[...] = jnp.concatenate(idx_cols, axis=1)
    sum_ref[...] = total


def _topk_call(query, key_t):
    grid = (B // ROW_BLOCK,)
    return pl.pallas_call(
        _topk_body,
        grid=grid,
        in_specs=[
            pl.BlockSpec((ROW_BLOCK, DIM), lambda i: (i, 0)),
            pl.BlockSpec((DIM, LANES), lambda i: (0, 0)),
        ],
        out_specs=[
            pl.BlockSpec((ROW_BLOCK, SEL), lambda i: (i, 0)),
            pl.BlockSpec((ROW_BLOCK, 1), lambda i: (i, 0)),
        ],
        out_shape=[
            jax.ShapeDtypeStruct((B, SEL), jnp.int32),
            jax.ShapeDtypeStruct((B, 1), jnp.float32),
        ],
    )(query, key_t)


_NC = 2
_NS = 16
_NW = _NC * _NS
_B_PER_W = BSEL // _NW
_IDXV = 16
_G = 8
_NCHUNK = _B_PER_W // _G
_NIDXV = _B_PER_W // _IDXV


def _gather_call(table, idx3):
    mesh = plsc.VectorSubcoreMesh(core_axis_name="c", subcore_axis_name="s")
    piece = 8 * D2

    @functools.partial(
        pl.kernel,
        mesh=mesh,
        out_type=jax.ShapeDtypeStruct((BSEL * D2,), jnp.float32),
        scratch_types=[
            pltpu.VMEM_SHARED((POOL * D2,), jnp.float32),
            pltpu.VMEM((_NIDXV, _IDXV), jnp.int32),
            pltpu.VMEM((2 * _G * D2,), jnp.float32),
            pltpu.SemaphoreType.DMA,
            pltpu.SemaphoreType.DMA,
        ],
    )
    def k(table_hbm, idx_hbm, out_hbm, table_sh, idx_v, bufs, sem_g, sem_s):
        cid = lax.axis_index("c")
        sid = lax.axis_index("s")
        wid = sid * _NC + cid
        base = wid * _B_PER_W * D2

        for p in range(13):
            start = (p * 8 if p < 12 else POOL - 8) * D2

            @pl.when(sid == p)
            def _stage(start=start):
                pltpu.sync_copy(
                    table_hbm.at[pl.ds(start, piece)],
                    bufs.at[pl.ds(0, piece)],
                )
                pltpu.sync_copy(
                    bufs.at[pl.ds(0, piece)],
                    table_sh.at[pl.ds(start, piece)],
                )

        pltpu.sync_copy(idx_hbm.at[wid], idx_v)
        plsc.subcore_barrier()

        def fire_gather(g, v, half):
            for j in range(_G):
                r = v[half * _G + j]
                pltpu.make_async_copy(
                    table_sh.at[pl.ds(r * D2, D2)],
                    bufs.at[pl.ds((g * _G + j) * D2, D2)],
                    sem_g,
                ).start()

        def drain_gather():
            for _ in range(_G):
                pltpu.make_async_copy(
                    table_sh.at[pl.ds(0, D2)], bufs.at[pl.ds(0, D2)], sem_g
                ).wait()

        def fire_scatter(cc, g):
            pltpu.make_async_copy(
                bufs.at[pl.ds(g * piece, piece)],
                out_hbm.at[pl.ds(base + cc * piece, piece)],
                sem_s,
            ).start()

        def drain_scatter():
            pltpu.make_async_copy(
                bufs.at[pl.ds(0, piece)], out_hbm.at[pl.ds(base, piece)],
                sem_s,
            ).wait()

        v0 = idx_v[0]
        fire_gather(0, v0, 0)
        drain_gather()
        fire_scatter(0, 0)
        fire_gather(1, v0, 1)

        def body(p, carry):
            v = idx_v[p + 1]
            for half, g in ((0, 0), (1, 1)):
                c = p * 2 + 2 + half
                drain_scatter()
                drain_gather()
                fire_scatter(c - 1, 1 - g)
                fire_gather(g, v, half)
            return carry

        lax.fori_loop(0, (_NCHUNK - 2) // 2, body, 0)

        drain_scatter()
        drain_gather()
        fire_scatter(_NCHUNK - 1, 1)
        drain_scatter()

    return k(table, idx3)


def kernel(query, key_param, prompts):
    key_t = jnp.zeros((DIM, LANES), jnp.float32).at[:, :POOL].set(key_param.T)
    topk_idx, row_sums = _topk_call(query, key_t)
    table = prompts.reshape(-1)
    flat = _gather_call(table, topk_idx.reshape(_NW, _NIDXV, _IDXV))
    selection = flat.reshape(B, SEL, PLEN, DIM)
    mean = jnp.sum(row_sums) / (B * SEL)
    return (mean, selection)

# --- scband reference (transcript-rebuilt; emitter-appended) ---
"""Pipeline reference for scband-prompt-26688926777594 (READ-ONLY COPY).

The authoritative reference and input builder live on the scoring server;
editing this copy changes nothing except your own understanding.
"""

import jax, jax.numpy as jnp
import numpy as np

POOL = 100
SEL = 10
PLEN = 5
DIM = 768
B = 1024
EPS = 1e-8

def setup_inputs(seed: int = 0) -> dict:
    key = jax.random.key(seed)
    k1, k2, k3 = jax.random.split(key, 3)
    query = jax.random.normal(k1, (B, DIM), dtype=jnp.float32)
    key_param = jax.random.uniform(k2, (POOL, DIM), minval=-1.0, maxval=1.0, dtype=jnp.float32)
    prompts = jax.random.uniform(k3, (POOL, PLEN, DIM), minval=-1.0, maxval=1.0, dtype=jnp.float32)
    return {"query": query, "key_param": key_param, "prompts": prompts}

def reference(query, key_param, prompts):
    # cosine similarity between query [B, D] (unsqueezed to [B,1,D]) and key [P, D] -> [B, P]
    qn = jnp.linalg.norm(query, axis=-1, keepdims=True)          # [B, 1]
    kn = jnp.linalg.norm(key_param, axis=-1, keepdims=True)     # [P, 1]
    dot = query @ key_param.T                                    # [B, P]
    denom = jnp.maximum(qn * kn.T, EPS)
    cos = dot / denom
    cdist = 1.0 - cos                                            # [B, P]
    # topk smallest distances, sorted ascending (top_k of negated gives that order)
    neg_vals, topk = jax.lax.top_k(-cdist, SEL)                  # topk: [B, SEL]
    # gather prompts per selected index: equivalent to repeat+gather in torch
    selection = prompts[topk]                                    # [B, SEL, PLEN, DIM]
    similarity = jnp.take_along_axis(cdist, topk, axis=1)        # [B, SEL]
    return (similarity.mean(), selection)

if __name__ == "__main__":
    import jax
    _d = setup_inputs()
    print(jax.jit(kernel)(*tuple(_d.values())))

</pallas_src>

<mosaic_0001>
#map = affine_map<(d0, d1) -> (0)>
#map1 = affine_map<(d0, d1) -> (0, 0, 0)>
module attributes {stable_mosaic.version = 14 : i64} {
  func.func @k(%arg0: i32, %arg1: i32, %arg2: memref<384000xf32, #tpu.memory_space<hbm>>, %arg3: memref<32x20x16xi32, #tpu.memory_space<hbm>>, %arg4: memref<39321600xf32, #tpu.memory_space<hbm>>, %arg5: memref<384000xf32, #tpu.memory_space<vmem_shared>>, %arg6: memref<20x16xi32, #tpu.memory_space<vmem>>, %arg7: memref<61440xf32, #tpu.memory_space<vmem>>, %arg8: memref<!tpu.dma_semaphore, #tpu.memory_space<semaphore_mem>>, %arg9: memref<!tpu.dma_semaphore, #tpu.memory_space<semaphore_mem>>) attributes {dimension_semantics = [#tpu.dimension_semantics<core_parallel>, #tpu.dimension_semantics<subcore_parallel>], iteration_bounds = array<i64: 2, 16>, scalar_prefetch = 0 : i64, scratch_operands = 5 : i64, tpu.core_type = #tpu.core_type<sc_vector_subcore>, window_params = [{transform_indices = #map}, {transform_indices = #map1}, {transform_indices = #map}]} {
    %mul3A = arith.constant 2 : i32
    %mul3A_0 = arith.muli %arg1, %mul3A : i32
    %add3A = arith.addi %mul3A_0, %arg0 : i32
    %mul3A_1 = arith.constant 320 : i32
    %mul3A_2 = arith.muli %add3A, %mul3A_1 : i32
    %mul3A_3 = arith.constant 3840 : i32
    %mul3A_4 = arith.muli %mul3A_2, %mul3A_3 : i32
    %eq3A = arith.constant 0 : i32
    %eq3A_5 = arith.cmpi eq, %arg1, %eq3A : i32
    %convert_element_type3A = arith.extui %eq3A_5 : i1 to i32
    %cond3A = arith.constant 0 : i32
    %cond3A_6 = arith.cmpi ne, %convert_element_type3A, %cond3A : i32
    scf.if %cond3A_6 {
      "tpu.region"() ({
        %run_scoped3A = tpu.sem_alloc : memref<!tpu.dma_semaphore, #tpu.memory_space<semaphore_mem>>
        %dma_start3A_388 = arith.constant 0 : i32
        %dma_start3A_389 = tpu.memref_slice %arg7[%dma_start3A_388] : memref<61440xf32, #tpu.memory_space<vmem>> -> memref<30720xf32, #tpu.memory_space<vmem>>
        %dma_start3A_390 = arith.constant 0 : i32
        %dma_start3A_391 = tpu.memref_slice %arg2[%dma_start3A_390] : memref<384000xf32, #tpu.memory_space<hbm>> -> memref<30720xf32, #tpu.memory_space<hbm>>
        %dma_start3A_392 = arith.constant 0 : i32
        %dma_start3A_393 = tpu.memref_slice %arg7[%dma_start3A_392] : memref<61440xf32, #tpu.memory_space<vmem>> -> memref<30720xf32, #tpu.memory_space<vmem>>
        %dma_start3A_394 = arith.constant 0 : i32
        %dma_start3A_395 = tpu.memref_slice %arg2[%dma_start3A_394] : memref<384000xf32, #tpu.memory_space<hbm>> -> memref<30720xf32, #tpu.memory_space<hbm>>
        tpu.enqueue_dma source(%dma_start3A_395 : memref<30720xf32, #tpu.memory_space<hbm>>) target(%dma_start3A_393 : memref<30720xf32, #tpu.memory_space<vmem>>) target_semaphore(%run_scoped3A : memref<!tpu.dma_semaphore, #tpu.memory_space<semaphore_mem>>)
        %dma_wait3A_396 = arith.constant 0 : i32
        %dma_wait3A_397 = tpu.memref_slice %arg7[%dma_wait3A_396] : memref<61440xf32, #tpu.memory_space<vmem>> -> memref<30720xf32, #tpu.memory_space<vmem>>
        %dma_wait3A_398 = arith.constant 0 : i32
        %dma_wait3A_399 = tpu.memref_slice %arg2[%dma_wait3A_398] : memref<384000xf32, #tpu.memory_space<hbm>> -> memref<30720xf32, #tpu.memory_space<hbm>>
        %dma_wait3A_400 = arith.constant 0 : i32
        %dma_wait3A_401 = tpu.memref_slice %arg7[%dma_wait3A_400] : memref<61440xf32, #tpu.memory_space<vmem>> -> memref<30720xf32, #tpu.memory_space<vmem>>
        %dma_wait3A_402 = arith.constant 0 : i32
        %dma_wait3A_403 = tpu.memref_slice %arg2[%dma_wait3A_402] : memref<384000xf32, #tpu.memory_space<hbm>> -> memref<30720xf32, #tpu.memory_space<hbm>>
        tpu.wait_dma2 semaphore(%run_scoped3A : memref<!tpu.dma_semaphore, #tpu.memory_space<semaphore_mem>>) src(%dma_wait3A_403 : memref<30720xf32, #tpu.memory_space<hbm>>) dst(%dma_wait3A_401 : memref<30720xf32, #tpu.memory_space<vmem>>)
        tpu.yield
      }) : () -> ()
      "tpu.region"() ({
        %run_scoped3A = tpu.sem_alloc : memref<!tpu.dma_semaphore, #tpu.memory_space<semaphore_mem>>
        %dma_start3A_388 = arith.constant 0 : i32
        %dma_start3A_389 = tpu.memref_slice %arg7[%dma_start3A_388] : memref<61440xf32, #tpu.memory_space<vmem>> -> memref<30720xf32, #tpu.memory_space<vmem>>
        %dma_start3A_390 = arith.constant 0 : i32
        %dma_start3A_391 = tpu.memref_slice %arg5[%dma_start3A_390] : memref<384000xf32, #tpu.memory_space<vmem_shared>> -> memref<30720xf32, #tpu.memory_space<vmem_shared>>
        %dma_start3A_392 = arith.constant 0 : i32
        %dma_start3A_393 = tpu.memref_slice %arg5[%dma_start3A_392] : memref<384000xf32, #tpu.memory_space<vmem_shared>> -> memref<30720xf32, #tpu.memory_space<vmem_shared>>
        %dma_start3A_394 = arith.constant 0 : i32
        %dma_start3A_395 = tpu.memref_slice %arg7[%dma_start3A_394] : memref<61440xf32, #tpu.memory_space<vmem>> -> memref<30720xf32, #tpu.memory_space<vmem>>
        tpu.enqueue_dma source(%dma_start3A_395 : memref<30720xf32, #tpu.memory_space<vmem>>) target(%dma_start3A_393 : memref<30720xf32, #tpu.memory_space<vmem_shared>>) target_semaphore(%run_scoped3A : memref<!tpu.dma_semaphore, #tpu.memory_space<semaphore_mem>>)
        %dma_wait3A_396 = arith.constant 0 : i32
        %dma_wait3A_397 = tpu.memref_slice %arg7[%dma_wait3A_396] : memref<61440xf32, #tpu.memory_space<vmem>> -> memref<30720xf32, #tpu.memory_space<vmem>>
        %dma_wait3A_398 = arith.constant 0 : i32
        %dma_wait3A_399 = tpu.memref_slice %arg5[%dma_wait3A_398] : memref<384000xf32, #tpu.memory_space<vmem_shared>> -> memref<30720xf32, #tpu.memory_space<vmem_shared>>
        %dma_wait3A_400 = arith.constant 0 : i32
        %dma_wait3A_401 = tpu.memref_slice %arg5[%dma_wait3A_400] : memref<384000xf32, #tpu.memory_space<vmem_shared>> -> memref<30720xf32, #tpu.memory_space<vmem_shared>>
        %dma_wait3A_402 = arith.constant 0 : i32
        %dma_wait3A_403 = tpu.memref_slice %arg7[%dma_wait3A_402] : memref<61440xf32, #tpu.memory_space<vmem>> -> memref<30720xf32, #tpu.memory_space<vmem>>
        tpu.wait_dma2 semaphore(%run_scoped3A : memref<!tpu.dma_semaphore, #tpu.memory_space<semaphore_mem>>) src(%dma_wait3A_403 : memref<30720xf32, #tpu.memory_space<vmem>>) dst(%dma_wait3A_401 : memref<30720xf32, #tpu.memory_space<vmem_shared>>)
        tpu.yield
      }) : () -> ()
    } else {
    }
    %eq3A_7 = arith.constant 1 : i32
    %eq3A_8 = arith.cmpi eq, %arg1, %eq3A_7 : i32
    %convert_element_type3A_9 = arith.extui %eq3A_8 : i1 to i32
    %cond3A_10 = arith.constant 0 : i32
    %cond3A_11 = arith.cmpi ne, %convert_element_type3A_9, %cond3A_10 : i32
    scf.if %cond3A_11 {
      "tpu.region"() ({
        %run_scoped3A = tpu.sem_alloc : memref<!tpu.dma_semaphore, #tpu.memory_space<semaphore_mem>>
        %dma_start3A_388 = arith.constant 0 : i32
        %dma_start3A_389 = tpu.memref_slice %arg7[%dma_start3A_388] : memref<61440xf32, #tpu.memory_space<vmem>> -> memref<30720xf32, #tpu.memory_space<vmem>>
        %dma_start3A_390 = arith.constant 30720 : i32
        %dma_start3A_391 = tpu.memref_slice %arg2[%dma_start3A_390] : memref<384000xf32, #tpu.memory_space<hbm>> -> memref<30720xf32, #tpu.memory_space<hbm>>
        %dma_start3A_392 = arith.constant 0 : i32
        %dma_start3A_393 = tpu.memref_slice %arg7[%dma_start3A_392] : memref<61440xf32, #tpu.memory_space<vmem>> -> memref<30720xf32, #tpu.memory_space<vmem>>
        %dma_start3A_394 = arith.constant 30720 : i32
        %dma_start3A_395 = tpu.memref_slice %arg2[%dma_start3A_394] : memref<384000xf32, #tpu.memory_space<hbm>> -> memref<30720xf32, #tpu.memory_space<hbm>>
        tpu.enqueue_dma source(%dma_start3A_395 : memref<30720xf32, #tpu.memory_space<hbm>>) target(%dma_start3A_393 : memref<30720xf32, #tpu.memory_space<vmem>>) target_semaphore(%run_scoped3A : memref<!tpu.dma_semaphore, #tpu.memory_space<semaphore_mem>>)
        %dma_wait3A_396 = arith.constant 0 : i32
        %dma_wait3A_397 = tpu.memref_slice %arg7[%dma_wait3A_396] : memref<61440xf32, #tpu.memory_space<vmem>> -> memref<30720xf32, #tpu.memory_space<vmem>>
        %dma_wait3A_398 = arith.constant 30720 : i32
        %dma_wait3A_399 = tpu.memref_slice %arg2[%dma_wait3A_398] : memref<384000xf32, #tpu.memory_space<hbm>> -> memref<30720xf32, #tpu.memory_space<hbm>>
        %dma_wait3A_400 = arith.constant 0 : i32
        %dma_wait3A_401 = tpu.memref_slice %arg7[%dma_wait3A_400] : memref<61440xf32, #tpu.memory_space<vmem>> -> memref<30720xf32, #tpu.memory_space<vmem>>
        %dma_wait3A_402 = arith.constant 30720 : i32
        %dma_wait3A_403 = tpu.memref_slice %arg2[%dma_wait3A_402] : memref<384000xf32, #tpu.memory_space<hbm>> -> memref<30720xf32, #tpu.memory_space<hbm>>
        tpu.wait_dma2 semaphore(%run_scoped3A : memref<!tpu.dma_semaphore, #tpu.memory_space<semaphore_mem>>) src(%dma_wait3A_403 : memref<30720xf32, #tpu.memory_space<hbm>>) dst(%dma_wait3A_401 : memref<30720xf32, #tpu.memory_space<vmem>>)
        tpu.yield
      }) : () -> ()
      "tpu.region"() ({
        %run_scoped3A = tpu.sem_alloc : memref<!tpu.dma_semaphore, #tpu.memory_space<semaphore_mem>>
        %dma_start3A_388 = arith.constant 0 : i32
        %dma_start3A_389 = tpu.memref_slice %arg7[%dma_start3A_388] : memref<61440xf32, #tpu.memory_space<vmem>> -> memref<30720xf32, #tpu.memory_space<vmem>>
        %dma_start3A_390 = arith.constant 30720 : i32
        %dma_start3A_391 = tpu.memref_slice %arg5[%dma_start3A_390] : memref<384000xf32, #tpu.memory_space<vmem_shared>> -> memref<30720xf32, #tpu.memory_space<vmem_shared>>
        %dma_start3A_392 = arith.constant 30720 : i32
        %dma_start3A_393 = tpu.memref_slice %arg5[%dma_start3A_392] : memref<384000xf32, #tpu.memory_space<vmem_shared>> -> memref<30720xf32, #tpu.memory_space<vmem_shared>>
        %dma_start3A_394 = arith.constant 0 : i32
        %dma_start3A_395 = tpu.memref_slice %arg7[%dma_start3A_394] : memref<61440xf32, #tpu.memory_space<vmem>> -> memref<30720xf32, #tpu.memory_space<vmem>>
        tpu.enqueue_dma source(%dma_start3A_395 : memref<30720xf32, #tpu.memory_space<vmem>>) target(%dma_start3A_393 : memref<30720xf32, #tpu.memory_space<vmem_shared>>) target_semaphore(%run_scoped3A : memref<!tpu.dma_semaphore, #tpu.memory_space<semaphore_mem>>)
        %dma_wait3A_396 = arith.constant 0 : i32
        %dma_wait3A_397 = tpu.memref_slice %arg7[%dma_wait3A_396] : memref<61440xf32, #tpu.memory_space<vmem>> -> memref<30720xf32, #tpu.memory_space<vmem>>
        %dma_wait3A_398 = arith.constant 30720 : i32
        %dma_wait3A_399 = tpu.memref_slice %arg5[%dma_wait3A_398] : memref<384000xf32, #tpu.memory_space<vmem_shared>> -> memref<30720xf32, #tpu.memory_space<vmem_shared>>
        %dma_wait3A_400 = arith.constant 30720 : i32
        %dma_wait3A_401 = tpu.memref_slice %arg5[%dma_wait3A_400] : memref<384000xf32, #tpu.memory_space<vmem_shared>> -> memref<30720xf32, #tpu.memory_space<vmem_shared>>
        %dma_wait3A_402 = arith.constant 0 : i32
        %dma_wait3A_403 = tpu.memref_slice %arg7[%dma_wait3A_402] : memref<61440xf32, #tpu.memory_space<vmem>> -> memref<30720xf32, #tpu.memory_space<vmem>>
        tpu.wait_dma2 semaphore(%run_scoped3A : memref<!tpu.dma_semaphore, #tpu.memory_space<semaphore_mem>>) src(%dma_wait3A_403 : memref<30720xf32, #tpu.memory_space<vmem>>) dst(%dma_wait3A_401 : memref<30720xf32, #tpu.memory_space<vmem_shared>>)
        tpu.yield
      }) : () -> ()
    } else {
    }
    %eq3A_12 = arith.constant 2 : i32
    %eq3A_13 = arith.cmpi eq, %arg1, %eq3A_12 : i32
    %convert_element_type3A_14 = arith.extui %eq3A_13 : i1 to i32
    %cond3A_15 = arith.constant 0 : i32
    %cond3A_16 = arith.cmpi ne, %convert_element_type3A_14, %cond3A_15 : i32
    scf.if %cond3A_16 {
      "tpu.region"() ({
        %run_scoped3A = tpu.sem_alloc : memref<!tpu.dma_semaphore, #tpu.memory_space<semaphore_mem>>
        %dma_start3A_388 = arith.constant 0 : i32
        %dma_start3A_389 = tpu.memref_slice %arg7[%dma_start3A_388] : memref<61440xf32, #tpu.memory_space<vmem>> -> memref<30720xf32, #tpu.memory_space<vmem>>
        %dma_start3A_390 = arith.constant 61440 : i32
        %dma_start3A_391 = tpu.memref_slice %arg2[%dma_start3A_390] : memref<384000xf32, #tpu.memory_space<hbm>> -> memref<30720xf32, #tpu.memory_space<hbm>>
        %dma_start3A_392 = arith.constant 0 : i32
        %dma_start3A_393 = tpu.memref_slice %arg7[%dma_start3A_392] : memref<61440xf32, #tpu.memory_space<vmem>> -> memref<30720xf32, #tpu.memory_space<vmem>>
        %dma_start3A_394 = arith.constant 61440 : i32
        %dma_start3A_395 = tpu.memref_slice %arg2[%dma_start3A_394] : memref<384000xf32, #tpu.memory_space<hbm>> -> memref<30720xf32, #tpu.memory_space<hbm>>
        tpu.enqueue_dma source(%dma_start3A_395 : memref<30720xf32, #tpu.memory_space<hbm>>) target(%dma_start3A_393 : memref<30720xf32, #tpu.memory_space<vmem>>) target_semaphore(%run_scoped3A : memref<!tpu.dma_semaphore, #tpu.memory_space<semaphore_mem>>)
        %dma_wait3A_396 = arith.constant 0 : i32
        %dma_wait3A_397 = tpu.memref_slice %arg7[%dma_wait3A_396] : memref<61440xf32, #tpu.memory_space<vmem>> -> memref<30720xf32, #tpu.memory_space<vmem>>
        %dma_wait3A_398 = arith.constant 61440 : i32
        %dma_wait3A_399 = tpu.memref_slice %arg2[%dma_wait3A_398] : memref<384000xf32, #tpu.memory_space<hbm>> -> memref<30720xf32, #tpu.memory_space<hbm>>
        %dma_wait3A_400 = arith.constant 0 : i32
        %dma_wait3A_401 = tpu.memref_slice %arg7[%dma_wait3A_400] : memref<61440xf32, #tpu.memory_space<vmem>> -> memref<30720xf32, #tpu.memory_space<vmem>>
        %dma_wait3A_402 = arith.constant 61440 : i32
        %dma_wait3A_403 = tpu.memref_slice %arg2[%dma_wait3A_402] : memref<384000xf32, #tpu.memory_space<hbm>> -> memref<30720xf32, #tpu.memory_space<hbm>>
        tpu.wait_dma2 semaphore(%run_scoped3A : memref<!tpu.dma_semaphore, #tpu.memory_space<semaphore_mem>>) src(%dma_wait3A_403 : memref<30720xf32, #tpu.memory_space<hbm>>) dst(%dma_wait3A_401 : memref<30720xf32, #tpu.memory_space<vmem>>)
        tpu.yield
      }) : () -> ()
      "tpu.region"() ({
        %run_scoped3A = tpu.sem_alloc : memref<!tpu.dma_semaphore, #tpu.memory_space<semaphore_mem>>
        %dma_start3A_388 = arith.constant 0 : i32
        %dma_start3A_389 = tpu.memref_slice %arg7[%dma_start3A_388] : memref<61440xf32, #tpu.memory_space<vmem>> -> memref<30720xf32, #tpu.memory_space<vmem>>
        %dma_start3A_390 = arith.constant 61440 : i32
        %dma_start3A_391 = tpu.memref_slice %arg5[%dma_start3A_390] : memref<384000xf32, #tpu.memory_space<vmem_shared>> -> memref<30720xf32, #tpu.memory_space<vmem_shared>>
        %dma_start3A_392 = arith.constant 61440 : i32
        %dma_start3A_393 = tpu.memref_slice %arg5[%dma_start3A_392] : memref<384000xf32, #tpu.memory_space<vmem_shared>> -> memref<30720xf32, #tpu.memory_space<vmem_shared>>
        %dma_start3A_394 = arith.constant 0 : i32
        %dma_start3A_395 = tpu.memref_slice %arg7[%dma_start3A_394] : memref<61440xf32, #tpu.memory_space<vmem>> -> memref<30720xf32, #tpu.memory_space<vmem>>
        tpu.enqueue_dma source(%dma_start3A_395 : memref<30720xf32, #tpu.memory_space<vmem>>) target(%dma_start3A_393 : memref<30720xf32, #tpu.memory_space<vmem_shared>>) target_semaphore(%run_scoped3A : memref<!tpu.dma_semaphore, #tpu.memory_space<semaphore_mem>>)
        %dma_wait3A_396 = arith.constant 0 : i32
        %dma_wait3A_397 = tpu.memref_slice %arg7[%dma_wait3A_396] : memref<61440xf32, #tpu.memory_space<vmem>> -> memref<30720xf32, #tpu.memory_space<vmem>>
        %dma_wait3A_398 = arith.constant 61440 : i32
        %dma_wait3A_399 = tpu.memref_slice %arg5[%dma_wait3A_398] : memref<384000xf32, #tpu.memory_space<vmem_shared>> -> memref<30720xf32, #tpu.memory_space<vmem_shared>>
        %dma_wait3A_400 = arith.constant 61440 : i32
        %dma_wait3A_401 = tpu.memref_slice %arg5[%dma_wait3A_400] : memref<384000xf32, #tpu.memory_space<vmem_shared>> -> memref<30720xf32, #tpu.memory_space<vmem_shared>>
        %dma_wait3A_402 = arith.constant 0 : i32
        %dma_wait3A_403 = tpu.memref_slice %arg7[%dma_wait3A_402] : memref<61440xf32, #tpu.memory_space<vmem>> -> memref<30720xf32, #tpu.memory_space<vmem>>
        tpu.wait_dma2 semaphore(%run_scoped3A : memref<!tpu.dma_semaphore, #tpu.memory_space<semaphore_mem>>) src(%dma_wait3A_403 : memref<30720xf32, #tpu.memory_space<vmem>>) dst(%dma_wait3A_401 : memref<30720xf32, #tpu.memory_space<vmem_shared>>)
        tpu.yield
      }) : () -> ()
    } else {
    }
    %eq3A_17 = arith.constant 3 : i32
    %eq3A_18 = arith.cmpi eq, %arg1, %eq3A_17 : i32
    %convert_element_type3A_19 = arith.extui %eq3A_18 : i1 to i32
    %cond3A_20 = arith.constant 0 : i32
    %cond3A_21 = arith.cmpi ne, %convert_element_type3A_19, %cond3A_20 : i32
    scf.if %cond3A_21 {
      "tpu.region"() ({
        %run_scoped3A = tpu.sem_alloc : memref<!tpu.dma_semaphore, #tpu.memory_space<semaphore_mem>>
        %dma_start3A_388 = arith.constant 0 : i32
        %dma_start3A_389 = tpu.memref_slice %arg7[%dma_start3A_388] : memref<61440xf32, #tpu.memory_space<vmem>> -> memref<30720xf32, #tpu.memory_space<vmem>>
        %dma_start3A_390 = arith.constant 92160 : i32
        %dma_start3A_391 = tpu.memref_slice %arg2[%dma_start3A_390] : memref<384000xf32, #tpu.memory_space<hbm>> -> memref<30720xf32, #tpu.memory_space<hbm>>
        %dma_start3A_392 = arith.constant 0 : i32
        %dma_start3A_393 = tpu.memref_slice %arg7[%dma_start3A_392] : memref<61440xf32, #tpu.memory_space<vmem>> -> memref<30720xf32, #tpu.memory_space<vmem>>
        %dma_start3A_394 = arith.constant 92160 : i32
        %dma_start3A_395 = tpu.memref_slice %arg2[%dma_start3A_394] : memref<384000xf32, #tpu.memory_space<hbm>> -> memref<30720xf32, #tpu.memory_space<hbm>>
        tpu.enqueue_dma source(%dma_start3A_395 : memref<30720xf32, #tpu.memory_space<hbm>>) target(%dma_start3A_393 : memref<30720xf32, #tpu.memory_space<vmem>>) target_semaphore(%run_scoped3A : memref<!tpu.dma_semaphore, #tpu.memory_space<semaphore_mem>>)
        %dma_wait3A_396 = arith.constant 0 : i32
        %dma_wait3A_397 = tpu.memref_slice %arg7[%dma_wait3A_396] : memref<61440xf32, #tpu.memory_space<vmem>> -> memref<30720xf32, #tpu.memory_space<vmem>>
        %dma_wait3A_398 = arith.constant 92160 : i32
        %dma_wait3A_399 = tpu.memref_slice %arg2[%dma_wait3A_398] : memref<384000xf32, #tpu.memory_space<hbm>> -> memref<30720xf32, #tpu.memory_space<hbm>>
        %dma_wait3A_400 = arith.constant 0 : i32
        %dma_wait3A_401 = tpu.memref_slice %arg7[%dma_wait3A_400] : memref<61440xf32, #tpu.memory_space<vmem>> -> memref<30720xf32, #tpu.memory_space<vmem>>
        %dma_wait3A_402 = arith.constant 92160 : i32
        %dma_wait3A_403 = tpu.memref_slice %arg2[%dma_wait3A_402] : memref<384000xf32, #tpu.memory_space<hbm>> -> memref<30720xf32, #tpu.memory_space<hbm>>
        tpu.wait_dma2 semaphore(%run_scoped3A : memref<!tpu.dma_semaphore, #tpu.memory_space<semaphore_mem>>) src(%dma_wait3A_403 : memref<30720xf32, #tpu.memory_space<hbm>>) dst(%dma_wait3A_401 : memref<30720xf32, #tpu.memory_space<vmem>>)
        tpu.yield
      }) : () -> ()
      "tpu.region"() ({
        %run_scoped3A = tpu.sem_alloc : memref<!tpu.dma_semaphore, #tpu.memory_space<semaphore_mem>>
        %dma_start3A_388 = arith.constant 0 : i32
        %dma_start3A_389 = tpu.memref_slice %arg7[%dma_start3A_388] : memref<61440xf32, #tpu.memory_space<vmem>> -> memref<30720xf32, #tpu.memory_space<vmem>>
        %dma_start3A_390 = arith.constant 92160 : i32
        %dma_start3A_391 = tpu.memref_slice %arg5[%dma_start3A_390] : memref<384000xf32, #tpu.memory_space<vmem_shared>> -> memref<30720xf32, #tpu.memory_space<vmem_shared>>
        %dma_start3A_392 = arith.constant 92160 : i32
        %dma_start3A_393 = tpu.memref_slice %arg5[%dma_start3A_392] : memref<384000xf32, #tpu.memory_space<vmem_shared>> -> memref<30720xf32, #tpu.memory_space<vmem_shared>>
        %dma_start3A_394 = arith.constant 0 : i32
        %dma_start3A_395 = tpu.memref_slice %arg7[%dma_start3A_394] : memref<61440xf32, #tpu.memory_space<vmem>> -> memref<30720xf32, #tpu.memory_space<vmem>>
        tpu.enqueue_dma source(%dma_start3A_395 : memref<30720xf32, #tpu.memory_space<vmem>>) target(%dma_start3A_393 : memref<30720xf32, #tpu.memory_space<vmem_shared>>) target_semaphore(%run_scoped3A : memref<!tpu.dma_semaphore, #tpu.memory_space<semaphore_mem>>)
        %dma_wait3A_396 = arith.constant 0 : i32
        %dma_wait3A_397 = tpu.memref_slice %arg7[%dma_wait3A_396] : memref<61440xf32, #tpu.memory_space<vmem>> -> memref<30720xf32, #tpu.memory_space<vmem>>
        %dma_wait3A_398 = arith.constant 92160 : i32
        %dma_wait3A_399 = tpu.memref_slice %arg5[%dma_wait3A_398] : memref<384000xf32, #tpu.memory_space<vmem_shared>> -> memref<30720xf32, #tpu.memory_space<vmem_shared>>
        %dma_wait3A_400 = arith.constant 92160 : i32
        %dma_wait3A_401 = tpu.memref_slice %arg5[%dma_wait3A_400] : memref<384000xf32, #tpu.memory_space<vmem_shared>> -> memref<30720xf32, #tpu.memory_space<vmem_shared>>
        %dma_wait3A_402 = arith.constant 0 : i32
        %dma_wait3A_403 = tpu.memref_slice %arg7[%dma_wait3A_402] : memref<61440xf32, #tpu.memory_space<vmem>> -> memref<30720xf32, #tpu.memory_space<vmem>>
        tpu.wait_dma2 semaphore(%run_scoped3A : memref<!tpu.dma_semaphore, #tpu.memory_space<semaphore_mem>>) src(%dma_wait3A_403 : memref<30720xf32, #tpu.memory_space<vmem>>) dst(%dma_wait3A_401 : memref<30720xf32, #tpu.memory_space<vmem_shared>>)
        tpu.yield
      }) : () -> ()
    } else {
    }
    %eq3A_22 = arith.constant 4 : i32
    %eq3A_23 = arith.cmpi eq, %arg1, %eq3A_22 : i32
    %convert_element_type3A_24 = arith.extui %eq3A_23 : i1 to i32
    %cond3A_25 = arith.constant 0 : i32
    %cond3A_26 = arith.cmpi ne, %convert_element_type3A_24, %cond3A_25 : i32
    scf.if %cond3A_26 {
      "tpu.region"() ({
        %run_scoped3A = tpu.sem_alloc : memref<!tpu.dma_semaphore, #tpu.memory_space<semaphore_mem>>
        %dma_start3A_388 = arith.constant 0 : i32
        %dma_start3A_389 = tpu.memref_slice %arg7[%dma_start3A_388] : memref<61440xf32, #tpu.memory_space<vmem>> -> memref<30720xf32, #tpu.memory_space<vmem>>
        %dma_start3A_390 = arith.constant 122880 : i32
        %dma_start3A_391 = tpu.memref_slice %arg2[%dma_start3A_390] : memref<384000xf32, #tpu.memory_space<hbm>> -> memref<30720xf32, #tpu.memory_space<hbm>>
        %dma_start3A_392 = arith.constant 0 : i32
        %dma_start3A_393 = tpu.memref_slice %arg7[%dma_start3A_392] : memref<61440xf32, #tpu.memory_space<vmem>> -> memref<30720xf32, #tpu.memory_space<vmem>>
        %dma_start3A_394 = arith.constant 122880 : i32
        %dma_start3A_395 = tpu.memref_slice %arg2[%dma_start3A_394] : memref<384000xf32, #tpu.memory_space<hbm>> -> memref<30720xf32, #tpu.memory_space<hbm>>
        tpu.enqueue_dma source(%dma_start3A_395 : memref<30720xf32, #tpu.memory_space<hbm>>) target(%dma_start3A_393 : memref<30720xf32, #tpu.memory_space<vmem>>) target_semaphore(%run_scoped3A : memref<!tpu.dma_semaphore, #tpu.memory_space<semaphore_mem>>)
        %dma_wait3A_396 = arith.constant 0 : i32
        %dma_wait3A_397 = tpu.memref_slice %arg7[%dma_wait3A_396] : memref<61440xf32, #tpu.memory_space<vmem>> -> memref<30720xf32, #tpu.memory_space<vmem>>
        %dma_wait3A_398 = arith.constant 122880 : i32
        %dma_wait3A_399 = tpu.memref_slice %arg2[%dma_wait3A_398] : memref<384000xf32, #tpu.memory_space<hbm>> -> memref<30720xf32, #tpu.memory_space<hbm>>
        %dma_wait3A_400 = arith.constant 0 : i32
        %dma_wait3A_401 = tpu.memref_slice %arg7[%dma_wait3A_400] : memref<61440xf32, #tpu.memory_space<vmem>> -> memref<30720xf32, #tpu.memory_space<vmem>>
        %dma_wait3A_402 = arith.constant 122880 : i32
        %dma_wait3A_403 = tpu.memref_slice %arg2[%dma_wait3A_402] : memref<384000xf32, #tpu.memory_space<hbm>> -> memref<30720xf32, #tpu.memory_space<hbm>>
        tpu.wait_dma2 semaphore(%run_scoped3A : memref<!tpu.dma_semaphore, #tpu.memory_space<semaphore_mem>>) src(%dma_wait3A_403 : memref<30720xf32, #tpu.memory_space<hbm>>) dst(%dma_wait3A_401 : memref<30720xf32, #tpu.memory_space<vmem>>)
        tpu.yield
      }) : () -> ()
      "tpu.region"() ({
        %run_scoped3A = tpu.sem_alloc : memref<!tpu.dma_semaphore, #tpu.memory_space<semaphore_mem>>
        %dma_start3A_388 = arith.constant 0 : i32
        %dma_start3A_389 = tpu.memref_slice %arg7[%dma_start3A_388] : memref<61440xf32, #tpu.memory_space<vmem>> -> memref<30720xf32, #tpu.memory_space<vmem>>
        %dma_start3A_390 = arith.constant 122880 : i32
        %dma_start3A_391 = tpu.memref_slice %arg5[%dma_start3A_390] : memref<384000xf32, #tpu.memory_space<vmem_shared>> -> memref<30720xf32, #tpu.memory_space<vmem_shared>>
        %dma_start3A_392 = arith.constant 122880 : i32
        %dma_start3A_393 = tpu.memref_slice %arg5[%dma_start3A_392] : memref<384000xf32, #tpu.memory_space<vmem_shared>> -> memref<30720xf32, #tpu.memory_space<vmem_shared>>
        %dma_start3A_394 = arith.constant 0 : i32
        %dma_start3A_395 = tpu.memref_slice %arg7[%dma_start3A_394] : memref<61440xf32, #tpu.memory_space<vmem>> -> memref<30720xf32, #tpu.memory_space<vmem>>
        tpu.enqueue_dma source(%dma_start3A_395 : memref<30720xf32, #tpu.memory_space<vmem>>) target(%dma_start3A_393 : memref<30720xf32, #tpu.memory_space<vmem_shared>>) target_semaphore(%run_scoped3A : memref<!tpu.dma_semaphore, #tpu.memory_space<semaphore_mem>>)
        %dma_wait3A_396 = arith.constant 0 : i32
        %dma_wait3A_397 = tpu.memref_slice %arg7[%dma_wait3A_396] : memref<61440xf32, #tpu.memory_space<vmem>> -> memref<30720xf32, #tpu.memory_space<vmem>>
        %dma_wait3A_398 = arith.constant 122880 : i32
        %dma_wait3A_399 = tpu.memref_slice %arg5[%dma_wait3A_398] : memref<384000xf32, #tpu.memory_space<vmem_shared>> -> memref<30720xf32, #tpu.memory_space<vmem_shared>>
        %dma_wait3A_400 = arith.constant 122880 : i32
        %dma_wait3A_401 = tpu.memref_slice %arg5[%dma_wait3A_400] : memref<384000xf32, #tpu.memory_space<vmem_shared>> -> memref<30720xf32, #tpu.memory_space<vmem_shared>>
        %dma_wait3A_402 = arith.constant 0 : i32
        %dma_wait3A_403 = tpu.memref_slice %arg7[%dma_wait3A_402] : memref<61440xf32, #tpu.memory_space<vmem>> -> memref<30720xf32, #tpu.memory_space<vmem>>
        tpu.wait_dma2 semaphore(%run_scoped3A : memref<!tpu.dma_semaphore, #tpu.memory_space<semaphore_mem>>) src(%dma_wait3A_403 : memref<30720xf32, #tpu.memory_space<vmem>>) dst(%dma_wait3A_401 : memref<30720xf32, #tpu.memory_space<vmem_shared>>)
        tpu.yield
      }) : () -> ()
    } else {
    }
    %eq3A_27 = arith.constant 5 : i32
    %eq3A_28 = arith.cmpi eq, %arg1, %eq3A_27 : i32
    %convert_element_type3A_29 = arith.extui %eq3A_28 : i1 to i32
    %cond3A_30 = arith.constant 0 : i32
    %cond3A_31 = arith.cmpi ne, %convert_element_type3A_29, %cond3A_30 : i32
    scf.if %cond3A_31 {
      "tpu.region"() ({
        %run_scoped3A = tpu.sem_alloc : memref<!tpu.dma_semaphore, #tpu.memory_space<semaphore_mem>>
        %dma_start3A_388 = arith.constant 0 : i32
        %dma_start3A_389 = tpu.memref_slice %arg7[%dma_start3A_388] : memref<61440xf32, #tpu.memory_space<vmem>> -> memref<30720xf32, #tpu.memory_space<vmem>>
        %dma_start3A_390 = arith.constant 153600 : i32
        %dma_start3A_391 = tpu.memref_slice %arg2[%dma_start3A_390] : memref<384000xf32, #tpu.memory_space<hbm>> -> memref<30720xf32, #tpu.memory_space<hbm>>
        %dma_start3A_392 = arith.constant 0 : i32
        %dma_start3A_393 = tpu.memref_slice %arg7[%dma_start3A_392] : memref<61440xf32, #tpu.memory_space<vmem>> -> memref<30720xf32, #tpu.memory_space<vmem>>
        %dma_start3A_394 = arith.constant 153600 : i32
        %dma_start3A_395 = tpu.memref_slice %arg2[%dma_start3A_394] : memref<384000xf32, #tpu.memory_space<hbm>> -> memref<30720xf32, #tpu.memory_space<hbm>>
        tpu.enqueue_dma source(%dma_start3A_395 : memref<30720xf32, #tpu.memory_space<hbm>>) target(%dma_start3A_393 : memref<30720xf32, #tpu.memory_space<vmem>>) target_semaphore(%run_scoped3A : memref<!tpu.dma_semaphore, #tpu.memory_space<semaphore_mem>>)
        %dma_wait3A_396 = arith.constant 0 : i32
        %dma_wait3A_397 = tpu.memref_slice %arg7[%dma_wait3A_396] : memref<61440xf32, #tpu.memory_space<vmem>> -> memref<30720xf32, #tpu.memory_space<vmem>>
        %dma_wait3A_398 = arith.constant 153600 : i32
        %dma_wait3A_399 = tpu.memref_slice %arg2[%dma_wait3A_398] : memref<384000xf32, #tpu.memory_space<hbm>> -> memref<30720xf32, #tpu.memory_space<hbm>>
        %dma_wait3A_400 = arith.constant 0 : i32
        %dma_wait3A_401 = tpu.memref_slice %arg7[%dma_wait3A_400] : memref<61440xf32, #tpu.memory_space<vmem>> -> memref<30720xf32, #tpu.memory_space<vmem>>
        %dma_wait3A_402 = arith.constant 153600 : i32
        %dma_wait3A_403 = tpu.memref_slice %arg2[%dma_wait3A_402] : memref<384000xf32, #tpu.memory_space<hbm>> -> memref<30720xf32, #tpu.memory_space<hbm>>
        tpu.wait_dma2 semaphore(%run_scoped3A : memref<!tpu.dma_semaphore, #tpu.memory_space<semaphore_mem>>) src(%dma_wait3A_403 : memref<30720xf32, #tpu.memory_space<hbm>>) dst(%dma_wait3A_401 : memref<30720xf32, #tpu.memory_space<vmem>>)
        tpu.yield
      }) : () -> ()
      "tpu.region"() ({
        %run_scoped3A = tpu.sem_alloc : memref<!tpu.dma_semaphore, #tpu.memory_space<semaphore_mem>>
        %dma_start3A_388 = arith.constant 0 : i32
        %dma_start3A_389 = tpu.memref_slice %arg7[%dma_start3A_388] : memref<61440xf32, #tpu.memory_space<vmem>> -> memref<30720xf32, #tpu.memory_space<vmem>>
        %dma_start3A_390 = arith.constant 153600 : i32
        %dma_start3A_391 = tpu.memref_slice %arg5[%dma_start3A_390] : memref<384000xf32, #tpu.memory_space<vmem_shared>> -> memref<30720xf32, #tpu.memory_space<vmem_shared>>
        %dma_start3A_392 = arith.constant 153600 : i32
        %dma_start3A_393 = tpu.memref_slice %arg5[%dma_start3A_392] : memref<384000xf32, #tpu.memory_space<vmem_shared>> -> memref<30720xf32, #tpu.memory_space<vmem_shared>>
        %dma_start3A_394 = arith.constant 0 : i32
        %dma_start3A_395 = tpu.memref_slice %arg7[%dma_start3A_394] : memref<61440xf32, #tpu.memory_space<vmem>> -> memref<30720xf32, #tpu.memory_space<vmem>>
        tpu.enqueue_dma source(%dma_start3A_395 : memref<30720xf32, #tpu.memory_space<vmem>>) target(%dma_start3A_393 : memref<30720xf32, #tpu.memory_space<vmem_shared>>) target_semaphore(%run_scoped3A : memref<!tpu.dma_semaphore, #tpu.memory_space<semaphore_mem>>)
        %dma_wait3A_396 = arith.constant 0 : i32
        %dma_wait3A_397 = tpu.memref_slice %arg7[%dma_wait3A_396] : memref<61440xf32, #tpu.memory_space<vmem>> -> memref<30720xf32, #tpu.memory_space<vmem>>
        %dma_wait3A_398 = arith.constant 153600 : i32
        %dma_wait3A_399 = tpu.memref_slice %arg5[%dma_wait3A_398] : memref<384000xf32, #tpu.memory_space<vmem_shared>> -> memref<30720xf32, #tpu.memory_space<vmem_shared>>
        %dma_wait3A_400 = arith.constant 153600 : i32
        %dma_wait3A_401 = tpu.memref_slice %arg5[%dma_wait3A_400] : memref<384000xf32, #tpu.memory_space<vmem_shared>> -> memref<30720xf32, #tpu.memory_space<vmem_shared>>
        %dma_wait3A_402 = arith.constant 0 : i32
        %dma_wait3A_403 = tpu.memref_slice %arg7[%dma_wait3A_402] : memref<61440xf32, #tpu.memory_space<vmem>> -> memref<30720xf32, #tpu.memory_space<vmem>>
        tpu.wait_dma2 semaphore(%run_scoped3A : memref<!tpu.dma_semaphore, #tpu.memory_space<semaphore_mem>>) src(%dma_wait3A_403 : memref<30720xf32, #tpu.memory_space<vmem>>) dst(%dma_wait3A_401 : memref<30720xf32, #tpu.memory_space<vmem_shared>>)
        tpu.yield
      }) : () -> ()
    } else {
    }
    %eq3A_32 = arith.constant 6 : i32
    %eq3A_33 = arith.cmpi eq, %arg1, %eq3A_32 : i32
    %convert_element_type3A_34 = arith.extui %eq3A_33 : i1 to i32
    %cond3A_35 = arith.constant 0 : i32
    %cond3A_36 = arith.cmpi ne, %convert_element_type3A_34, %cond3A_35 : i32
    scf.if %cond3A_36 {
      "tpu.region"() ({
        %run_scoped3A = tpu.sem_alloc : memref<!tpu.dma_semaphore, #tpu.memory_space<semaphore_mem>>
        %dma_start3A_388 = arith.constant 0 : i32
        %dma_start3A_389 = tpu.memref_slice %arg7[%dma_start3A_388] : memref<61440xf32, #tpu.memory_space<vmem>> -> memref<30720xf32, #tpu.memory_space<vmem>>
        %dma_start3A_390 = arith.constant 184320 : i32
        %dma_start3A_391 = tpu.memref_slice %arg2[%dma_start3A_390] : memref<384000xf32, #tpu.memory_space<hbm>> -> memref<30720xf32, #tpu.memory_space<hbm>>
        %dma_start3A_392 = arith.constant 0 : i32
        %dma_start3A_393 = tpu.memref_slice %arg7[%dma_start3A_392] : memref<61440xf32, #tpu.memory_space<vmem>> -> memref<30720xf32, #tpu.memory_space<vmem>>
        %dma_start3A_394 = arith.constant 184320 : i32
        %dma_start3A_395 = tpu.memref_slice %arg2[%dma_start3A_394] : memref<384000xf32, #tpu.memory_space<hbm>> -> memref<30720xf32, #tpu.memory_space<hbm>>
        tpu.enqueue_dma source(%dma_start3A_395 : memref<30720xf32, #tpu.memory_space<hbm>>) target(%dma_start3A_393 : memref<30720xf32, #tpu.memory_space<vmem>>) target_semaphore(%run_scoped3A : memref<!tpu.dma_semaphore, #tpu.memory_space<semaphore_mem>>)
        %dma_wait3A_396 = arith.constant 0 : i32
        %dma_wait3A_397 = tpu.memref_slice %arg7[%dma_wait3A_396] : memref<61440xf32, #tpu.memory_space<vmem>> -> memref<30720xf32, #tpu.memory_space<vmem>>
        %dma_wait3A_398 = arith.constant 184320 : i32
        %dma_wait3A_399 = tpu.memref_slice %arg2[%dma_wait3A_398] : memref<384000xf32, #tpu.memory_space<hbm>> -> memref<30720xf32, #tpu.memory_space<hbm>>
        %dma_wait3A_400 = arith.constant 0 : i32
        %dma_wait3A_401 = tpu.memref_slice %arg7[%dma_wait3A_400] : memref<61440xf32, #tpu.memory_space<vmem>> -> memref<30720xf32, #tpu.memory_space<vmem>>
        %dma_wait3A_402 = arith.constant 184320 : i32
        %dma_wait3A_403 = tpu.memref_slice %arg2[%dma_wait3A_402] : memref<384000xf32, #tpu.memory_space<hbm>> -> memref<30720xf32, #tpu.memory_space<hbm>>
        tpu.wait_dma2 semaphore(%run_scoped3A : memref<!tpu.dma_semaphore, #tpu.memory_space<semaphore_mem>>) src(%dma_wait3A_403 : memref<30720xf32, #tpu.memory_space<hbm>>) dst(%dma_wait3A_401 : memref<30720xf32, #tpu.memory_space<vmem>>)
        tpu.yield
      }) : () -> ()
      "tpu.region"() ({
        %run_scoped3A = tpu.sem_alloc : memref<!tpu.dma_semaphore, #tpu.memory_space<semaphore_mem>>
        %dma_start3A_388 = arith.constant 0 : i32
        %dma_start3A_389 = tpu.memref_slice %arg7[%dma_start3A_388] : memref<61440xf32, #tpu.memory_space<vmem>> -> memref<30720xf32, #tpu.memory_space<vmem>>
        %dma_start3A_390 = arith.constant 184320 : i32
        %dma_start3A_391 = tpu.memref_slice %arg5[%dma_start3A_390] : memref<384000xf32, #tpu.memory_space<vmem_shared>> -> memref<30720xf32, #tpu.memory_space<vmem_shared>>
        %dma_start3A_392 = arith.constant 184320 : i32
        %dma_start3A_393 = tpu.memref_slice %arg5[%dma_start3A_392] : memref<384000xf32, #tpu.memory_space<vmem_shared>> -> memref<30720xf32, #tpu.memory_space<vmem_shared>>
        %dma_start3A_394 = arith.constant 0 : i32
        %dma_start3A_395 = tpu.memref_slice %arg7[%dma_start3A_394] : memref<61440xf32, #tpu.memory_space<vmem>> -> memref<30720xf32, #tpu.memory_space<vmem>>
        tpu.enqueue_dma source(%dma_start3A_395 : memref<30720xf32, #tpu.memory_space<vmem>>) target(%dma_start3A_393 : memref<30720xf32, #tpu.memory_space<vmem_shared>>) target_semaphore(%run_scoped3A : memref<!tpu.dma_semaphore, #tpu.memory_space<semaphore_mem>>)
        %dma_wait3A_396 = arith.constant 0 : i32
        %dma_wait3A_397 = tpu.memref_slice %arg7[%dma_wait3A_396] : memref<61440xf32, #tpu.memory_space<vmem>> -> memref<30720xf32, #tpu.memory_space<vmem>>
        %dma_wait3A_398 = arith.constant 184320 : i32
        %dma_wait3A_399 = tpu.memref_slice %arg5[%dma_wait3A_398] : memref<384000xf32, #tpu.memory_space<vmem_shared>> -> memref<30720xf32, #tpu.memory_space<vmem_shared>>
        %dma_wait3A_400 = arith.constant 184320 : i32
        %dma_wait3A_401 = tpu.memref_slice %arg5[%dma_wait3A_400] : memref<384000xf32, #tpu.memory_space<vmem_shared>> -> memref<30720xf32, #tpu.memory_space<vmem_shared>>
        %dma_wait3A_402 = arith.constant 0 : i32
        %dma_wait3A_403 = tpu.memref_slice %arg7[%dma_wait3A_402] : memref<61440xf32, #tpu.memory_space<vmem>> -> memref<30720xf32, #tpu.memory_space<vmem>>
        tpu.wait_dma2 semaphore(%run_scoped3A : memref<!tpu.dma_semaphore, #tpu.memory_space<semaphore_mem>>) src(%dma_wait3A_403 : memref<30720xf32, #tpu.memory_space<vmem>>) dst(%dma_wait3A_401 : memref<30720xf32, #tpu.memory_space<vmem_shared>>)
        tpu.yield
      }) : () -> ()
    } else {
    }
    %eq3A_37 = arith.constant 7 : i32
    %eq3A_38 = arith.cmpi eq, %arg1, %eq3A_37 : i32
    %convert_element_type3A_39 = arith.extui %eq3A_38 : i1 to i32
    %cond3A_40 = arith.constant 0 : i32
    %cond3A_41 = arith.cmpi ne, %convert_element_type3A_39, %cond3A_40 : i32
    scf.if %cond3A_41 {
      "tpu.region"() ({
        %run_scoped3A = tpu.sem_alloc : memref<!tpu.dma_semaphore, #tpu.memory_space<semaphore_mem>>
        %dma_start3A_388 = arith.constant 0 : i32
        %dma_start3A_389 = tpu.memref_slice %arg7[%dma_start3A_388] : memref<61440xf32, #tpu.memory_space<vmem>> -> memref<30720xf32, #tpu.memory_space<vmem>>
        %dma_start3A_390 = arith.constant 215040 : i32
        %dma_start3A_391 = tpu.memref_slice %arg2[%dma_start3A_390] : memref<384000xf32, #tpu.memory_space<hbm>> -> memref<30720xf32, #tpu.memory_space<hbm>>
        %dma_start3A_392 = arith.constant 0 : i32
        %dma_start3A_393 = tpu.memref_slice %arg7[%dma_start3A_392] : memref<61440xf32, #tpu.memory_space<vmem>> -> memref<30720xf32, #tpu.memory_space<vmem>>
        %dma_start3A_394 = arith.constant 215040 : i32
        %dma_start3A_395 = tpu.memref_slice %arg2[%dma_start3A_394] : memref<384000xf32, #tpu.memory_space<hbm>> -> memref<30720xf32, #tpu.memory_space<hbm>>
        tpu.enqueue_dma source(%dma_start3A_395 : memref<30720xf32, #tpu.memory_space<hbm>>) target(%dma_start3A_393 : memref<30720xf32, #tpu.memory_space<vmem>>) target_semaphore(%run_scoped3A : memref<!tpu.dma_semaphore, #tpu.memory_space<semaphore_mem>>)
        %dma_wait3A_396 = arith.constant 0 : i32
        %dma_wait3A_397 = tpu.memref_slice %arg7[%dma_wait3A_396] : memref<61440xf32, #tpu.memory_space<vmem>> -> memref<30720xf32, #tpu.memory_space<vmem>>
        %dma_wait3A_398 = arith.constant 215040 : i32
        %dma_wait3A_399 = tpu.memref_slice %arg2[%dma_wait3A_398] : memref<384000xf32, #tpu.memory_space<hbm>> -> memref<30720xf32, #tpu.memory_space<hbm>>
        %dma_wait3A_400 = arith.constant 0 : i32
        %dma_wait3A_401 = tpu.memref_slice %arg7[%dma_wait3A_400] : memref<61440xf32, #tpu.memory_space<vmem>> -> memref<30720xf32, #tpu.memory_space<vmem>>
        %dma_wait3A_402 = arith.constant 215040 : i32
        %dma_wait3A_403 = tpu.memref_slice %arg2[%dma_wait3A_402] : memref<384000xf32, #tpu.memory_space<hbm>> -> memref<30720xf32, #tpu.memory_space<hbm>>
        tpu.wait_dma2 semaphore(%run_scoped3A : memref<!tpu.dma_semaphore, #tpu.memory_space<semaphore_mem>>) src(%dma_wait3A_403 : memref<30720xf32, #tpu.memory_space<hbm>>) dst(%dma_wait3A_401 : memref<30720xf32, #tpu.memory_space<vmem>>)
        tpu.yield
      }) : () -> ()
      "tpu.region"() ({
        %run_scoped3A = tpu.sem_alloc : memref<!tpu.dma_semaphore, #tpu.memory_space<semaphore_mem>>
        %dma_start3A_388 = arith.constant 0 : i32
        %dma_start3A_389 = tpu.memref_slice %arg7[%dma_start3A_388] : memref<61440xf32, #tpu.memory_space<vmem>> -> memref<30720xf32, #tpu.memory_space<vmem>>
        %dma_start3A_390 = arith.constant 215040 : i32
        %dma_start3A_391 = tpu.memref_slice %arg5[%dma_start3A_390] : memref<384000xf32, #tpu.memory_space<vmem_shared>> -> memref<30720xf32, #tpu.memory_space<vmem_shared>>
        %dma_start3A_392 = arith.constant 215040 : i32
        %dma_start3A_393 = tpu.memref_slice %arg5[%dma_start3A_392] : memref<384000xf32, #tpu.memory_space<vmem_shared>> -> memref<30720xf32, #tpu.memory_space<vmem_shared>>
        %dma_start3A_394 = arith.constant 0 : i32
        %dma_start3A_395 = tpu.memref_slice %arg7[%dma_start3A_394] : memref<61440xf32, #tpu.memory_space<vmem>> -> memref<30720xf32, #tpu.memory_space<vmem>>
        tpu.enqueue_dma source(%dma_start3A_395 : memref<30720xf32, #tpu.memory_space<vmem>>) target(%dma_start3A_393 : memref<30720xf32, #tpu.memory_space<vmem_shared>>) target_semaphore(%run_scoped3A : memref<!tpu.dma_semaphore, #tpu.memory_space<semaphore_mem>>)
        %dma_wait3A_396 = arith.constant 0 : i32
        %dma_wait3A_397 = tpu.memref_slice %arg7[%dma_wait3A_396] : memref<61440xf32, #tpu.memory_space<vmem>> -> memref<30720xf32, #tpu.memory_space<vmem>>
        %dma_wait3A_398 = arith.constant 215040 : i32
        %dma_wait3A_399 = tpu.memref_slice %arg5[%dma_wait3A_398] : memref<384000xf32, #tpu.memory_space<vmem_shared>> -> memref<30720xf32, #tpu.memory_space<vmem_shared>>
        %dma_wait3A_400 = arith.constant 215040 : i32
        %dma_wait3A_401 = tpu.memref_slice %arg5[%dma_wait3A_400] : memref<384000xf32, #tpu.memory_space<vmem_shared>> -> memref<30720xf32, #tpu.memory_space<vmem_shared>>
        %dma_wait3A_402 = arith.constant 0 : i32
        %dma_wait3A_403 = tpu.memref_slice %arg7[%dma_wait3A_402] : memref<61440xf32, #tpu.memory_space<vmem>> -> memref<30720xf32, #tpu.memory_space<vmem>>
        tpu.wait_dma2 semaphore(%run_scoped3A : memref<!tpu.dma_semaphore, #tpu.memory_space<semaphore_mem>>) src(%dma_wait3A_403 : memref<30720xf32, #tpu.memory_space<vmem>>) dst(%dma_wait3A_401 : memref<30720xf32, #tpu.memory_space<vmem_shared>>)
        tpu.yield
      }) : () -> ()
    } else {
    }
    %eq3A_42 = arith.constant 8 : i32
    %eq3A_43 = arith.cmpi eq, %arg1, %eq3A_42 : i32
    %convert_element_type3A_44 = arith.extui %eq3A_43 : i1 to i32
    %cond3A_45 = arith.constant 0 : i32
    %cond3A_46 = arith.cmpi ne, %convert_element_type3A_44, %cond3A_45 : i32
    scf.if %cond3A_46 {
      "tpu.region"() ({
        %run_scoped3A = tpu.sem_alloc : memref<!tpu.dma_semaphore, #tpu.memory_space<semaphore_mem>>
        %dma_start3A_388 = arith.constant 0 : i32
        %dma_start3A_389 = tpu.memref_slice %arg7[%dma_start3A_388] : memref<61440xf32, #tpu.memory_space<vmem>> -> memref<30720xf32, #tpu.memory_space<vmem>>
        %dma_start3A_390 = arith.constant 245760 : i32
        %dma_start3A_391 = tpu.memref_slice %arg2[%dma_start3A_390] : memref<384000xf32, #tpu.memory_space<hbm>> -> memref<30720xf32, #tpu.memory_space<hbm>>
        %dma_start3A_392 = arith.constant 0 : i32
        %dma_start3A_393 = tpu.memref_slice %arg7[%dma_start3A_392] : memref<61440xf32, #tpu.memory_space<vmem>> -> memref<30720xf32, #tpu.memory_space<vmem>>
        %dma_start3A_394 = arith.constant 245760 : i32
        %dma_start3A_395 = tpu.memref_slice %arg2[%dma_start3A_394] : memref<384000xf32, #tpu.memory_space<hbm>> -> memref<30720xf32, #tpu.memory_space<hbm>>
        tpu.enqueue_dma source(%dma_start3A_395 : memref<30720xf32, #tpu.memory_space<hbm>>) target(%dma_start3A_393 : memref<30720xf32, #tpu.memory_space<vmem>>) target_semaphore(%run_scoped3A : memref<!tpu.dma_semaphore, #tpu.memory_space<semaphore_mem>>)
        %dma_wait3A_396 = arith.constant 0 : i32
        %dma_wait3A_397 = tpu.memref_slice %arg7[%dma_wait3A_396] : memref<61440xf32, #tpu.memory_space<vmem>> -> memref<30720xf32, #tpu.memory_space<vmem>>
        %dma_wait3A_398 = arith.constant 245760 : i32
        %dma_wait3A_399 = tpu.memref_slice %arg2[%dma_wait3A_398] : memref<384000xf32, #tpu.memory_space<hbm>> -> memref<30720xf32, #tpu.memory_space<hbm>>
        %dma_wait3A_400 = arith.constant 0 : i32
        %dma_wait3A_401 = tpu.memref_slice %arg7[%dma_wait3A_400] : memref<61440xf32, #tpu.memory_space<vmem>> -> memref<30720xf32, #tpu.memory_space<vmem>>
        %dma_wait3A_402 = arith.constant 245760 : i32
        %dma_wait3A_403 = tpu.memref_slice %arg2[%dma_wait3A_402] : memref<384000xf32, #tpu.memory_space<hbm>> -> memref<30720xf32, #tpu.memory_space<hbm>>
        tpu.wait_dma2 semaphore(%run_scoped3A : memref<!tpu.dma_semaphore, #tpu.memory_space<semaphore_mem>>) src(%dma_wait3A_403 : memref<30720xf32, #tpu.memory_space<hbm>>) dst(%dma_wait3A_401 : memref<30720xf32, #tpu.memory_space<vmem>>)
        tpu.yield
      }) : () -> ()
      "tpu.region"() ({
        %run_scoped3A = tpu.sem_alloc : memref<!tpu.dma_semaphore, #tpu.memory_space<semaphore_mem>>
        %dma_start3A_388 = arith.constant 0 : i32
        %dma_start3A_389 = tpu.memref_slice %arg7[%dma_start3A_388] : memref<61440xf32, #tpu.memory_space<vmem>> -> memref<30720xf32, #tpu.memory_space<vmem>>
        %dma_start3A_390 = arith.constant 245760 : i32
        %dma_start3A_391 = tpu.memref_slice %arg5[%dma_start3A_390] : memref<384000xf32, #tpu.memory_space<vmem_shared>> -> memref<30720xf32, #tpu.memory_space<vmem_shared>>
        %dma_start3A_392 = arith.constant 245760 : i32
        %dma_start3A_393 = tpu.memref_slice %arg5[%dma_start3A_392] : memref<384000xf32, #tpu.memory_space<vmem_shared>> -> memref<30720xf32, #tpu.memory_space<vmem_shared>>
        %dma_start3A_394 = arith.constant 0 : i32
        %dma_start3A_395 = tpu.memref_slice %arg7[%dma_start3A_394] : memref<61440xf32, #tpu.memory_space<vmem>> -> memref<30720xf32, #tpu.memory_space<vmem>>
        tpu.enqueue_dma source(%dma_start3A_395 : memref<30720xf32, #tpu.memory_space<vmem>>) target(%dma_start3A_393 : memref<30720xf32, #tpu.memory_space<vmem_shared>>) target_semaphore(%run_scoped3A : memref<!tpu.dma_semaphore, #tpu.memory_space<semaphore_mem>>)
        %dma_wait3A_396 = arith.constant 0 : i32
        %dma_wait3A_397 = tpu.memref_slice %arg7[%dma_wait3A_396] : memref<61440xf32, #tpu.memory_space<vmem>> -> memref<30720xf32, #tpu.memory_space<vmem>>
        %dma_wait3A_398 = arith.constant 245760 : i32
        %dma_wait3A_399 = tpu.memref_slice %arg5[%dma_wait3A_398] : memref<384000xf32, #tpu.memory_space<vmem_shared>> -> memref<30720xf32, #tpu.memory_space<vmem_shared>>
        %dma_wait3A_400 = arith.constant 245760 : i32
        %dma_wait3A_401 = tpu.memref_slice %arg5[%dma_wait3A_400] : memref<384000xf32, #tpu.memory_space<vmem_shared>> -> memref<30720xf32, #tpu.memory_space<vmem_shared>>
        %dma_wait3A_402 = arith.constant 0 : i32
        %dma_wait3A_403 = tpu.memref_slice %arg7[%dma_wait3A_402] : memref<61440xf32, #tpu.memory_space<vmem>> -> memref<30720xf32, #tpu.memory_space<vmem>>
        tpu.wait_dma2 semaphore(%run_scoped3A : memref<!tpu.dma_semaphore, #tpu.memory_space<semaphore_mem>>) src(%dma_wait3A_403 : memref<30720xf32, #tpu.memory_space<vmem>>) dst(%dma_wait3A_401 : memref<30720xf32, #tpu.memory_space<vmem_shared>>)
        tpu.yield
      }) : () -> ()
    } else {
    }
    %eq3A_47 = arith.constant 9 : i32
    %eq3A_48 = arith.cmpi eq, %arg1, %eq3A_47 : i32
    %convert_element_type3A_49 = arith.extui %eq3A_48 : i1 to i32
    %cond3A_50 = arith.constant 0 : i32
    %cond3A_51 = arith.cmpi ne, %convert_element_type3A_49, %cond3A_50 : i32
    scf.if %cond3A_51 {
      "tpu.region"() ({
        %run_scoped3A = tpu.sem_alloc : memref<!tpu.dma_semaphore, #tpu.memory_space<semaphore_mem>>
        %dma_start3A_388 = arith.constant 0 : i32
        %dma_start3A_389 = tpu.memref_slice %arg7[%dma_start3A_388] : memref<61440xf32, #tpu.memory_space<vmem>> -> memref<30720xf32, #tpu.memory_space<vmem>>
        %dma_start3A_390 = arith.constant 276480 : i32
        %dma_start3A_391 = tpu.memref_slice %arg2[%dma_start3A_390] : memref<384000xf32, #tpu.memory_space<hbm>> -> memref<30720xf32, #tpu.memory_space<hbm>>
        %dma_start3A_392 = arith.constant 0 : i32
        %dma_start3A_393 = tpu.memref_slice %arg7[%dma_start3A_392] : memref<61440xf32, #tpu.memory_space<vmem>> -> memref<30720xf32, #tpu.memory_space<vmem>>
        %dma_start3A_394 = arith.constant 276480 : i32
        %dma_start3A_395 = tpu.memref_slice %arg2[%dma_start3A_394] : memref<384000xf32, #tpu.memory_space<hbm>> -> memref<30720xf32, #tpu.memory_space<hbm>>
        tpu.enqueue_dma source(%dma_start3A_395 : memref<30720xf32, #tpu.memory_space<hbm>>) target(%dma_start3A_393 : memref<30720xf32, #tpu.memory_space<vmem>>) target_semaphore(%run_scoped3A : memref<!tpu.dma_semaphore, #tpu.memory_space<semaphore_mem>>)
        %dma_wait3A_396 = arith.constant 0 : i32
        %dma_wait3A_397 = tpu.memref_slice %arg7[%dma_wait3A_396] : memref<61440xf32, #tpu.memory_space<vmem>> -> memref<30720xf32, #tpu.memory_space<vmem>>
        %dma_wait3A_398 = arith.constant 276480 : i32
        %dma_wait3A_399 = tpu.memref_slice %arg2[%dma_wait3A_398] : memref<384000xf32, #tpu.memory_space<hbm>> -> memref<30720xf32, #tpu.memory_space<hbm>>
        %dma_wait3A_400 = arith.constant 0 : i32
        %dma_wait3A_401 = tpu.memref_slice %arg7[%dma_wait3A_400] : memref<61440xf32, #tpu.memory_space<vmem>> -> memref<30720xf32, #tpu.memory_space<vmem>>
        %dma_wait3A_402 = arith.constant 276480 : i32
        %dma_wait3A_403 = tpu.memref_slice %arg2[%dma_wait3A_402] : memref<384000xf32, #tpu.memory_space<hbm>> -> memref<30720xf32, #tpu.memory_space<hbm>>
        tpu.wait_dma2 semaphore(%run_scoped3A : memref<!tpu.dma_semaphore, #tpu.memory_space<semaphore_mem>>) src(%dma_wait3A_403 : memref<30720xf32, #tpu.memory_space<hbm>>) dst(%dma_wait3A_401 : memref<30720xf32, #tpu.memory_space<vmem>>)
        tpu.yield
      }) : () -> ()
      "tpu.region"() ({
        %run_scoped3A = tpu.sem_alloc : memref<!tpu.dma_semaphore, #tpu.memory_space<semaphore_mem>>
        %dma_start3A_388 = arith.constant 0 : i32
        %dma_start3A_389 = tpu.memref_slice %arg7[%dma_start3A_388] : memref<61440xf32, #tpu.memory_space<vmem>> -> memref<30720xf32, #tpu.memory_space<vmem>>
        %dma_start3A_390 = arith.constant 276480 : i32
        %dma_start3A_391 = tpu.memref_slice %arg5[%dma_start3A_390] : memref<384000xf32, #tpu.memory_space<vmem_shared>> -> memref<30720xf32, #tpu.memory_space<vmem_shared>>
        %dma_start3A_392 = arith.constant 276480 : i32
        %dma_start3A_393 = tpu.memref_slice %arg5[%dma_start3A_392] : memref<384000xf32, #tpu.memory_space<vmem_shared>> -> memref<30720xf32, #tpu.memory_space<vmem_shared>>
        %dma_start3A_394 = arith.constant 0 : i32
        %dma_start3A_395 = tpu.memref_slice %arg7[%dma_start3A_394] : memref<61440xf32, #tpu.memory_space<vmem>> -> memref<30720xf32, #tpu.memory_space<vmem>>
        tpu.enqueue_dma source(%dma_start3A_395 : memref<30720xf32, #tpu.memory_space<vmem>>) target(%dma_start3A_393 : memref<30720xf32, #tpu.memory_space<vmem_shared>>) target_semaphore(%run_scoped3A : memref<!tpu.dma_semaphore, #tpu.memory_space<semaphore_mem>>)
        %dma_wait3A_396 = arith.constant 0 : i32
        %dma_wait3A_397 = tpu.memref_slice %arg7[%dma_wait3A_396] : memref<61440xf32, #tpu.memory_space<vmem>> -> memref<30720xf32, #tpu.memory_space<vmem>>
        %dma_wait3A_398 = arith.constant 276480 : i32
        %dma_wait3A_399 = tpu.memref_slice %arg5[%dma_wait3A_398] : memref<384000xf32, #tpu.memory_space<vmem_shared>> -> memref<30720xf32, #tpu.memory_space<vmem_shared>>
        %dma_wait3A_400 = arith.constant 276480 : i32
        %dma_wait3A_401 = tpu.memref_slice %arg5[%dma_wait3A_400] : memref<384000xf32, #tpu.memory_space<vmem_shared>> -> memref<30720xf32, #tpu.memory_space<vmem_shared>>
        %dma_wait3A_402 = arith.constant 0 : i32
        %dma_wait3A_403 = tpu.memref_slice %arg7[%dma_wait3A_402] : memref<61440xf32, #tpu.memory_space<vmem>> -> memref<30720xf32, #tpu.memory_space<vmem>>
        tpu.wait_dma2 semaphore(%run_scoped3A : memref<!tpu.dma_semaphore, #tpu.memory_space<semaphore_mem>>) src(%dma_wait3A_403 : memref<30720xf32, #tpu.memory_space<vmem>>) dst(%dma_wait3A_401 : memref<30720xf32, #tpu.memory_space<vmem_shared>>)
        tpu.yield
      }) : () -> ()
    } else {
    }
    %eq3A_52 = arith.constant 10 : i32
    %eq3A_53 = arith.cmpi eq, %arg1, %eq3A_52 : i32
    %convert_element_type3A_54 = arith.extui %eq3A_53 : i1 to i32
    %cond3A_55 = arith.constant 0 : i32
    %cond3A_56 = arith.cmpi ne, %convert_element_type3A_54, %cond3A_55 : i32
    scf.if %cond3A_56 {
      "tpu.region"() ({
        %run_scoped3A = tpu.sem_alloc : memref<!tpu.dma_semaphore, #tpu.memory_space<semaphore_mem>>
        %dma_start3A_388 = arith.constant 0 : i32
        %dma_start3A_389 = tpu.memref_slice %arg7[%dma_start3A_388] : memref<61440xf32, #tpu.memory_space<vmem>> -> memref<30720xf32, #tpu.memory_space<vmem>>
        %dma_start3A_390 = arith.constant 307200 : i32
        %dma_start3A_391 = tpu.memref_slice %arg2[%dma_start3A_390] : memref<384000xf32, #tpu.memory_space<hbm>> -> memref<30720xf32, #tpu.memory_space<hbm>>
        %dma_start3A_392 = arith.constant 0 : i32
        %dma_start3A_393 = tpu.memref_slice %arg7[%dma_start3A_392] : memref<61440xf32, #tpu.memory_space<vmem>> -> memref<30720xf32, #tpu.memory_space<vmem>>
        %dma_start3A_394 = arith.constant 307200 : i32
        %dma_start3A_395 = tpu.memref_slice %arg2[%dma_start3A_394] : memref<384000xf32, #tpu.memory_space<hbm>> -> memref<30720xf32, #tpu.memory_space<hbm>>
        tpu.enqueue_dma source(%dma_start3A_395 : memref<30720xf32, #tpu.memory_space<hbm>>) target(%dma_start3A_393 : memref<30720xf32, #tpu.memory_space<vmem>>) target_semaphore(%run_scoped3A : memref<!tpu.dma_semaphore, #tpu.memory_space<semaphore_mem>>)
        %dma_wait3A_396 = arith.constant 0 : i32
        %dma_wait3A_397 = tpu.memref_slice %arg7[%dma_wait3A_396] : memref<61440xf32, #tpu.memory_space<vmem>> -> memref<30720xf32, #tpu.memory_space<vmem>>
        %dma_wait3A_398 = arith.constant 307200 : i32
        %dma_wait3A_399 = tpu.memref_slice %arg2[%dma_wait3A_398] : memref<384000xf32, #tpu.memory_space<hbm>> -> memref<30720xf32, #tpu.memory_space<hbm>>
        %dma_wait3A_400 = arith.constant 0 : i32
        %dma_wait3A_401 = tpu.memref_slice %arg7[%dma_wait3A_400] : memref<61440xf32, #tpu.memory_space<vmem>> -> memref<30720xf32, #tpu.memory_space<vmem>>
        %dma_wait3A_402 = arith.constant 307200 : i32
        %dma_wait3A_403 = tpu.memref_slice %arg2[%dma_wait3A_402] : memref<384000xf32, #tpu.memory_space<hbm>> -> memref<30720xf32, #tpu.memory_space<hbm>>
        tpu.wait_dma2 semaphore(%run_scoped3A : memref<!tpu.dma_semaphore, #tpu.memory_space<semaphore_mem>>) src(%dma_wait3A_403 : memref<30720xf32, #tpu.memory_space<hbm>>) dst(%dma_wait3A_401 : memref<30720xf32, #tpu.memory_space<vmem>>)
        tpu.yield
      }) : () -> ()
      "tpu.region"() ({
        %run_scoped3A = tpu.sem_alloc : memref<!tpu.dma_semaphore, #tpu.memory_space<semaphore_mem>>
        %dma_start3A_388 = arith.constant 0 : i32
        %dma_start3A_389 = tpu.memref_slice %arg7[%dma_start3A_388] : memref<61440xf32, #tpu.memory_space<vmem>> -> memref<30720xf32, #tpu.memory_space<vmem>>
        %dma_start3A_390 = arith.constant 307200 : i32
        %dma_start3A_391 = tpu.memref_slice %arg5[%dma_start3A_390] : memref<384000xf32, #tpu.memory_space<vmem_shared>> -> memref<30720xf32, #tpu.memory_space<vmem_shared>>
        %dma_start3A_392 = arith.constant 307200 : i32
        %dma_start3A_393 = tpu.memref_slice %arg5[%dma_start3A_392] : memref<384000xf32, #tpu.memory_space<vmem_shared>> -> memref<30720xf32, #tpu.memory_space<vmem_shared>>
        %dma_start3A_394 = arith.constant 0 : i32
        %dma_start3A_395 = tpu.memref_slice %arg7[%dma_start3A_394] : memref<61440xf32, #tpu.memory_space<vmem>> -> memref<30720xf32, #tpu.memory_space<vmem>>
        tpu.enqueue_dma source(%dma_start3A_395 : memref<30720xf32, #tpu.memory_space<vmem>>) target(%dma_start3A_393 : memref<30720xf32, #tpu.memory_space<vmem_shared>>) target_semaphore(%run_scoped3A : memref<!tpu.dma_semaphore, #tpu.memory_space<semaphore_mem>>)
        %dma_wait3A_396 = arith.constant 0 : i32
        %dma_wait3A_397 = tpu.memref_slice %arg7[%dma_wait3A_396] : memref<61440xf32, #tpu.memory_space<vmem>> -> memref<30720xf32, #tpu.memory_space<vmem>>
        %dma_wait3A_398 = arith.constant 307200 : i32
        %dma_wait3A_399 = tpu.memref_slice %arg5[%dma_wait3A_398] : memref<384000xf32, #tpu.memory_space<vmem_shared>> -> memref<30720xf32, #tpu.memory_space<vmem_shared>>
        %dma_wait3A_400 = arith.constant 307200 : i32
        %dma_wait3A_401 = tpu.memref_slice %arg5[%dma_wait3A_400] : memref<384000xf32, #tpu.memory_space<vmem_shared>> -> memref<30720xf32, #tpu.memory_space<vmem_shared>>
        %dma_wait3A_402 = arith.constant 0 : i32
        %dma_wait3A_403 = tpu.memref_slice %arg7[%dma_wait3A_402] : memref<61440xf32, #tpu.memory_space<vmem>> -> memref<30720xf32, #tpu.memory_space<vmem>>
        tpu.wait_dma2 semaphore(%run_scoped3A : memref<!tpu.dma_semaphore, #tpu.memory_space<semaphore_mem>>) src(%dma_wait3A_403 : memref<30720xf32, #tpu.memory_space<vmem>>) dst(%dma_wait3A_401 : memref<30720xf32, #tpu.memory_space<vmem_shared>>)
        tpu.yield
      }) : () -> ()
    } else {
    }
    %eq3A_57 = arith.constant 11 : i32
    %eq3A_58 = arith.cmpi eq, %arg1, %eq3A_57 : i32
    %convert_element_type3A_59 = arith.extui %eq3A_58 : i1 to i32
    %cond3A_60 = arith.constant 0 : i32
    %cond3A_61 = arith.cmpi ne, %convert_element_type3A_59, %cond3A_60 : i32
    scf.if %cond3A_61 {
      "tpu.region"() ({
        %run_scoped3A = tpu.sem_alloc : memref<!tpu.dma_semaphore, #tpu.memory_space<semaphore_mem>>
        %dma_start3A_388 = arith.constant 0 : i32
        %dma_start3A_389 = tpu.memref_slice %arg7[%dma_start3A_388] : memref<61440xf32, #tpu.memory_space<vmem>> -> memref<30720xf32, #tpu.memory_space<vmem>>
        %dma_start3A_390 = arith.constant 337920 : i32
        %dma_start3A_391 = tpu.memref_slice %arg2[%dma_start3A_390] : memref<384000xf32, #tpu.memory_space<hbm>> -> memref<30720xf32, #tpu.memory_space<hbm>>
        %dma_start3A_392 = arith.constant 0 : i32
        %dma_start3A_393 = tpu.memref_slice %arg7[%dma_start3A_392] : memref<61440xf32, #tpu.memory_space<vmem>> -> memref<30720xf32, #tpu.memory_space<vmem>>
        %dma_start3A_394 = arith.constant 337920 : i32
        %dma_start3A_395 = tpu.memref_slice %arg2[%dma_start3A_394] : memref<384000xf32, #tpu.memory_space<hbm>> -> memref<30720xf32, #tpu.memory_space<hbm>>
        tpu.enqueue_dma source(%dma_start3A_395 : memref<30720xf32, #tpu.memory_space<hbm>>) target(%dma_start3A_393 : memref<30720xf32, #tpu.memory_space<vmem>>) target_semaphore(%run_scoped3A : memref<!tpu.dma_semaphore, #tpu.memory_space<semaphore_mem>>)
        %dma_wait3A_396 = arith.constant 0 : i32
        %dma_wait3A_397 = tpu.memref_slice %arg7[%dma_wait3A_396] : memref<61440xf32, #tpu.memory_space<vmem>> -> memref<30720xf32, #tpu.memory_space<vmem>>
        %dma_wait3A_398 = arith.constant 337920 : i32
        %dma_wait3A_399 = tpu.memref_slice %arg2[%dma_wait3A_398] : memref<384000xf32, #tpu.memory_space<hbm>> -> memref<30720xf32, #tpu.memory_space<hbm>>
        %dma_wait3A_400 = arith.constant 0 : i32
        %dma_wait3A_401 = tpu.memref_slice %arg7[%dma_wait3A_400] : memref<61440xf32, #tpu.memory_space<vmem>> -> memref<30720xf32, #tpu.memory_space<vmem>>
        %dma_wait3A_402 = arith.constant 337920 : i32
        %dma_wait3A_403 = tpu.memref_slice %arg2[%dma_wait3A_402] : memref<384000xf32, #tpu.memory_space<hbm>> -> memref<30720xf32, #tpu.memory_space<hbm>>
        tpu.wait_dma2 semaphore(%run_scoped3A : memref<!tpu.dma_semaphore, #tpu.memory_space<semaphore_mem>>) src(%dma_wait3A_403 : memref<30720xf32, #tpu.memory_space<hbm>>) dst(%dma_wait3A_401 : memref<30720xf32, #tpu.memory_space<vmem>>)
        tpu.yield
      }) : () -> ()
      "tpu.region"() ({
        %run_scoped3A = tpu.sem_alloc : memref<!tpu.dma_semaphore, #tpu.memory_space<semaphore_mem>>
        %dma_start3A_388 = arith.constant 0 : i32
        %dma_start3A_389 = tpu.memref_slice %arg7[%dma_start3A_388] : memref<61440xf32, #tpu.memory_space<vmem>> -> memref<30720xf32, #tpu.memory_space<vmem>>
        %dma_start3A_390 = arith.constant 337920 : i32
        %dma_start3A_391 = tpu.memref_slice %arg5[%dma_start3A_390] : memref<384000xf32, #tpu.memory_space<vmem_shared>> -> memref<30720xf32, #tpu.memory_space<vmem_shared>>
        %dma_start3A_392 = arith.constant 337920 : i32
        %dma_start3A_393 = tpu.memref_slice %arg5[%dma_start3A_392] : memref<384000xf32, #tpu.memory_space<vmem_shared>> -> memref<30720xf32, #tpu.memory_space<vmem_shared>>
        %dma_start3A_394 = arith.constant 0 : i32
        %dma_start3A_395 = tpu.memref_slice %arg7[%dma_start3A_394] : memref<61440xf32, #tpu.memory_space<vmem>> -> memref<30720xf32, #tpu.memory_space<vmem>>
        tpu.enqueue_dma source(%dma_start3A_395 : memref<30720xf32, #tpu.memory_space<vmem>>) target(%dma_start3A_393 : memref<30720xf32, #tpu.memory_space<vmem_shared>>) target_semaphore(%run_scoped3A : memref<!tpu.dma_semaphore, #tpu.memory_space<semaphore_mem>>)
        %dma_wait3A_396 = arith.constant 0 : i32
        %dma_wait3A_397 = tpu.memref_slice %arg7[%dma_wait3A_396] : memref<61440xf32, #tpu.memory_space<vmem>> -> memref<30720xf32, #tpu.memory_space<vmem>>
        %dma_wait3A_398 = arith.constant 337920 : i32
        %dma_wait3A_399 = tpu.memref_slice %arg5[%dma_wait3A_398] : memref<384000xf32, #tpu.memory_space<vmem_shared>> -> memref<30720xf32, #tpu.memory_space<vmem_shared>>
        %dma_wait3A_400 = arith.constant 337920 : i32
        %dma_wait3A_401 = tpu.memref_slice %arg5[%dma_wait3A_400] : memref<384000xf32, #tpu.memory_space<vmem_shared>> -> memref<30720xf32, #tpu.memory_space<vmem_shared>>
        %dma_wait3A_402 = arith.constant 0 : i32
        %dma_wait3A_403 = tpu.memref_slice %arg7[%dma_wait3A_402] : memref<61440xf32, #tpu.memory_space<vmem>> -> memref<30720xf32, #tpu.memory_space<vmem>>
        tpu.wait_dma2 semaphore(%run_scoped3A : memref<!tpu.dma_semaphore, #tpu.memory_space<semaphore_mem>>) src(%dma_wait3A_403 : memref<30720xf32, #tpu.memory_space<vmem>>) dst(%dma_wait3A_401 : memref<30720xf32, #tpu.memory_space<vmem_shared>>)
        tpu.yield
      }) : () -> ()
    } else {
    }
    %eq3A_62 = arith.constant 12 : i32
    %eq3A_63 = arith.cmpi eq, %arg1, %eq3A_62 : i32
    %convert_element_type3A_64 = arith.extui %eq3A_63 : i1 to i32
    %cond3A_65 = arith.constant 0 : i32
    %cond3A_66 = arith.cmpi ne, %convert_element_type3A_64, %cond3A_65 : i32
    scf.if %cond3A_66 {
      "tpu.region"() ({
        %run_scoped3A = tpu.sem_alloc : memref<!tpu.dma_semaphore, #tpu.memory_space<semaphore_mem>>
        %dma_start3A_388 = arith.constant 0 : i32
        %dma_start3A_389 = tpu.memref_slice %arg7[%dma_start3A_388] : memref<61440xf32, #tpu.memory_space<vmem>> -> memref<30720xf32, #tpu.memory_space<vmem>>
        %dma_start3A_390 = arith.constant 353280 : i32
        %dma_start3A_391 = tpu.memref_slice %arg2[%dma_start3A_390] : memref<384000xf32, #tpu.memory_space<hbm>> -> memref<30720xf32, #tpu.memory_space<hbm>>
        %dma_start3A_392 = arith.constant 0 : i32
        %dma_start3A_393 = tpu.memref_slice %arg7[%dma_start3A_392] : memref<61440xf32, #tpu.memory_space<vmem>> -> memref<30720xf32, #tpu.memory_space<vmem>>
        %dma_start3A_394 = arith.constant 353280 : i32
        %dma_start3A_395 = tpu.memref_slice %arg2[%dma_start3A_394] : memref<384000xf32, #tpu.memory_space<hbm>> -> memref<30720xf32, #tpu.memory_space<hbm>>
        tpu.enqueue_dma source(%dma_start3A_395 : memref<30720xf32, #tpu.memory_space<hbm>>) target(%dma_start3A_393 : memref<30720xf32, #tpu.memory_space<vmem>>) target_semaphore(%run_scoped3A : memref<!tpu.dma_semaphore, #tpu.memory_space<semaphore_mem>>)
        %dma_wait3A_396 = arith.constant 0 : i32
        %dma_wait3A_397 = tpu.memref_slice %arg7[%dma_wait3A_396] : memref<61440xf32, #tpu.memory_space<vmem>> -> memref<30720xf32, #tpu.memory_space<vmem>>
        %dma_wait3A_398 = arith.constant 353280 : i32
        %dma_wait3A_399 = tpu.memref_slice %arg2[%dma_wait3A_398] : memref<384000xf32, #tpu.memory_space<hbm>> -> memref<30720xf32, #tpu.memory_space<hbm>>
        %dma_wait3A_400 = arith.constant 0 : i32
        %dma_wait3A_401 = tpu.memref_slice %arg7[%dma_wait3A_400] : memref<61440xf32, #tpu.memory_space<vmem>> -> memref<30720xf32, #tpu.memory_space<vmem>>
        %dma_wait3A_402 = arith.constant 353280 : i32
        %dma_wait3A_403 = tpu.memref_slice %arg2[%dma_wait3A_402] : memref<384000xf32, #tpu.memory_space<hbm>> -> memref<30720xf32, #tpu.memory_space<hbm>>
        tpu.wait_dma2 semaphore(%run_scoped3A : memref<!tpu.dma_semaphore, #tpu.memory_space<semaphore_mem>>) src(%dma_wait3A_403 : memref<30720xf32, #tpu.memory_space<hbm>>) dst(%dma_wait3A_401 : memref<30720xf32, #tpu.memory_space<vmem>>)
        tpu.yield
      }) : () -> ()
      "tpu.region"() ({
        %run_scoped3A = tpu.sem_alloc : memref<!tpu.dma_semaphore, #tpu.memory_space<semaphore_mem>>
        %dma_start3A_388 = arith.constant 0 : i32
        %dma_start3A_389 = tpu.memref_slice %arg7[%dma_start3A_388] : memref<61440xf32, #tpu.memory_space<vmem>> -> memref<30720xf32, #tpu.memory_space<vmem>>
        %dma_start3A_390 = arith.constant 353280 : i32
        %dma_start3A_391 = tpu.memref_slice %arg5[%dma_start3A_390] : memref<384000xf32, #tpu.memory_space<vmem_shared>> -> memref<30720xf32, #tpu.memory_space<vmem_shared>>
        %dma_start3A_392 = arith.constant 353280 : i32
        %dma_start3A_393 = tpu.memref_slice %arg5[%dma_start3A_392] : memref<384000xf32, #tpu.memory_space<vmem_shared>> -> memref<30720xf32, #tpu.memory_space<vmem_shared>>
        %dma_start3A_394 = arith.constant 0 : i32
        %dma_start3A_395 = tpu.memref_slice %arg7[%dma_start3A_394] : memref<61440xf32, #tpu.memory_space<vmem>> -> memref<30720xf32, #tpu.memory_space<vmem>>
        tpu.enqueue_dma source(%dma_start3A_395 : memref<30720xf32, #tpu.memory_space<vmem>>) target(%dma_start3A_393 : memref<30720xf32, #tpu.memory_space<vmem_shared>>) target_semaphore(%run_scoped3A : memref<!tpu.dma_semaphore, #tpu.memory_space<semaphore_mem>>)
        %dma_wait3A_396 = arith.constant 0 : i32
        %dma_wait3A_397 = tpu.memref_slice %arg7[%dma_wait3A_396] : memref<61440xf32, #tpu.memory_space<vmem>> -> memref<30720xf32, #tpu.memory_space<vmem>>
        %dma_wait3A_398 = arith.constant 353280 : i32
        %dma_wait3A_399 = tpu.memref_slice %arg5[%dma_wait3A_398] : memref<384000xf32, #tpu.memory_space<vmem_shared>> -> memref<30720xf32, #tpu.memory_space<vmem_shared>>
        %dma_wait3A_400 = arith.constant 353280 : i32
        %dma_wait3A_401 = tpu.memref_slice %arg5[%dma_wait3A_400] : memref<384000xf32, #tpu.memory_space<vmem_shared>> -> memref<30720xf32, #tpu.memory_space<vmem_shared>>
        %dma_wait3A_402 = arith.constant 0 : i32
        %dma_wait3A_403 = tpu.memref_slice %arg7[%dma_wait3A_402] : memref<61440xf32, #tpu.memory_space<vmem>> -> memref<30720xf32, #tpu.memory_space<vmem>>
        tpu.wait_dma2 semaphore(%run_scoped3A : memref<!tpu.dma_semaphore, #tpu.memory_space<semaphore_mem>>) src(%dma_wait3A_403 : memref<30720xf32, #tpu.memory_space<vmem>>) dst(%dma_wait3A_401 : memref<30720xf32, #tpu.memory_space<vmem_shared>>)
        tpu.yield
      }) : () -> ()
    } else {
    }
    "tpu.region"() ({
      %run_scoped3A = tpu.sem_alloc : memref<!tpu.dma_semaphore, #tpu.memory_space<semaphore_mem>>
      %dma_start3A_388 = arith.constant 0 : i32
      %dma_start3A_389 = arith.constant 0 : i32
      %dma_start3A_390 = tpu.memref_slice %arg3[%add3A, %dma_start3A_388, %dma_start3A_389] : memref<32x20x16xi32, #tpu.memory_space<hbm>> -> memref<1x20x16xi32, #tpu.memory_space<hbm>>
      %dma_start3A_391 = tpu.memref_squeeze %dma_start3A_390 : memref<1x20x16xi32, #tpu.memory_space<hbm>> -> memref<20x16xi32, #tpu.memory_space<hbm>>
      %dma_start3A_392 = arith.constant 0 : i32
      %dma_start3A_393 = arith.constant 0 : i32
      %dma_start3A_394 = tpu.memref_slice %arg3[%add3A, %dma_start3A_392, %dma_start3A_393] : memref<32x20x16xi32, #tpu.memory_space<hbm>> -> memref<1x20x16xi32, #tpu.memory_space<hbm>>
      %dma_start3A_395 = tpu.memref_squeeze %dma_start3A_394 : memref<1x20x16xi32, #tpu.memory_space<hbm>> -> memref<20x16xi32, #tpu.memory_space<hbm>>
      tpu.enqueue_dma source(%dma_start3A_395 : memref<20x16xi32, #tpu.memory_space<hbm>>) target(%arg6 : memref<20x16xi32, #tpu.memory_space<vmem>>) target_semaphore(%run_scoped3A : memref<!tpu.dma_semaphore, #tpu.memory_space<semaphore_mem>>)
      %dma_wait3A_396 = arith.constant 0 : i32
      %dma_wait3A_397 = arith.constant 0 : i32
      %dma_wait3A_398 = tpu.memref_slice %arg3[%add3A, %dma_wait3A_396, %dma_wait3A_397] : memref<32x20x16xi32, #tpu.memory_space<hbm>> -> memref<1x20x16xi32, #tpu.memory_space<hbm>>
      %dma_wait3A_399 = tpu.memref_squeeze %dma_wait3A_398 : memref<1x20x16xi32, #tpu.memory_space<hbm>> -> memref<20x16xi32, #tpu.memory_space<hbm>>
      %dma_wait3A_400 = arith.constant 0 : i32
      %dma_wait3A_401 = arith.constant 0 : i32
      %dma_wait3A_402 = tpu.memref_slice %arg3[%add3A, %dma_wait3A_400, %dma_wait3A_401] : memref<32x20x16xi32, #tpu.memory_space<hbm>> -> memref<1x20x16xi32, #tpu.memory_space<hbm>>
      %dma_wait3A_403 = tpu.memref_squeeze %dma_wait3A_402 : memref<1x20x16xi32, #tpu.memory_space<hbm>> -> memref<20x16xi32, #tpu.memory_space<hbm>>
      tpu.wait_dma2 semaphore(%run_scoped3A : memref<!tpu.dma_semaphore, #tpu.memory_space<semaphore_mem>>) src(%dma_wait3A_403 : memref<20x16xi32, #tpu.memory_space<hbm>>) dst(%arg6 : memref<20x16xi32, #tpu.memory_space<vmem>>)
      tpu.yield
    }) : () -> ()
    %barrier3A = arith.constant 0 : index
    tpu.barrier barrier_id(%barrier3A)
    %get3A = arith.constant 0 : i32
    %get3A_67 = arith.index_cast %get3A : i32 to index
    %get3A_68 = arith.constant 0 : index
    %get3A_69 = tpu.vector_load %arg6[%get3A_67, %get3A_68] {strides = array<i32>} : memref<20x16xi32, #tpu.memory_space<vmem>>, vector<1x16xi32>,
    %get3A_70 = vector.shape_cast %get3A_69 : vector<1x16xi32> to vector<16xi32>
    %slice3A = vector.extract_strided_slice %get3A_70 {offsets = [0], sizes = [1], strides = [1]} : vector<16xi32> to vector<1xi32>
    %squeeze3A = vector.extract %slice3A[0] : i32 from vector<1xi32>
    %mul3A_71 = arith.constant 3840 : i32
    %mul3A_72 = arith.muli %squeeze3A, %mul3A_71 : i32
    %dma_start3A = arith.constant 0 : i32
    %dma_start3A_73 = tpu.memref_slice %arg7[%dma_start3A] : memref<61440xf32, #tpu.memory_space<vmem>> -> memref<3840xf32, #tpu.memory_space<vmem>>
    %dma_start3A_74 = tpu.memref_slice %arg5[%mul3A_72] : memref<384000xf32, #tpu.memory_space<vmem_shared>> -> memref<3840xf32, #tpu.memory_space<vmem_shared>>
    %dma_start3A_75 = arith.constant 0 : i32
    %dma_start3A_76 = tpu.memref_slice %arg7[%dma_start3A_75] : memref<61440xf32, #tpu.memory_space<vmem>> -> memref<3840xf32, #tpu.memory_space<vmem>>
    %dma_start3A_77 = tpu.memref_slice %arg5[%mul3A_72] : memref<384000xf32, #tpu.memory_space<vmem_shared>> -> memref<3840xf32, #tpu.memory_space<vmem_shared>>
    tpu.enqueue_dma source(%dma_start3A_77 : memref<3840xf32, #tpu.memory_space<vmem_shared>>) target(%dma_start3A_76 : memref<3840xf32, #tpu.memory_space<vmem>>) target_semaphore(%arg8 : memref<!tpu.dma_semaphore, #tpu.memory_space<semaphore_mem>>)
    %slice3A_78 = vector.extract_strided_slice %get3A_70 {offsets = [1], sizes = [1], strides = [1]} : vector<16xi32> to vector<1xi32>
    %squeeze3A_79 = vector.extract %slice3A_78[0] : i32 from vector<1xi32>
    %mul3A_80 = arith.constant 3840 : i32
    %mul3A_81 = arith.muli %squeeze3A_79, %mul3A_80 : i32
    %dma_start3A_82 = arith.constant 3840 : i32
    %dma_start3A_83 = tpu.memref_slice %arg7[%dma_start3A_82] : memref<61440xf32, #tpu.memory_space<vmem>> -> memref<3840xf32, #tpu.memory_space<vmem>>
    %dma_start3A_84 = tpu.memref_slice %arg5[%mul3A_81] : memref<384000xf32, #tpu.memory_space<vmem_shared>> -> memref<3840xf32, #tpu.memory_space<vmem_shared>>
    %dma_start3A_85 = arith.constant 3840 : i32
    %dma_start3A_86 = tpu.memref_slice %arg7[%dma_start3A_85] : memref<61440xf32, #tpu.memory_space<vmem>> -> memref<3840xf32, #tpu.memory_space<vmem>>
    %dma_start3A_87 = tpu.memref_slice %arg5[%mul3A_81] : memref<384000xf32, #tpu.memory_space<vmem_shared>> -> memref<3840xf32, #tpu.memory_space<vmem_shared>>
    tpu.enqueue_dma source(%dma_start3A_87 : memref<3840xf32, #tpu.memory_space<vmem_shared>>) target(%dma_start3A_86 : memref<3840xf32, #tpu.memory_space<vmem>>) target_semaphore(%arg8 : memref<!tpu.dma_semaphore, #tpu.memory_space<semaphore_mem>>)
    %slice3A_88 = vector.extract_strided_slice %get3A_70 {offsets = [2], sizes = [1], strides = [1]} : vector<16xi32> to vector<1xi32>
    %squeeze3A_89 = vector.extract %slice3A_88[0] : i32 from vector<1xi32>
    %mul3A_90 = arith.constant 3840 : i32
    %mul3A_91 = arith.muli %squeeze3A_89, %mul3A_90 : i32
    %dma_start3A_92 = arith.constant 7680 : i32
    %dma_start3A_93 = tpu.memref_slice %arg7[%dma_start3A_92] : memref<61440xf32, #tpu.memory_space<vmem>> -> memref<3840xf32, #tpu.memory_space<vmem>>
    %dma_start3A_94 = tpu.memref_slice %arg5[%mul3A_91] : memref<384000xf32, #tpu.memory_space<vmem_shared>> -> memref<3840xf32, #tpu.memory_space<vmem_shared>>
    %dma_start3A_95 = arith.constant 7680 : i32
    %dma_start3A_96 = tpu.memref_slice %arg7[%dma_start3A_95] : memref<61440xf32, #tpu.memory_space<vmem>> -> memref<3840xf32, #tpu.memory_space<vmem>>
    %dma_start3A_97 = tpu.memref_slice %arg5[%mul3A_91] : memref<384000xf32, #tpu.memory_space<vmem_shared>> -> memref<3840xf32, #tpu.memory_space<vmem_shared>>
    tpu.enqueue_dma source(%dma_start3A_97 : memref<3840xf32, #tpu.memory_space<vmem_shared>>) target(%dma_start3A_96 : memref<3840xf32, #tpu.memory_space<vmem>>) target_semaphore(%arg8 : memref<!tpu.dma_semaphore, #tpu.memory_space<semaphore_mem>>)
    %slice3A_98 = vector.extract_strided_slice %get3A_70 {offsets = [3], sizes = [1], strides = [1]} : vector<16xi32> to vector<1xi32>
    %squeeze3A_99 = vector.extract %slice3A_98[0] : i32 from vector<1xi32>
    %mul3A_100 = arith.constant 3840 : i32
    %mul3A_101 = arith.muli %squeeze3A_99, %mul3A_100 : i32
    %dma_start3A_102 = arith.constant 11520 : i32
    %dma_start3A_103 = tpu.memref_slice %arg7[%dma_start3A_102] : memref<61440xf32, #tpu.memory_space<vmem>> -> memref<3840xf32, #tpu.memory_space<vmem>>
    %dma_start3A_104 = tpu.memref_slice %arg5[%mul3A_101] : memref<384000xf32, #tpu.memory_space<vmem_shared>> -> memref<3840xf32, #tpu.memory_space<vmem_shared>>
    %dma_start3A_105 = arith.constant 11520 : i32
    %dma_start3A_106 = tpu.memref_slice %arg7[%dma_start3A_105] : memref<61440xf32, #tpu.memory_space<vmem>> -> memref<3840xf32, #tpu.memory_space<vmem>>
    %dma_start3A_107 = tpu.memref_slice %arg5[%mul3A_101] : memref<384000xf32, #tpu.memory_space<vmem_shared>> -> memref<3840xf32, #tpu.memory_space<vmem_shared>>
    tpu.enqueue_dma source(%dma_start3A_107 : memref<3840xf32, #tpu.memory_space<vmem_shared>>) target(%dma_start3A_106 : memref<3840xf32, #tpu.memory_space<vmem>>) target_semaphore(%arg8 : memref<!tpu.dma_semaphore, #tpu.memory_space<semaphore_mem>>)
    %slice3A_108 = vector.extract_strided_slice %get3A_70 {offsets = [4], sizes = [1], strides = [1]} : vector<16xi32> to vector<1xi32>
    %squeeze3A_109 = vector.extract %slice3A_108[0] : i32 from vector<1xi32>
    %mul3A_110 = arith.constant 3840 : i32
    %mul3A_111 = arith.muli %squeeze3A_109, %mul3A_110 : i32
    %dma_start3A_112 = arith.constant 15360 : i32
    %dma_start3A_113 = tpu.memref_slice %arg7[%dma_start3A_112] : memref<61440xf32, #tpu.memory_space<vmem>> -> memref<3840xf32, #tpu.memory_space<vmem>>
    %dma_start3A_114 = tpu.memref_slice %arg5[%mul3A_111] : memref<384000xf32, #tpu.memory_space<vmem_shared>> -> memref<3840xf32, #tpu.memory_space<vmem_shared>>
    %dma_start3A_115 = arith.constant 15360 : i32
    %dma_start3A_116 = tpu.memref_slice %arg7[%dma_start3A_115] : memref<61440xf32, #tpu.memory_space<vmem>> -> memref<3840xf32, #tpu.memory_space<vmem>>
    %dma_start3A_117 = tpu.memref_slice %arg5[%mul3A_111] : memref<384000xf32, #tpu.memory_space<vmem_shared>> -> memref<3840xf32, #tpu.memory_space<vmem_shared>>
    tpu.enqueue_dma source(%dma_start3A_117 : memref<3840xf32, #tpu.memory_space<vmem_shared>>) target(%dma_start3A_116 : memref<3840xf32, #tpu.memory_space<vmem>>) target_semaphore(%arg8 : memref<!tpu.dma_semaphore, #tpu.memory_space<semaphore_mem>>)
    %slice3A_118 = vector.extract_strided_slice %get3A_70 {offsets = [5], sizes = [1], strides = [1]} : vector<16xi32> to vector<1xi32>
    %squeeze3A_119 = vector.extract %slice3A_118[0] : i32 from vector<1xi32>
    %mul3A_120 = arith.constant 3840 : i32
    %mul3A_121 = arith.muli %squeeze3A_119, %mul3A_120 : i32
    %dma_start3A_122 = arith.constant 19200 : i32
    %dma_start3A_123 = tpu.memref_slice %arg7[%dma_start3A_122] : memref<61440xf32, #tpu.memory_space<vmem>> -> memref<3840xf32, #tpu.memory_space<vmem>>
    %dma_start3A_124 = tpu.memref_slice %arg5[%mul3A_121] : memref<384000xf32, #tpu.memory_space<vmem_shared>> -> memref<3840xf32, #tpu.memory_space<vmem_shared>>
    %dma_start3A_125 = arith.constant 19200 : i32
    %dma_start3A_126 = tpu.memref_slice %arg7[%dma_start3A_125] : memref<61440xf32, #tpu.memory_space<vmem>> -> memref<3840xf32, #tpu.memory_space<vmem>>
    %dma_start3A_127 = tpu.memref_slice %arg5[%mul3A_121] : memref<384000xf32, #tpu.memory_space<vmem_shared>> -> memref<3840xf32, #tpu.memory_space<vmem_shared>>
    tpu.enqueue_dma source(%dma_start3A_127 : memref<3840xf32, #tpu.memory_space<vmem_shared>>) target(%dma_start3A_126 : memref<3840xf32, #tpu.memory_space<vmem>>) target_semaphore(%arg8 : memref<!tpu.dma_semaphore, #tpu.memory_space<semaphore_mem>>)
    %slice3A_128 = vector.extract_strided_slice %get3A_70 {offsets = [6], sizes = [1], strides = [1]} : vector<16xi32> to vector<1xi32>
    %squeeze3A_129 = vector.extract %slice3A_128[0] : i32 from vector<1xi32>
    %mul3A_130 = arith.constant 3840 : i32
    %mul3A_131 = arith.muli %squeeze3A_129, %mul3A_130 : i32
    %dma_start3A_132 = arith.constant 23040 : i32
    %dma_start3A_133 = tpu.memref_slice %arg7[%dma_start3A_132] : memref<61440xf32, #tpu.memory_space<vmem>> -> memref<3840xf32, #tpu.memory_space<vmem>>
    %dma_start3A_134 = tpu.memref_slice %arg5[%mul3A_131] : memref<384000xf32, #tpu.memory_space<vmem_shared>> -> memref<3840xf32, #tpu.memory_space<vmem_shared>>
    %dma_start3A_135 = arith.constant 23040 : i32
    %dma_start3A_136 = tpu.memref_slice %arg7[%dma_start3A_135] : memref<61440xf32, #tpu.memory_space<vmem>> -> memref<3840xf32, #tpu.memory_space<vmem>>
    %dma_start3A_137 = tpu.memref_slice %arg5[%mul3A_131] : memref<384000xf32, #tpu.memory_space<vmem_shared>> -> memref<3840xf32, #tpu.memory_space<vmem_shared>>
    tpu.enqueue_dma source(%dma_start3A_137 : memref<3840xf32, #tpu.memory_space<vmem_shared>>) target(%dma_start3A_136 : memref<3840xf32, #tpu.memory_space<vmem>>) target_semaphore(%arg8 : memref<!tpu.dma_semaphore, #tpu.memory_space<semaphore_mem>>)
    %slice3A_138 = vector.extract_strided_slice %get3A_70 {offsets = [7], sizes = [1], strides = [1]} : vector<16xi32> to vector<1xi32>
    %squeeze3A_139 = vector.extract %slice3A_138[0] : i32 from vector<1xi32>
    %mul3A_140 = arith.constant 3840 : i32
    %mul3A_141 = arith.muli %squeeze3A_139, %mul3A_140 : i32
    %dma_start3A_142 = arith.constant 26880 : i32
    %dma_start3A_143 = tpu.memref_slice %arg7[%dma_start3A_142] : memref<61440xf32, #tpu.memory_space<vmem>> -> memref<3840xf32, #tpu.memory_space<vmem>>
    %dma_start3A_144 = tpu.memref_slice %arg5[%mul3A_141] : memref<384000xf32, #tpu.memory_space<vmem_shared>> -> memref<3840xf32, #tpu.memory_space<vmem_shared>>
    %dma_start3A_145 = arith.constant 26880 : i32
    %dma_start3A_146 = tpu.memref_slice %arg7[%dma_start3A_145] : memref<61440xf32, #tpu.memory_space<vmem>> -> memref<3840xf32, #tpu.memory_space<vmem>>
    %dma_start3A_147 = tpu.memref_slice %arg5[%mul3A_141] : memref<384000xf32, #tpu.memory_space<vmem_shared>> -> memref<3840xf32, #tpu.memory_space<vmem_shared>>
    tpu.enqueue_dma source(%dma_start3A_147 : memref<3840xf32, #tpu.memory_space<vmem_shared>>) target(%dma_start3A_146 : memref<3840xf32, #tpu.memory_space<vmem>>) target_semaphore(%arg8 : memref<!tpu.dma_semaphore, #tpu.memory_space<semaphore_mem>>)
    %dma_wait3A = arith.constant 0 : i32
    %dma_wait3A_148 = tpu.memref_slice %arg7[%dma_wait3A] : memref<61440xf32, #tpu.memory_space<vmem>> -> memref<3840xf32, #tpu.memory_space<vmem>>
    %dma_wait3A_149 = arith.constant 0 : i32
    %dma_wait3A_150 = tpu.memref_slice %arg5[%dma_wait3A_149] : memref<384000xf32, #tpu.memory_space<vmem_shared>> -> memref<3840xf32, #tpu.memory_space<vmem_shared>>
    %dma_wait3A_151 = arith.constant 0 : i32
    %dma_wait3A_152 = tpu.memref_slice %arg7[%dma_wait3A_151] : memref<61440xf32, #tpu.memory_space<vmem>> -> memref<3840xf32, #tpu.memory_space<vmem>>
    %dma_wait3A_153 = arith.constant 0 : i32
    %dma_wait3A_154 = tpu.memref_slice %arg5[%dma_wait3A_153] : memref<384000xf32, #tpu.memory_space<vmem_shared>> -> memref<3840xf32, #tpu.memory_space<vmem_shared>>
    tpu.wait_dma2 semaphore(%arg8 : memref<!tpu.dma_semaphore, #tpu.memory_space<semaphore_mem>>) src(%dma_wait3A_154 : memref<3840xf32, #tpu.memory_space<vmem_shared>>) dst(%dma_wait3A_152 : memref<3840xf32, #tpu.memory_space<vmem>>)
    %dma_wait3A_155 = arith.constant 0 : i32
    %dma_wait3A_156 = tpu.memref_slice %arg7[%dma_wait3A_155] : memref<61440xf32, #tpu.memory_space<vmem>> -> memref<3840xf32, #tpu.memory_space<vmem>>
    %dma_wait3A_157 = arith.constant 0 : i32
    %dma_wait3A_158 = tpu.memref_slice %arg5[%dma_wait3A_157] : memref<384000xf32, #tpu.memory_space<vmem_shared>> -> memref<3840xf32, #tpu.memory_space<vmem_shared>>
    %dma_wait3A_159 = arith.constant 0 : i32
    %dma_wait3A_160 = tpu.memref_slice %arg7[%dma_wait3A_159] : memref<61440xf32, #tpu.memory_space<vmem>> -> memref<3840xf32, #tpu.memory_space<vmem>>
    %dma_wait3A_161 = arith.constant 0 : i32
    %dma_wait3A_162 = tpu.memref_slice %arg5[%dma_wait3A_161] : memref<384000xf32, #tpu.memory_space<vmem_shared>> -> memref<3840xf32, #tpu.memory_space<vmem_shared>>
    tpu.wait_dma2 semaphore(%arg8 : memref<!tpu.dma_semaphore, #tpu.memory_space<semaphore_mem>>) src(%dma_wait3A_162 : memref<3840xf32, #tpu.memory_space<vmem_shared>>) dst(%dma_wait3A_160 : memref<3840xf32, #tpu.memory_space<vmem>>)
    %dma_wait3A_163 = arith.constant 0 : i32
    %dma_wait3A_164 = tpu.memref_slice %arg7[%dma_wait3A_163] : memref<61440xf32, #tpu.memory_space<vmem>> -> memref<3840xf32, #tpu.memory_space<vmem>>
    %dma_wait3A_165 = arith.constant 0 : i32
    %dma_wait3A_166 = tpu.memref_slice %arg5[%dma_wait3A_165] : memref<384000xf32, #tpu.memory_space<vmem_shared>> -> memref<3840xf32, #tpu.memory_space<vmem_shared>>
    %dma_wait3A_167 = arith.constant 0 : i32
    %dma_wait3A_168 = tpu.memref_slice %arg7[%dma_wait3A_167] : memref<61440xf32, #tpu.memory_space<vmem>> -> memref<3840xf32, #tpu.memory_space<vmem>>
    %dma_wait3A_169 = arith.constant 0 : i32
    %dma_wait3A_170 = tpu.memref_slice %arg5[%dma_wait3A_169] : memref<384000xf32, #tpu.memory_space<vmem_shared>> -> memref<3840xf32, #tpu.memory_space<vmem_shared>>
    tpu.wait_dma2 semaphore(%arg8 : memref<!tpu.dma_semaphore, #tpu.memory_space<semaphore_mem>>) src(%dma_wait3A_170 : memref<3840xf32, #tpu.memory_space<vmem_shared>>) dst(%dma_wait3A_168 : memref<3840xf32, #tpu.memory_space<vmem>>)
    %dma_wait3A_171 = arith.constant 0 : i32
    %dma_wait3A_172 = tpu.memref_slice %arg7[%dma_wait3A_171] : memref<61440xf32, #tpu.memory_space<vmem>> -> memref<3840xf32, #tpu.memory_space<vmem>>
    %dma_wait3A_173 = arith.constant 0 : i32
    %dma_wait3A_174 = tpu.memref_slice %arg5[%dma_wait3A_173] : memref<384000xf32, #tpu.memory_space<vmem_shared>> -> memref<3840xf32, #tpu.memory_space<vmem_shared>>
    %dma_wait3A_175 = arith.constant 0 : i32
    %dma_wait3A_176 = tpu.memref_slice %arg7[%dma_wait3A_175] : memref<61440xf32, #tpu.memory_space<vmem>> -> memref<3840xf32, #tpu.memory_space<vmem>>
    %dma_wait3A_177 = arith.constant 0 : i32
    %dma_wait3A_178 = tpu.memref_slice %arg5[%dma_wait3A_177] : memref<384000xf32, #tpu.memory_space<vmem_shared>> -> memref<3840xf32, #tpu.memory_space<vmem_shared>>
    tpu.wait_dma2 semaphore(%arg8 : memref<!tpu.dma_semaphore, #tpu.memory_space<semaphore_mem>>) src(%dma_wait3A_178 : memref<3840xf32, #tpu.memory_space<vmem_shared>>) dst(%dma_wait3A_176 : memref<3840xf32, #tpu.memory_space<vmem>>)
    %dma_wait3A_179 = arith.constant 0 : i32
    %dma_wait3A_180 = tpu.memref_slice %arg7[%dma_wait3A_179] : memref<61440xf32, #tpu.memory_space<vmem>> -> memref<3840xf32, #tpu.memory_space<vmem>>
    %dma_wait3A_181 = arith.constant 0 : i32
    %dma_wait3A_182 = tpu.memref_slice %arg5[%dma_wait3A_181] : memref<384000xf32, #tpu.memory_space<vmem_shared>> -> memref<3840xf32, #tpu.memory_space<vmem_shared>>
    %dma_wait3A_183 = arith.constant 0 : i32
    %dma_wait3A_184 = tpu.memref_slice %arg7[%dma_wait3A_183] : memref<61440xf32, #tpu.memory_space<vmem>> -> memref<3840xf32, #tpu.memory_space<vmem>>
    %dma_wait3A_185 = arith.constant 0 : i32
    %dma_wait3A_186 = tpu.memref_slice %arg5[%dma_wait3A_185] : memref<384000xf32, #tpu.memory_space<vmem_shared>> -> memref<3840xf32, #tpu.memory_space<vmem_shared>>
    tpu.wait_dma2 semaphore(%arg8 : memref<!tpu.dma_semaphore, #tpu.memory_space<semaphore_mem>>) src(%dma_wait3A_186 : memref<3840xf32, #tpu.memory_space<vmem_shared>>) dst(%dma_wait3A_184 : memref<3840xf32, #tpu.memory_space<vmem>>)
    %dma_wait3A_187 = arith.constant 0 : i32
    %dma_wait3A_188 = tpu.memref_slice %arg7[%dma_wait3A_187] : memref<61440xf32, #tpu.memory_space<vmem>> -> memref<3840xf32, #tpu.memory_space<vmem>>
    %dma_wait3A_189 = arith.constant 0 : i32
    %dma_wait3A_190 = tpu.memref_slice %arg5[%dma_wait3A_189] : memref<384000xf32, #tpu.memory_space<vmem_shared>> -> memref<3840xf32, #tpu.memory_space<vmem_shared>>
    %dma_wait3A_191 = arith.constant 0 : i32
    %dma_wait3A_192 = tpu.memref_slice %arg7[%dma_wait3A_191] : memref<61440xf32, #tpu.memory_space<vmem>> -> memref<3840xf32, #tpu.memory_space<vmem>>
    %dma_wait3A_193 = arith.constant 0 : i32
    %dma_wait3A_194 = tpu.memref_slice %arg5[%dma_wait3A_193] : memref<384000xf32, #tpu.memory_space<vmem_shared>> -> memref<3840xf32, #tpu.memory_space<vmem_shared>>
    tpu.wait_dma2 semaphore(%arg8 : memref<!tpu.dma_semaphore, #tpu.memory_space<semaphore_mem>>) src(%dma_wait3A_194 : memref<3840xf32, #tpu.memory_space<vmem_shared>>) dst(%dma_wait3A_192 : memref<3840xf32, #tpu.memory_space<vmem>>)
    %dma_wait3A_195 = arith.constant 0 : i32
    %dma_wait3A_196 = tpu.memref_slice %arg7[%dma_wait3A_195] : memref<61440xf32, #tpu.memory_space<vmem>> -> memref<3840xf32, #tpu.memory_space<vmem>>
    %dma_wait3A_197 = arith.constant 0 : i32
    %dma_wait3A_198 = tpu.memref_slice %arg5[%dma_wait3A_197] : memref<384000xf32, #tpu.memory_space<vmem_shared>> -> memref<3840xf32, #tpu.memory_space<vmem_shared>>
    %dma_wait3A_199 = arith.constant 0 : i32
    %dma_wait3A_200 = tpu.memref_slice %arg7[%dma_wait3A_199] : memref<61440xf32, #tpu.memory_space<vmem>> -> memref<3840xf32, #tpu.memory_space<vmem>>
    %dma_wait3A_201 = arith.constant 0 : i32
    %dma_wait3A_202 = tpu.memref_slice %arg5[%dma_wait3A_201] : memref<384000xf32, #tpu.memory_space<vmem_shared>> -> memref<3840xf32, #tpu.memory_space<vmem_shared>>
    tpu.wait_dma2 semaphore(%arg8 : memref<!tpu.dma_semaphore, #tpu.memory_space<semaphore_mem>>) src(%dma_wait3A_202 : memref<3840xf32, #tpu.memory_space<vmem_shared>>) dst(%dma_wait3A_200 : memref<3840xf32, #tpu.memory_space<vmem>>)
    %dma_wait3A_203 = arith.constant 0 : i32
    %dma_wait3A_204 = tpu.memref_slice %arg7[%dma_wait3A_203] : memref<61440xf32, #tpu.memory_space<vmem>> -> memref<3840xf32, #tpu.memory_space<vmem>>
    %dma_wait3A_205 = arith.constant 0 : i32
    %dma_wait3A_206 = tpu.memref_slice %arg5[%dma_wait3A_205] : memref<384000xf32, #tpu.memory_space<vmem_shared>> -> memref<3840xf32, #tpu.memory_space<vmem_shared>>
    %dma_wait3A_207 = arith.constant 0 : i32
    %dma_wait3A_208 = tpu.memref_slice %arg7[%dma_wait3A_207] : memref<61440xf32, #tpu.memory_space<vmem>> -> memref<3840xf32, #tpu.memory_space<vmem>>
    %dma_wait3A_209 = arith.constant 0 : i32
    %dma_wait3A_210 = tpu.memref_slice %arg5[%dma_wait3A_209] : memref<384000xf32, #tpu.memory_space<vmem_shared>> -> memref<3840xf32, #tpu.memory_space<vmem_shared>>
    tpu.wait_dma2 semaphore(%arg8 : memref<!tpu.dma_semaphore, #tpu.memory_space<semaphore_mem>>) src(%dma_wait3A_210 : memref<3840xf32, #tpu.memory_space<vmem_shared>>) dst(%dma_wait3A_208 : memref<3840xf32, #tpu.memory_space<vmem>>)
    %add3A_211 = arith.constant 0 : i32
    %add3A_212 = arith.addi %mul3A_4, %add3A_211 : i32
    %dma_start3A_213 = arith.constant 0 : i32
    %dma_start3A_214 = tpu.memref_slice %arg7[%dma_start3A_213] : memref<61440xf32, #tpu.memory_space<vmem>> -> memref<30720xf32, #tpu.memory_space<vmem>>
    %dma_start3A_215 = tpu.memref_slice %arg4[%add3A_212] : memref<39321600xf32, #tpu.memory_space<hbm>> -> memref<30720xf32, #tpu.memory_space<hbm>>
    %dma_start3A_216 = tpu.memref_slice %arg4[%add3A_212] : memref<39321600xf32, #tpu.memory_space<hbm>> -> memref<30720xf32, #tpu.memory_space<hbm>>
    %dma_start3A_217 = arith.constant 0 : i32
    %dma_start3A_218 = tpu.memref_slice %arg7[%dma_start3A_217] : memref<61440xf32, #tpu.memory_space<vmem>> -> memref<30720xf32, #tpu.memory_space<vmem>>
    tpu.enqueue_dma source(%dma_start3A_218 : memref<30720xf32, #tpu.memory_space<vmem>>) target(%dma_start3A_216 : memref<30720xf32, #tpu.memory_space<hbm>>) target_semaphore(%arg9 : memref<!tpu.dma_semaphore, #tpu.memory_space<semaphore_mem>>)
    %slice3A_219 = vector.extract_strided_slice %get3A_70 {offsets = [8], sizes = [1], strides = [1]} : vector<16xi32> to vector<1xi32>
    %squeeze3A_220 = vector.extract %slice3A_219[0] : i32 from vector<1xi32>
    %mul3A_221 = arith.constant 3840 : i32
    %mul3A_222 = arith.muli %squeeze3A_220, %mul3A_221 : i32
    %dma_start3A_223 = arith.constant 30720 : i32
    %dma_start3A_224 = tpu.memref_slice %arg7[%dma_start3A_223] : memref<61440xf32, #tpu.memory_space<vmem>> -> memref<3840xf32, #tpu.memory_space<vmem>>
    %dma_start3A_225 = tpu.memref_slice %arg5[%mul3A_222] : memref<384000xf32, #tpu.memory_space<vmem_shared>> -> memref<3840xf32, #tpu.memory_space<vmem_shared>>
    %dma_start3A_226 = arith.constant 30720 : i32
    %dma_start3A_227 = tpu.memref_slice %arg7[%dma_start3A_226] : memref<61440xf32, #tpu.memory_space<vmem>> -> memref<3840xf32, #tpu.memory_space<vmem>>
    %dma_start3A_228 = tpu.memref_slice %arg5[%mul3A_222] : memref<384000xf32, #tpu.memory_space<vmem_shared>> -> memref<3840xf32, #tpu.memory_space<vmem_shared>>
    tpu.enqueue_dma source(%dma_start3A_228 : memref<3840xf32, #tpu.memory_space<vmem_shared>>) target(%dma_start3A_227 : memref<3840xf32, #tpu.memory_space<vmem>>) target_semaphore(%arg8 : memref<!tpu.dma_semaphore, #tpu.memory_space<semaphore_mem>>)
    %slice3A_229 = vector.extract_strided_slice %get3A_70 {offsets = [9], sizes = [1], strides = [1]} : vector<16xi32> to vector<1xi32>
    %squeeze3A_230 = vector.extract %slice3A_229[0] : i32 from vector<1xi32>
    %mul3A_231 = arith.constant 3840 : i32
    %mul3A_232 = arith.muli %squeeze3A_230, %mul3A_231 : i32
    %dma_start3A_233 = arith.constant 34560 : i32
    %dma_start3A_234 = tpu.memref_slice %arg7[%dma_start3A_233] : memref<61440xf32, #tpu.memory_space<vmem>> -> memref<3840xf32, #tpu.memory_space<vmem>>
    %dma_start3A_235 = tpu.memref_slice %arg5[%mul3A_232] : memref<384000xf32, #tpu.memory_space<vmem_shared>> -> memref<3840xf32, #tpu.memory_space<vmem_shared>>
    %dma_start3A_236 = arith.constant 34560 : i32
    %dma_start3A_237 = tpu.memref_slice %arg7[%dma_start3A_236] : memref<61440xf32, #tpu.memory_space<vmem>> -> memref<3840xf32, #tpu.memory_space<vmem>>
    %dma_start3A_238 = tpu.memref_slice %arg5[%mul3A_232] : memref<384000xf32, #tpu.memory_space<vmem_shared>> -> memref<3840xf32, #tpu.memory_space<vmem_shared>>
    tpu.enqueue_dma source(%dma_start3A_238 : memref<3840xf32, #tpu.memory_space<vmem_shared>>) target(%dma_start3A_237 : memref<3840xf32, #tpu.memory_space<vmem>>) target_semaphore(%arg8 : memref<!tpu.dma_semaphore, #tpu.memory_space<semaphore_mem>>)
    %slice3A_239 = vector.extract_strided_slice %get3A_70 {offsets = [10], sizes = [1], strides = [1]} : vector<16xi32> to vector<1xi32>
    %squeeze3A_240 = vector.extract %slice3A_239[0] : i32 from vector<1xi32>
    %mul3A_241 = arith.constant 3840 : i32
    %mul3A_242 = arith.muli %squeeze3A_240, %mul3A_241 : i32
    %dma_start3A_243 = arith.constant 38400 : i32
    %dma_start3A_244 = tpu.memref_slice %arg7[%dma_start3A_243] : memref<61440xf32, #tpu.memory_space<vmem>> -> memref<3840xf32, #tpu.memory_space<vmem>>
    %dma_start3A_245 = tpu.memref_slice %arg5[%mul3A_242] : memref<384000xf32, #tpu.memory_space<vmem_shared>> -> memref<3840xf32, #tpu.memory_space<vmem_shared>>
    %dma_start3A_246 = arith.constant 38400 : i32
    %dma_start3A_247 = tpu.memref_slice %arg7[%dma_start3A_246] : memref<61440xf32, #tpu.memory_space<vmem>> -> memref<3840xf32, #tpu.memory_space<vmem>>
    %dma_start3A_248 = tpu.memref_slice %arg5[%mul3A_242] : memref<384000xf32, #tpu.memory_space<vmem_shared>> -> memref<3840xf32, #tpu.memory_space<vmem_shared>>
    tpu.enqueue_dma source(%dma_start3A_248 : memref<3840xf32, #tpu.memory_space<vmem_shared>>) target(%dma_start3A_247 : memref<3840xf32, #tpu.memory_space<vmem>>) target_semaphore(%arg8 : memref<!tpu.dma_semaphore, #tpu.memory_space<semaphore_mem>>)
    %slice3A_249 = vector.extract_strided_slice %get3A_70 {offsets = [11], sizes = [1], strides = [1]} : vector<16xi32> to vector<1xi32>
    %squeeze3A_250 = vector.extract %slice3A_249[0] : i32 from vector<1xi32>
    %mul3A_251 = arith.constant 3840 : i32
    %mul3A_252 = arith.muli %squeeze3A_250, %mul3A_251 : i32
    %dma_start3A_253 = arith.constant 42240 : i32
    %dma_start3A_254 = tpu.memref_slice %arg7[%dma_start3A_253] : memref<61440xf32, #tpu.memory_space<vmem>> -> memref<3840xf32, #tpu.memory_space<vmem>>
    %dma_start3A_255 = tpu.memref_slice %arg5[%mul3A_252] : memref<384000xf32, #tpu.memory_space<vmem_shared>> -> memref<3840xf32, #tpu.memory_space<vmem_shared>>
    %dma_start3A_256 = arith.constant 42240 : i32
    %dma_start3A_257 = tpu.memref_slice %arg7[%dma_start3A_256] : memref<61440xf32, #tpu.memory_space<vmem>> -> memref<3840xf32, #tpu.memory_space<vmem>>
    %dma_start3A_258 = tpu.memref_slice %arg5[%mul3A_252] : memref<384000xf32, #tpu.memory_space<vmem_shared>> -> memref<3840xf32, #tpu.memory_space<vmem_shared>>
    tpu.enqueue_dma source(%dma_start3A_258 : memref<3840xf32, #tpu.memory_space<vmem_shared>>) target(%dma_start3A_257 : memref<3840xf32, #tpu.memory_space<vmem>>) target_semaphore(%arg8 : memref<!tpu.dma_semaphore, #tpu.memory_space<semaphore_mem>>)
    %slice3A_259 = vector.extract_strided_slice %get3A_70 {offsets = [12], sizes = [1], strides = [1]} : vector<16xi32> to vector<1xi32>
    %squeeze3A_260 = vector.extract %slice3A_259[0] : i32 from vector<1xi32>
    %mul3A_261 = arith.constant 3840 : i32
    %mul3A_262 = arith.muli %squeeze3A_260, %mul3A_261 : i32
    %dma_start3A_263 = arith.constant 46080 : i32
    %dma_start3A_264 = tpu.memref_slice %arg7[%dma_start3A_263] : memref<61440xf32, #tpu.memory_space<vmem>> -> memref<3840xf32, #tpu.memory_space<vmem>>
    %dma_start3A_265 = tpu.memref_slice %arg5[%mul3A_262] : memref<384000xf32, #tpu.memory_space<vmem_shared>> -> memref<3840xf32, #tpu.memory_space<vmem_shared>>
    %dma_start3A_266 = arith.constant 46080 : i32
    %dma_start3A_267 = tpu.memref_slice %arg7[%dma_start3A_266] : memref<61440xf32, #tpu.memory_space<vmem>> -> memref<3840xf32, #tpu.memory_space<vmem>>
    %dma_start3A_268 = tpu.memref_slice %arg5[%mul3A_262] : memref<384000xf32, #tpu.memory_space<vmem_shared>> -> memref<3840xf32, #tpu.memory_space<vmem_shared>>
    tpu.enqueue_dma source(%dma_start3A_268 : memref<3840xf32, #tpu.memory_space<vmem_shared>>) target(%dma_start3A_267 : memref<3840xf32, #tpu.memory_space<vmem>>) target_semaphore(%arg8 : memref<!tpu.dma_semaphore, #tpu.memory_space<semaphore_mem>>)
    %slice3A_269 = vector.extract_strided_slice %get3A_70 {offsets = [13], sizes = [1], strides = [1]} : vector<16xi32> to vector<1xi32>
    %squeeze3A_270 = vector.extract %slice3A_269[0] : i32 from vector<1xi32>
    %mul3A_271 = arith.constant 3840 : i32
    %mul3A_272 = arith.muli %squeeze3A_270, %mul3A_271 : i32
    %dma_start3A_273 = arith.constant 49920 : i32
    %dma_start3A_274 = tpu.memref_slice %arg7[%dma_start3A_273] : memref<61440xf32, #tpu.memory_space<vmem>> -> memref<3840xf32, #tpu.memory_space<vmem>>
    %dma_start3A_275 = tpu.memref_slice %arg5[%mul3A_272] : memref<384000xf32, #tpu.memory_space<vmem_shared>> -> memref<3840xf32, #tpu.memory_space<vmem_shared>>
    %dma_start3A_276 = arith.constant 49920 : i32
    %dma_start3A_277 = tpu.memref_slice %arg7[%dma_start3A_276] : memref<61440xf32, #tpu.memory_space<vmem>> -> memref<3840xf32, #tpu.memory_space<vmem>>
    %dma_start3A_278 = tpu.memref_slice %arg5[%mul3A_272] : memref<384000xf32, #tpu.memory_space<vmem_shared>> -> memref<3840xf32, #tpu.memory_space<vmem_shared>>
    tpu.enqueue_dma source(%dma_start3A_278 : memref<3840xf32, #tpu.memory_space<vmem_shared>>) target(%dma_start3A_277 : memref<3840xf32, #tpu.memory_space<vmem>>) target_semaphore(%arg8 : memref<!tpu.dma_semaphore, #tpu.memory_space<semaphore_mem>>)
    %slice3A_279 = vector.extract_strided_slice %get3A_70 {offsets = [14], sizes = [1], strides = [1]} : vector<16xi32> to vector<1xi32>
    %squeeze3A_280 = vector.extract %slice3A_279[0] : i32 from vector<1xi32>
    %mul3A_281 = arith.constant 3840 : i32
    %mul3A_282 = arith.muli %squeeze3A_280, %mul3A_281 : i32
    %dma_start3A_283 = arith.constant 53760 : i32
    %dma_start3A_284 = tpu.memref_slice %arg7[%dma_start3A_283] : memref<61440xf32, #tpu.memory_space<vmem>> -> memref<3840xf32, #tpu.memory_space<vmem>>
    %dma_start3A_285 = tpu.memref_slice %arg5[%mul3A_282] : memref<384000xf32, #tpu.memory_space<vmem_shared>> -> memref<3840xf32, #tpu.memory_space<vmem_shared>>
    %dma_start3A_286 = arith.constant 53760 : i32
    %dma_start3A_287 = tpu.memref_slice %arg7[%dma_start3A_286] : memref<61440xf32, #tpu.memory_space<vmem>> -> memref<3840xf32, #tpu.memory_space<vmem>>
    %dma_start3A_288 = tpu.memref_slice %arg5[%mul3A_282] : memref<384000xf32, #tpu.memory_space<vmem_shared>> -> memref<3840xf32, #tpu.memory_space<vmem_shared>>
    tpu.enqueue_dma source(%dma_start3A_288 : memref<3840xf32, #tpu.memory_space<vmem_shared>>) target(%dma_start3A_287 : memref<3840xf32, #tpu.memory_space<vmem>>) target_semaphore(%arg8 : memref<!tpu.dma_semaphore, #tpu.memory_space<semaphore_mem>>)
    %slice3A_289 = vector.extract_strided_slice %get3A_70 {offsets = [15], sizes = [1], strides = [1]} : vector<16xi32> to vector<1xi32>
    %squeeze3A_290 = vector.extract %slice3A_289[0] : i32 from vector<1xi32>
    %mul3A_291 = arith.constant 3840 : i32
    %mul3A_292 = arith.muli %squeeze3A_290, %mul3A_291 : i32
    %dma_start3A_293 = arith.constant 57600 : i32
    %dma_start3A_294 = tpu.memref_slice %arg7[%dma_start3A_293] : memref<61440xf32, #tpu.memory_space<vmem>> -> memref<3840xf32, #tpu.memory_space<vmem>>
    %dma_start3A_295 = tpu.memref_slice %arg5[%mul3A_292] : memref<384000xf32, #tpu.memory_space<vmem_shared>> -> memref<3840xf32, #tpu.memory_space<vmem_shared>>
    %dma_start3A_296 = arith.constant 57600 : i32
    %dma_start3A_297 = tpu.memref_slice %arg7[%dma_start3A_296] : memref<61440xf32, #tpu.memory_space<vmem>> -> memref<3840xf32, #tpu.memory_space<vmem>>
    %dma_start3A_298 = tpu.memref_slice %arg5[%mul3A_292] : memref<384000xf32, #tpu.memory_space<vmem_shared>> -> memref<3840xf32, #tpu.memory_space<vmem_shared>>
    tpu.enqueue_dma source(%dma_start3A_298 : memref<3840xf32, #tpu.memory_space<vmem_shared>>) target(%dma_start3A_297 : memref<3840xf32, #tpu.memory_space<vmem>>) target_semaphore(%arg8 : memref<!tpu.dma_semaphore, #tpu.memory_space<semaphore_mem>>)
    %scan3A = arith.constant 0 : i32
    %scan3A_299 = arith.constant 0 : i32
    %scan3A_300 = arith.constant 19 : i32
    %scan3A_301 = arith.addi %scan3A_299, %scan3A_300 : i32
    %scan3A_302 = arith.constant 1 : i32
    scf.for %scan3A_388 = %scan3A_299 to %scan3A_301 step %scan3A_302  : i32 {
      %add3A_389 = arith.constant 1 : i32
      %add3A_390 = arith.addi %scan3A_388, %add3A_389 : i32
      %get3A_391 = arith.index_cast %add3A_390 : i32 to index
      %get3A_392 = arith.constant 0 : index
      %get3A_393 = tpu.vector_load %arg6[%get3A_391, %get3A_392] {strides = array<i32>} : memref<20x16xi32, #tpu.memory_space<vmem>>, vector<1x16xi32>,
      %get3A_394 = vector.shape_cast %get3A_393 : vector<1x16xi32> to vector<16xi32>
      %mul3A_395 = arith.constant 2 : i32
      %mul3A_396 = arith.muli %scan3A_388, %mul3A_395 : i32
      %add3A_397 = arith.constant 2 : i32
      %add3A_398 = arith.addi %mul3A_396, %add3A_397 : i32
      %add3A_399 = arith.constant 0 : i32
      %add3A_400 = arith.addi %add3A_398, %add3A_399 : i32
      %dma_wait3A_401 = arith.constant 0 : i32
      %dma_wait3A_402 = tpu.memref_slice %arg7[%dma_wait3A_401] : memref<61440xf32, #tpu.memory_space<vmem>> -> memref<30720xf32, #tpu.memory_space<vmem>>
      %dma_wait3A_403 = tpu.memref_slice %arg4[%mul3A_4] : memref<39321600xf32, #tpu.memory_space<hbm>> -> memref<30720xf32, #tpu.memory_space<hbm>>
      %dma_wait3A_404 = tpu.memref_slice %arg4[%mul3A_4] : memref<39321600xf32, #tpu.memory_space<hbm>> -> memref<30720xf32, #tpu.memory_space<hbm>>
      %dma_wait3A_405 = arith.constant 0 : i32
      %dma_wait3A_406 = tpu.memref_slice %arg7[%dma_wait3A_405] : memref<61440xf32, #tpu.memory_space<vmem>> -> memref<30720xf32, #tpu.memory_space<vmem>>
      tpu.wait_dma2 semaphore(%arg9 : memref<!tpu.dma_semaphore, #tpu.memory_space<semaphore_mem>>) src(%dma_wait3A_406 : memref<30720xf32, #tpu.memory_space<vmem>>) dst(%dma_wait3A_404 : memref<30720xf32, #tpu.memory_space<hbm>>)
      %dma_wait3A_407 = arith.constant 0 : i32
      %dma_wait3A_408 = tpu.memref_slice %arg7[%dma_wait3A_407] : memref<61440xf32, #tpu.memory_space<vmem>> -> memref<3840xf32, #tpu.memory_space<vmem>>
      %dma_wait3A_409 = arith.constant 0 : i32
      %dma_wait3A_410 = tpu.memref_slice %arg5[%dma_wait3A_409] : memref<384000xf32, #tpu.memory_space<vmem_shared>> -> memref<3840xf32, #tpu.memory_space<vmem_shared>>
      %dma_wait3A_411 = arith.constant 0 : i32
      %dma_wait3A_412 = tpu.memref_slice %arg7[%dma_wait3A_411] : memref<61440xf32, #tpu.memory_space<vmem>> -> memref<3840xf32, #tpu.memory_space<vmem>>
      %dma_wait3A_413 = arith.constant 0 : i32
      %dma_wait3A_414 = tpu.memref_slice %arg5[%dma_wait3A_413] : memref<384000xf32, #tpu.memory_space<vmem_shared>> -> memref<3840xf32, #tpu.memory_space<vmem_shared>>
      tpu.wait_dma2 semaphore(%arg8 : memref<!tpu.dma_semaphore, #tpu.memory_space<semaphore_mem>>) src(%dma_wait3A_414 : memref<3840xf32, #tpu.memory_space<vmem_shared>>) dst(%dma_wait3A_412 : memref<3840xf32, #tpu.memory_space<vmem>>)
      %dma_wait3A_415 = arith.constant 0 : i32
      %dma_wait3A_416 = tpu.memref_slice %arg7[%dma_wait3A_415] : memref<61440xf32, #tpu.memory_space<vmem>> -> memref<3840xf32, #tpu.memory_space<vmem>>
      %dma_wait3A_417 = arith.constant 0 : i32
      %dma_wait3A_418 = tpu.memref_slice %arg5[%dma_wait3A_417] : memref<384000xf32, #tpu.memory_space<vmem_shared>> -> memref<3840xf32, #tpu.memory_space<vmem_shared>>
      %dma_wait3A_419 = arith.constant 0 : i32
      %dma_wait3A_420 = tpu.memref_slice %arg7[%dma_wait3A_419] : memref<61440xf32, #tpu.memory_space<vmem>> -> memref<3840xf32, #tpu.memory_space<vmem>>
      %dma_wait3A_421 = arith.constant 0 : i32
      %dma_wait3A_422 = tpu.memref_slice %arg5[%dma_wait3A_421] : memref<384000xf32, #tpu.memory_space<vmem_shared>> -> memref<3840xf32, #tpu.memory_space<vmem_shared>>
      tpu.wait_dma2 semaphore(%arg8 : memref<!tpu.dma_semaphore, #tpu.memory_space<semaphore_mem>>) src(%dma_wait3A_422 : memref<3840xf32, #tpu.memory_space<vmem_shared>>) dst(%dma_wait3A_420 : memref<3840xf32, #tpu.memory_space<vmem>>)
      %dma_wait3A_423 = arith.constant 0 : i32
      %dma_wait3A_424 = tpu.memref_slice %arg7[%dma_wait3A_423] : memref<61440xf32, #tpu.memory_space<vmem>> -> memref<3840xf32, #tpu.memory_space<vmem>>
      %dma_wait3A_425 = arith.constant 0 : i32
      %dma_wait3A_426 = tpu.memref_slice %arg5[%dma_wait3A_425] : memref<384000xf32, #tpu.memory_space<vmem_shared>> -> memref<3840xf32, #tpu.memory_space<vmem_shared>>
      %dma_wait3A_427 = arith.constant 0 : i32
      %dma_wait3A_428 = tpu.memref_slice %arg7[%dma_wait3A_427] : memref<61440xf32, #tpu.memory_space<vmem>> -> memref<3840xf32, #tpu.memory_space<vmem>>
      %dma_wait3A_429 = arith.constant 0 : i32
      %dma_wait3A_430 = tpu.memref_slice %arg5[%dma_wait3A_429] : memref<384000xf32, #tpu.memory_space<vmem_shared>> -> memref<3840xf32, #tpu.memory_space<vmem_shared>>
      tpu.wait_dma2 semaphore(%arg8 : memref<!tpu.dma_semaphore, #tpu.memory_space<semaphore_mem>>) src(%dma_wait3A_430 : memref<3840xf32, #tpu.memory_space<vmem_shared>>) dst(%dma_wait3A_428 : memref<3840xf32, #tpu.memory_space<vmem>>)
      %dma_wait3A_431 = arith.constant 0 : i32
      %dma_wait3A_432 = tpu.memref_slice %arg7[%dma_wait3A_431] : memref<61440xf32, #tpu.memory_space<vmem>> -> memref<3840xf32, #tpu.memory_space<vmem>>
      %dma_wait3A_433 = arith.constant 0 : i32
      %dma_wait3A_434 = tpu.memref_slice %arg5[%dma_wait3A_433] : memref<384000xf32, #tpu.memory_space<vmem_shared>> -> memref<3840xf32, #tpu.memory_space<vmem_shared>>
      %dma_wait3A_435 = arith.constant 0 : i32
      %dma_wait3A_436 = tpu.memref_slice %arg7[%dma_wait3A_435] : memref<61440xf32, #tpu.memory_space<vmem>> -> memref<3840xf32, #tpu.memory_space<vmem>>
      %dma_wait3A_437 = arith.constant 0 : i32
      %dma_wait3A_438 = tpu.memref_slice %arg5[%dma_wait3A_437] : memref<384000xf32, #tpu.memory_space<vmem_shared>> -> memref<3840xf32, #tpu.memory_space<vmem_shared>>
      tpu.wait_dma2 semaphore(%arg8 : memref<!tpu.dma_semaphore, #tpu.memory_space<semaphore_mem>>) src(%dma_wait3A_438 : memref<3840xf32, #tpu.memory_space<vmem_shared>>) dst(%dma_wait3A_436 : memref<3840xf32, #tpu.memory_space<vmem>>)
      %dma_wait3A_439 = arith.constant 0 : i32
      %dma_wait3A_440 = tpu.memref_slice %arg7[%dma_wait3A_439] : memref<61440xf32, #tpu.memory_space<vmem>> -> memref<3840xf32, #tpu.memory_space<vmem>>
      %dma_wait3A_441 = arith.constant 0 : i32
      %dma_wait3A_442 = tpu.memref_slice %arg5[%dma_wait3A_441] : memref<384000xf32, #tpu.memory_space<vmem_shared>> -> memref<3840xf32, #tpu.memory_space<vmem_shared>>
      %dma_wait3A_443 = arith.constant 0 : i32
      %dma_wait3A_444 = tpu.memref_slice %arg7[%dma_wait3A_443] : memref<61440xf32, #tpu.memory_space<vmem>> -> memref<3840xf32, #tpu.memory_space<vmem>>
      %dma_wait3A_445 = arith.constant 0 : i32
      %dma_wait3A_446 = tpu.memref_slice %arg5[%dma_wait3A_445] : memref<384000xf32, #tpu.memory_space<vmem_shared>> -> memref<3840xf32, #tpu.memory_space<vmem_shared>>
      tpu.wait_dma2 semaphore(%arg8 : memref<!tpu.dma_semaphore, #tpu.memory_space<semaphore_mem>>) src(%dma_wait3A_446 : memref<3840xf32, #tpu.memory_space<vmem_shared>>) dst(%dma_wait3A_444 : memref<3840xf32, #tpu.memory_space<vmem>>)
      %dma_wait3A_447 = arith.constant 0 : i32
      %dma_wait3A_448 = tpu.memref_slice %arg7[%dma_wait3A_447] : memref<61440xf32, #tpu.memory_space<vmem>> -> memref<3840xf32, #tpu.memory_space<vmem>>
      %dma_wait3A_449 = arith.constant 0 : i32
      %dma_wait3A_450 = tpu.memref_slice %arg5[%dma_wait3A_449] : memref<384000xf32, #tpu.memory_space<vmem_shared>> -> memref<3840xf32, #tpu.memory_space<vmem_shared>>
      %dma_wait3A_451 = arith.constant 0 : i32
      %dma_wait3A_452 = tpu.memref_slice %arg7[%dma_wait3A_451] : memref<61440xf32, #tpu.memory_space<vmem>> -> memref<3840xf32, #tpu.memory_space<vmem>>
      %dma_wait3A_453 = arith.constant 0 : i32
      %dma_wait3A_454 = tpu.memref_slice %arg5[%dma_wait3A_453] : memref<384000xf32, #tpu.memory_space<vmem_shared>> -> memref<3840xf32, #tpu.memory_space<vmem_shared>>
      tpu.wait_dma2 semaphore(%arg8 : memref<!tpu.dma_semaphore, #tpu.memory_space<semaphore_mem>>) src(%dma_wait3A_454 : memref<3840xf32, #tpu.memory_space<vmem_shared>>) dst(%dma_wait3A_452 : memref<3840xf32, #tpu.memory_space<vmem>>)
      %dma_wait3A_455 = arith.constant 0 : i32
      %dma_wait3A_456 = tpu.memref_slice %arg7[%dma_wait3A_455] : memref<61440xf32, #tpu.memory_space<vmem>> -> memref<3840xf32, #tpu.memory_space<vmem>>
      %dma_wait3A_457 = arith.constant 0 : i32
      %dma_wait3A_458 = tpu.memref_slice %arg5[%dma_wait3A_457] : memref<384000xf32, #tpu.memory_space<vmem_shared>> -> memref<3840xf32, #tpu.memory_space<vmem_shared>>
      %dma_wait3A_459 = arith.constant 0 : i32
      %dma_wait3A_460 = tpu.memref_slice %arg7[%dma_wait3A_459] : memref<61440xf32, #tpu.memory_space<vmem>> -> memref<3840xf32, #tpu.memory_space<vmem>>
      %dma_wait3A_461 = arith.constant 0 : i32
      %dma_wait3A_462 = tpu.memref_slice %arg5[%dma_wait3A_461] : memref<384000xf32, #tpu.memory_space<vmem_shared>> -> memref<3840xf32, #tpu.memory_space<vmem_shared>>
      tpu.wait_dma2 semaphore(%arg8 : memref<!tpu.dma_semaphore, #tpu.memory_space<semaphore_mem>>) src(%dma_wait3A_462 : memref<3840xf32, #tpu.memory_space<vmem_shared>>) dst(%dma_wait3A_460 : memref<3840xf32, #tpu.memory_space<vmem>>)
      %dma_wait3A_463 = arith.constant 0 : i32
      %dma_wait3A_464 = tpu.memref_slice %arg7[%dma_wait3A_463] : memref<61440xf32, #tpu.memory_space<vmem>> -> memref<3840xf32, #tpu.memory_space<vmem>>
      %dma_wait3A_465 = arith.constant 0 : i32
      %dma_wait3A_466 = tpu.memref_slice %arg5[%dma_wait3A_465] : memref<384000xf32, #tpu.memory_space<vmem_shared>> -> memref<3840xf32, #tpu.memory_space<vmem_shared>>
      %dma_wait3A_467 = arith.constant 0 : i32
      %dma_wait3A_468 = tpu.memref_slice %arg7[%dma_wait3A_467] : memref<61440xf32, #tpu.memory_space<vmem>> -> memref<3840xf32, #tpu.memory_space<vmem>>
      %dma_wait3A_469 = arith.constant 0 : i32
      %dma_wait3A_470 = tpu.memref_slice %arg5[%dma_wait3A_469] : memref<384000xf32, #tpu.memory_space<vmem_shared>> -> memref<3840xf32, #tpu.memory_space<vmem_shared>>
      tpu.wait_dma2 semaphore(%arg8 : memref<!tpu.dma_semaphore, #tpu.memory_space<semaphore_mem>>) src(%dma_wait3A_470 : memref<3840xf32, #tpu.memory_space<vmem_shared>>) dst(%dma_wait3A_468 : memref<3840xf32, #tpu.memory_space<vmem>>)
      %sub3A = arith.constant 1 : i32
      %sub3A_471 = arith.subi %add3A_400, %sub3A : i32
      %mul3A_472 = arith.constant 30720 : i32
      %mul3A_473 = arith.muli %sub3A_471, %mul3A_472 : i32
      %add3A_474 = arith.addi %mul3A_4, %mul3A_473 : i32
      %dma_start3A_475 = arith.constant 30720 : i32
      %dma_start3A_476 = tpu.memref_slice %arg7[%dma_start3A_475] : memref<61440xf32, #tpu.memory_space<vmem>> -> memref<30720xf32, #tpu.memory_space<vmem>>
      %dma_start3A_477 = tpu.memref_slice %arg4[%add3A_474] : memref<39321600xf32, #tpu.memory_space<hbm>> -> memref<30720xf32, #tpu.memory_space<hbm>>
      %dma_start3A_478 = tpu.memref_slice %arg4[%add3A_474] : memref<39321600xf32, #tpu.memory_space<hbm>> -> memref<30720xf32, #tpu.memory_space<hbm>>
      %dma_start3A_479 = arith.constant 30720 : i32
      %dma_start3A_480 = tpu.memref_slice %arg7[%dma_start3A_479] : memref<61440xf32, #tpu.memory_space<vmem>> -> memref<30720xf32, #tpu.memory_space<vmem>>
      tpu.enqueue_dma source(%dma_start3A_480 : memref<30720xf32, #tpu.memory_space<vmem>>) target(%dma_start3A_478 : memref<30720xf32, #tpu.memory_space<hbm>>) target_semaphore(%arg9 : memref<!tpu.dma_semaphore, #tpu.memory_space<semaphore_mem>>)
      %slice3A_481 = vector.extract_strided_slice %get3A_394 {offsets = [0], sizes = [1], strides = [1]} : vector<16xi32> to vector<1xi32>
      %squeeze3A_482 = vector.extract %slice3A_481[0] : i32 from vector<1xi32>
      %mul3A_483 = arith.constant 3840 : i32
      %mul3A_484 = arith.muli %squeeze3A_482, %mul3A_483 : i32
      %dma_start3A_485 = arith.constant 0 : i32
      %dma_start3A_486 = tpu.memref_slice %arg7[%dma_start3A_485] : memref<61440xf32, #tpu.memory_space<vmem>> -> memref<3840xf32, #tpu.memory_space<vmem>>
      %dma_start3A_487 = tpu.memref_slice %arg5[%mul3A_484] : memref<384000xf32, #tpu.memory_space<vmem_shared>> -> memref<3840xf32, #tpu.memory_space<vmem_shared>>
      %dma_start3A_488 = arith.constant 0 : i32
      %dma_start3A_489 = tpu.memref_slice %arg7[%dma_start3A_488] : memref<61440xf32, #tpu.memory_space<vmem>> -> memref<3840xf32, #tpu.memory_space<vmem>>
      %dma_start3A_490 = tpu.memref_slice %arg5[%mul3A_484] : memref<384000xf32, #tpu.memory_space<vmem_shared>> -> memref<3840xf32, #tpu.memory_space<vmem_shared>>
      tpu.enqueue_dma source(%dma_start3A_490 : memref<3840xf32, #tpu.memory_space<vmem_shared>>) target(%dma_start3A_489 : memref<3840xf32, #tpu.memory_space<vmem>>) target_semaphore(%arg8 : memref<!tpu.dma_semaphore, #tpu.memory_space<semaphore_mem>>)
      %slice3A_491 = vector.extract_strided_slice %get3A_394 {offsets = [1], sizes = [1], strides = [1]} : vector<16xi32> to vector<1xi32>
      %squeeze3A_492 = vector.extract %slice3A_491[0] : i32 from vector<1xi32>
      %mul3A_493 = arith.constant 3840 : i32
      %mul3A_494 = arith.muli %squeeze3A_492, %mul3A_493 : i32
      %dma_start3A_495 = arith.constant 3840 : i32
      %dma_start3A_496 = tpu.memref_slice %arg7[%dma_start3A_495] : memref<61440xf32, #tpu.memory_space<vmem>> -> memref<3840xf32, #tpu.memory_space<vmem>>
      %dma_start3A_497 = tpu.memref_slice %arg5[%mul3A_494] : memref<384000xf32, #tpu.memory_space<vmem_shared>> -> memref<3840xf32, #tpu.memory_space<vmem_shared>>
      %dma_start3A_498 = arith.constant 3840 : i32
      %dma_start3A_499 = tpu.memref_slice %arg7[%dma_start3A_498] : memref<61440xf32, #tpu.memory_space<vmem>> -> memref<3840xf32, #tpu.memory_space<vmem>>
      %dma_start3A_500 = tpu.memref_slice %arg5[%mul3A_494] : memref<384000xf32, #tpu.memory_space<vmem_shared>> -> memref<3840xf32, #tpu.memory_space<vmem_shared>>
      tpu.enqueue_dma source(%dma_start3A_500 : memref<3840xf32, #tpu.memory_space<vmem_shared>>) target(%dma_start3A_499 : memref<3840xf32, #tpu.memory_space<vmem>>) target_semaphore(%arg8 : memref<!tpu.dma_semaphore, #tpu.memory_space<semaphore_mem>>)
      %slice3A_501 = vector.extract_strided_slice %get3A_394 {offsets = [2], sizes = [1], strides = [1]} : vector<16xi32> to vector<1xi32>
      %squeeze3A_502 = vector.extract %slice3A_501[0] : i32 from vector<1xi32>
      %mul3A_503 = arith.constant 3840 : i32
      %mul3A_504 = arith.muli %squeeze3A_502, %mul3A_503 : i32
      %dma_start3A_505 = arith.constant 7680 : i32
      %dma_start3A_506 = tpu.memref_slice %arg7[%dma_start3A_505] : memref<61440xf32, #tpu.memory_space<vmem>> -> memref<3840xf32, #tpu.memory_space<vmem>>
      %dma_start3A_507 = tpu.memref_slice %arg5[%mul3A_504] : memref<384000xf32, #tpu.memory_space<vmem_shared>> -> memref<3840xf32, #tpu.memory_space<vmem_shared>>
      %dma_start3A_508 = arith.constant 7680 : i32
      %dma_start3A_509 = tpu.memref_slice %arg7[%dma_start3A_508] : memref<61440xf32, #tpu.memory_space<vmem>> -> memref<3840xf32, #tpu.memory_space<vmem>>
      %dma_start3A_510 = tpu.memref_slice %arg5[%mul3A_504] : memref<384000xf32, #tpu.memory_space<vmem_shared>> -> memref<3840xf32, #tpu.memory_space<vmem_shared>>
      tpu.enqueue_dma source(%dma_start3A_510 : memref<3840xf32, #tpu.memory_space<vmem_shared>>) target(%dma_start3A_509 : memref<3840xf32, #tpu.memory_space<vmem>>) target_semaphore(%arg8 : memref<!tpu.dma_semaphore, #tpu.memory_space<semaphore_mem>>)
      %slice3A_511 = vector.extract_strided_slice %get3A_394 {offsets = [3], sizes = [1], strides = [1]} : vector<16xi32> to vector<1xi32>
      %squeeze3A_512 = vector.extract %slice3A_511[0] : i32 from vector<1xi32>
      %mul3A_513 = arith.constant 3840 : i32
      %mul3A_514 = arith.muli %squeeze3A_512, %mul3A_513 : i32
      %dma_start3A_515 = arith.constant 11520 : i32
      %dma_start3A_516 = tpu.memref_slice %arg7[%dma_start3A_515] : memref<61440xf32, #tpu.memory_space<vmem>> -> memref<3840xf32, #tpu.memory_space<vmem>>
      %dma_start3A_517 = tpu.memref_slice %arg5[%mul3A_514] : memref<384000xf32, #tpu.memory_space<vmem_shared>> -> memref<3840xf32, #tpu.memory_space<vmem_shared>>
      %dma_start3A_518 = arith.constant 11520 : i32
      %dma_start3A_519 = tpu.memref_slice %arg7[%dma_start3A_518] : memref<61440xf32, #tpu.memory_space<vmem>> -> memref<3840xf32, #tpu.memory_space<vmem>>
      %dma_start3A_520 = tpu.memref_slice %arg5[%mul3A_514] : memref<384000xf32, #tpu.memory_space<vmem_shared>> -> memref<3840xf32, #tpu.memory_space<vmem_shared>>
      tpu.enqueue_dma source(%dma_start3A_520 : memref<3840xf32, #tpu.memory_space<vmem_shared>>) target(%dma_start3A_519 : memref<3840xf32, #tpu.memory_space<vmem>>) target_semaphore(%arg8 : memref<!tpu.dma_semaphore, #tpu.memory_space<semaphore_mem>>)
      %slice3A_521 = vector.extract_strided_slice %get3A_394 {offsets = [4], sizes = [1], strides = [1]} : vector<16xi32> to vector<1xi32>
      %squeeze3A_522 = vector.extract %slice3A_521[0] : i32 from vector<1xi32>
      %mul3A_523 = arith.constant 3840 : i32
      %mul3A_524 = arith.muli %squeeze3A_522, %mul3A_523 : i32
      %dma_start3A_525 = arith.constant 15360 : i32
      %dma_start3A_526 = tpu.memref_slice %arg7[%dma_start3A_525] : memref<61440xf32, #tpu.memory_space<vmem>> -> memref<3840xf32, #tpu.memory_space<vmem>>
      %dma_start3A_527 = tpu.memref_slice %arg5[%mul3A_524] : memref<384000xf32, #tpu.memory_space<vmem_shared>> -> memref<3840xf32, #tpu.memory_space<vmem_shared>>
      %dma_start3A_528 = arith.constant 15360 : i32
      %dma_start3A_529 = tpu.memref_slice %arg7[%dma_start3A_528] : memref<61440xf32, #tpu.memory_space<vmem>> -> memref<3840xf32, #tpu.memory_space<vmem>>
      %dma_start3A_530 = tpu.memref_slice %arg5[%mul3A_524] : memref<384000xf32, #tpu.memory_space<vmem_shared>> -> memref<3840xf32, #tpu.memory_space<vmem_shared>>
      tpu.enqueue_dma source(%dma_start3A_530 : memref<3840xf32, #tpu.memory_space<vmem_shared>>) target(%dma_start3A_529 : memref<3840xf32, #tpu.memory_space<vmem>>) target_semaphore(%arg8 : memref<!tpu.dma_semaphore, #tpu.memory_space<semaphore_mem>>)
      %slice3A_531 = vector.extract_strided_slice %get3A_394 {offsets = [5], sizes = [1], strides = [1]} : vector<16xi32> to vector<1xi32>
      %squeeze3A_532 = vector.extract %slice3A_531[0] : i32 from vector<1xi32>
      %mul3A_533 = arith.constant 3840 : i32
      %mul3A_534 = arith.muli %squeeze3A_532, %mul3A_533 : i32
      %dma_start3A_535 = arith.constant 19200 : i32
      %dma_start3A_536 = tpu.memref_slice %arg7[%dma_start3A_535] : memref<61440xf32, #tpu.memory_space<vmem>> -> memref<3840xf32, #tpu.memory_space<vmem>>
      %dma_start3A_537 = tpu.memref_slice %arg5[%mul3A_534] : memref<384000xf32, #tpu.memory_space<vmem_shared>> -> memref<3840xf32, #tpu.memory_space<vmem_shared>>
      %dma_start3A_538 = arith.constant 19200 : i32
      %dma_start3A_539 = tpu.memref_slice %arg7[%dma_start3A_538] : memref<61440xf32, #tpu.memory_space<vmem>> -> memref<3840xf32, #tpu.memory_space<vmem>>
      %dma_start3A_540 = tpu.memref_slice %arg5[%mul3A_534] : memref<384000xf32, #tpu.memory_space<vmem_shared>> -> memref<3840xf32, #tpu.memory_space<vmem_shared>>
      tpu.enqueue_dma source(%dma_start3A_540 : memref<3840xf32, #tpu.memory_space<vmem_shared>>) target(%dma_start3A_539 : memref<3840xf32, #tpu.memory_space<vmem>>) target_semaphore(%arg8 : memref<!tpu.dma_semaphore, #tpu.memory_space<semaphore_mem>>)
      %slice3A_541 = vector.extract_strided_slice %get3A_394 {offsets = [6], sizes = [1], strides = [1]} : vector<16xi32> to vector<1xi32>
      %squeeze3A_542 = vector.extract %slice3A_541[0] : i32 from vector<1xi32>
      %mul3A_543 = arith.constant 3840 : i32
      %mul3A_544 = arith.muli %squeeze3A_542, %mul3A_543 : i32
      %dma_start3A_545 = arith.constant 23040 : i32
      %dma_start3A_546 = tpu.memref_slice %arg7[%dma_start3A_545] : memref<61440xf32, #tpu.memory_space<vmem>> -> memref<3840xf32, #tpu.memory_space<vmem>>
      %dma_start3A_547 = tpu.memref_slice %arg5[%mul3A_544] : memref<384000xf32, #tpu.memory_space<vmem_shared>> -> memref<3840xf32, #tpu.memory_space<vmem_shared>>
      %dma_start3A_548 = arith.constant 23040 : i32
      %dma_start3A_549 = tpu.memref_slice %arg7[%dma_start3A_548] : memref<61440xf32, #tpu.memory_space<vmem>> -> memref<3840xf32, #tpu.memory_space<vmem>>
      %dma_start3A_550 = tpu.memref_slice %arg5[%mul3A_544] : memref<384000xf32, #tpu.memory_space<vmem_shared>> -> memref<3840xf32, #tpu.memory_space<vmem_shared>>
      tpu.enqueue_dma source(%dma_start3A_550 : memref<3840xf32, #tpu.memory_space<vmem_shared>>) target(%dma_start3A_549 : memref<3840xf32, #tpu.memory_space<vmem>>) target_semaphore(%arg8 : memref<!tpu.dma_semaphore, #tpu.memory_space<semaphore_mem>>)
      %slice3A_551 = vector.extract_strided_slice %get3A_394 {offsets = [7], sizes = [1], strides = [1]} : vector<16xi32> to vector<1xi32>
      %squeeze3A_552 = vector.extract %slice3A_551[0] : i32 from vector<1xi32>
      %mul3A_553 = arith.constant 3840 : i32
      %mul3A_554 = arith.muli %squeeze3A_552, %mul3A_553 : i32
      %dma_start3A_555 = arith.constant 26880 : i32
      %dma_start3A_556 = tpu.memref_slice %arg7[%dma_start3A_555] : memref<61440xf32, #tpu.memory_space<vmem>> -> memref<3840xf32, #tpu.memory_space<vmem>>
      %dma_start3A_557 = tpu.memref_slice %arg5[%mul3A_554] : memref<384000xf32, #tpu.memory_space<vmem_shared>> -> memref<3840xf32, #tpu.memory_space<vmem_shared>>
      %dma_start3A_558 = arith.constant 26880 : i32
      %dma_start3A_559 = tpu.memref_slice %arg7[%dma_start3A_558] : memref<61440xf32, #tpu.memory_space<vmem>> -> memref<3840xf32, #tpu.memory_space<vmem>>
      %dma_start3A_560 = tpu.memref_slice %arg5[%mul3A_554] : memref<384000xf32, #tpu.memory_space<vmem_shared>> -> memref<3840xf32, #tpu.memory_space<vmem_shared>>
      tpu.enqueue_dma source(%dma_start3A_560 : memref<3840xf32, #tpu.memory_space<vmem_shared>>) target(%dma_start3A_559 : memref<3840xf32, #tpu.memory_space<vmem>>) target_semaphore(%arg8 : memref<!tpu.dma_semaphore, #tpu.memory_space<semaphore_mem>>)
      %mul3A_561 = arith.constant 2 : i32
      %mul3A_562 = arith.muli %scan3A_388, %mul3A_561 : i32
      %add3A_563 = arith.constant 2 : i32
      %add3A_564 = arith.addi %mul3A_562, %add3A_563 : i32
      %add3A_565 = arith.constant 1 : i32
      %add3A_566 = arith.addi %add3A_564, %add3A_565 : i32
      %dma_wait3A_567 = arith.constant 0 : i32
      %dma_wait3A_568 = tpu.memref_slice %arg7[%dma_wait3A_567] : memref<61440xf32, #tpu.memory_space<vmem>> -> memref<30720xf32, #tpu.memory_space<vmem>>
      %dma_wait3A_569 = tpu.memref_slice %arg4[%mul3A_4] : memref<39321600xf32, #tpu.memory_space<hbm>> -> memref<30720xf32, #tpu.memory_space<hbm>>
      %dma_wait3A_570 = tpu.memref_slice %arg4[%mul3A_4] : memref<39321600xf32, #tpu.memory_space<hbm>> -> memref<30720xf32, #tpu.memory_space<hbm>>
      %dma_wait3A_571 = arith.constant 0 : i32
      %dma_wait3A_572 = tpu.memref_slice %arg7[%dma_wait3A_571] : memref<61440xf32, #tpu.memory_space<vmem>> -> memref<30720xf32, #tpu.memory_space<vmem>>
      tpu.wait_dma2 semaphore(%arg9 : memref<!tpu.dma_semaphore, #tpu.memory_space<semaphore_mem>>) src(%dma_wait3A_572 : memref<30720xf32, #tpu.memory_space<vmem>>) dst(%dma_wait3A_570 : memref<30720xf32, #tpu.memory_space<hbm>>)
      %dma_wait3A_573 = arith.constant 0 : i32
      %dma_wait3A_574 = tpu.memref_slice %arg7[%dma_wait3A_573] : memref<61440xf32, #tpu.memory_space<vmem>> -> memref<3840xf32, #tpu.memory_space<vmem>>
      %dma_wait3A_575 = arith.constant 0 : i32
      %dma_wait3A_576 = tpu.memref_slice %arg5[%dma_wait3A_575] : memref<384000xf32, #tpu.memory_space<vmem_shared>> -> memref<3840xf32, #tpu.memory_space<vmem_shared>>
      %dma_wait3A_577 = arith.constant 0 : i32
      %dma_wait3A_578 = tpu.memref_slice %arg7[%dma_wait3A_577] : memref<61440xf32, #tpu.memory_space<vmem>> -> memref<3840xf32, #tpu.memory_space<vmem>>
      %dma_wait3A_579 = arith.constant 0 : i32
      %dma_wait3A_580 = tpu.memref_slice %arg5[%dma_wait3A_579] : memref<384000xf32, #tpu.memory_space<vmem_shared>> -> memref<3840xf32, #tpu.memory_space<vmem_shared>>
      tpu.wait_dma2 semaphore(%arg8 : memref<!tpu.dma_semaphore, #tpu.memory_space<semaphore_mem>>) src(%dma_wait3A_580 : memref<3840xf32, #tpu.memory_space<vmem_shared>>) dst(%dma_wait3A_578 : memref<3840xf32, #tpu.memory_space<vmem>>)
      %dma_wait3A_581 = arith.constant 0 : i32
      %dma_wait3A_582 = tpu.memref_slice %arg7[%dma_wait3A_581] : memref<61440xf32, #tpu.memory_space<vmem>> -> memref<3840xf32, #tpu.memory_space<vmem>>
      %dma_wait3A_583 = arith.constant 0 : i32
      %dma_wait3A_584 = tpu.memref_slice %arg5[%dma_wait3A_583] : memref<384000xf32, #tpu.memory_space<vmem_shared>> -> memref<3840xf32, #tpu.memory_space<vmem_shared>>
      %dma_wait3A_585 = arith.constant 0 : i32
      %dma_wait3A_586 = tpu.memref_slice %arg7[%dma_wait3A_585] : memref<61440xf32, #tpu.memory_space<vmem>> -> memref<3840xf32, #tpu.memory_space<vmem>>
      %dma_wait3A_587 = arith.constant 0 : i32
      %dma_wait3A_588 = tpu.memref_slice %arg5[%dma_wait3A_587] : memref<384000xf32, #tpu.memory_space<vmem_shared>> -> memref<3840xf32, #tpu.memory_space<vmem_shared>>
      tpu.wait_dma2 semaphore(%arg8 : memref<!tpu.dma_semaphore, #tpu.memory_space<semaphore_mem>>) src(%dma_wait3A_588 : memref<3840xf32, #tpu.memory_space<vmem_shared>>) dst(%dma_wait3A_586 : memref<3840xf32, #tpu.memory_space<vmem>>)
      %dma_wait3A_589 = arith.constant 0 : i32
      %dma_wait3A_590 = tpu.memref_slice %arg7[%dma_wait3A_589] : memref<61440xf32, #tpu.memory_space<vmem>> -> memref<3840xf32, #tpu.memory_space<vmem>>
      %dma_wait3A_591 = arith.constant 0 : i32
      %dma_wait3A_592 = tpu.memref_slice %arg5[%dma_wait3A_591] : memref<384000xf32, #tpu.memory_space<vmem_shared>> -> memref<3840xf32, #tpu.memory_space<vmem_shared>>
      %dma_wait3A_593 = arith.constant 0 : i32
      %dma_wait3A_594 = tpu.memref_slice %arg7[%dma_wait3A_593] : memref<61440xf32, #tpu.memory_space<vmem>> -> memref<3840xf32, #tpu.memory_space<vmem>>
      %dma_wait3A_595 = arith.constant 0 : i32
      %dma_wait3A_596 = tpu.memref_slice %arg5[%dma_wait3A_595] : memref<384000xf32, #tpu.memory_space<vmem_shared>> -> memref<3840xf32, #tpu.memory_space<vmem_shared>>
      tpu.wait_dma2 semaphore(%arg8 : memref<!tpu.dma_semaphore, #tpu.memory_space<semaphore_mem>>) src(%dma_wait3A_596 : memref<3840xf32, #tpu.memory_space<vmem_shared>>) dst(%dma_wait3A_594 : memref<3840xf32, #tpu.memory_space<vmem>>)
      %dma_wait3A_597 = arith.constant 0 : i32
      %dma_wait3A_598 = tpu.memref_slice %arg7[%dma_wait3A_597] : memref<61440xf32, #tpu.memory_space<vmem>> -> memref<3840xf32, #tpu.memory_space<vmem>>
      %dma_wait3A_599 = arith.constant 0 : i32
      %dma_wait3A_600 = tpu.memref_slice %arg5[%dma_wait3A_599] : memref<384000xf32, #tpu.memory_space<vmem_shared>> -> memref<3840xf32, #tpu.memory_space<vmem_shared>>
      %dma_wait3A_601 = arith.constant 0 : i32
      %dma_wait3A_602 = tpu.memref_slice %arg7[%dma_wait3A_601] : memref<61440xf32, #tpu.memory_space<vmem>> -> memref<3840xf32, #tpu.memory_space<vmem>>
      %dma_wait3A_603 = arith.constant 0 : i32
      %dma_wait3A_604 = tpu.memref_slice %arg5[%dma_wait3A_603] : memref<384000xf32, #tpu.memory_space<vmem_shared>> -> memref<3840xf32, #tpu.memory_space<vmem_shared>>
      tpu.wait_dma2 semaphore(%arg8 : memref<!tpu.dma_semaphore, #tpu.memory_space<semaphore_mem>>) src(%dma_wait3A_604 : memref<3840xf32, #tpu.memory_space<vmem_shared>>) dst(%dma_wait3A_602 : memref<3840xf32, #tpu.memory_space<vmem>>)
      %dma_wait3A_605 = arith.constant 0 : i32
      %dma_wait3A_606 = tpu.memref_slice %arg7[%dma_wait3A_605] : memref<61440xf32, #tpu.memory_space<vmem>> -> memref<3840xf32, #tpu.memory_space<vmem>>
      %dma_wait3A_607 = arith.constant 0 : i32
      %dma_wait3A_608 = tpu.memref_slice %arg5[%dma_wait3A_607] : memref<384000xf32, #tpu.memory_space<vmem_shared>> -> memref<3840xf32, #tpu.memory_space<vmem_shared>>
      %dma_wait3A_609 = arith.constant 0 : i32
      %dma_wait3A_610 = tpu.memref_slice %arg7[%dma_wait3A_609] : memref<61440xf32, #tpu.memory_space<vmem>> -> memref<3840xf32, #tpu.memory_space<vmem>>
      %dma_wait3A_611 = arith.constant 0 : i32
      %dma_wait3A_612 = tpu.memref_slice %arg5[%dma_wait3A_611] : memref<384000xf32, #tpu.memory_space<vmem_shared>> -> memref<3840xf32, #tpu.memory_space<vmem_shared>>
      tpu.wait_dma2 semaphore(%arg8 : memref<!tpu.dma_semaphore, #tpu.memory_space<semaphore_mem>>) src(%dma_wait3A_612 : memref<3840xf32, #tpu.memory_space<vmem_shared>>) dst(%dma_wait3A_610 : memref<3840xf32, #tpu.memory_space<vmem>>)
      %dma_wait3A_613 = arith.constant 0 : i32
      %dma_wait3A_614 = tpu.memref_slice %arg7[%dma_wait3A_613] : memref<61440xf32, #tpu.memory_space<vmem>> -> memref<3840xf32, #tpu.memory_space<vmem>>
      %dma_wait3A_615 = arith.constant 0 : i32
      %dma_wait3A_616 = tpu.memref_slice %arg5[%dma_wait3A_615] : memref<384000xf32, #tpu.memory_space<vmem_shared>> -> memref<3840xf32, #tpu.memory_space<vmem_shared>>
      %dma_wait3A_617 = arith.constant 0 : i32
      %dma_wait3A_618 = tpu.memref_slice %arg7[%dma_wait3A_617] : memref<61440xf32, #tpu.memory_space<vmem>> -> memref<3840xf32, #tpu.memory_space<vmem>>
      %dma_wait3A_619 = arith.constant 0 : i32
      %dma_wait3A_620 = tpu.memref_slice %arg5[%dma_wait3A_619] : memref<384000xf32, #tpu.memory_space<vmem_shared>> -> memref<3840xf32, #tpu.memory_space<vmem_shared>>
      tpu.wait_dma2 semaphore(%arg8 : memref<!tpu.dma_semaphore, #tpu.memory_space<semaphore_mem>>) src(%dma_wait3A_620 : memref<3840xf32, #tpu.memory_space<vmem_shared>>) dst(%dma_wait3A_618 : memref<3840xf32, #tpu.memory_space<vmem>>)
      %dma_wait3A_621 = arith.constant 0 : i32
      %dma_wait3A_622 = tpu.memref_slice %arg7[%dma_wait3A_621] : memref<61440xf32, #tpu.memory_space<vmem>> -> memref<3840xf32, #tpu.memory_space<vmem>>
      %dma_wait3A_623 = arith.constant 0 : i32
      %dma_wait3A_624 = tpu.memref_slice %arg5[%dma_wait3A_623] : memref<384000xf32, #tpu.memory_space<vmem_shared>> -> memref<3840xf32, #tpu.memory_space<vmem_shared>>
      %dma_wait3A_625 = arith.constant 0 : i32
      %dma_wait3A_626 = tpu.memref_slice %arg7[%dma_wait3A_625] : memref<61440xf32, #tpu.memory_space<vmem>> -> memref<3840xf32, #tpu.memory_space<vmem>>
      %dma_wait3A_627 = arith.constant 0 : i32
      %dma_wait3A_628 = tpu.memref_slice %arg5[%dma_wait3A_627] : memref<384000xf32, #tpu.memory_space<vmem_shared>> -> memref<3840xf32, #tpu.memory_space<vmem_shared>>
      tpu.wait_dma2 semaphore(%arg8 : memref<!tpu.dma_semaphore, #tpu.memory_space<semaphore_mem>>) src(%dma_wait3A_628 : memref<3840xf32, #tpu.memory_space<vmem_shared>>) dst(%dma_wait3A_626 : memref<3840xf32, #tpu.memory_space<vmem>>)
      %dma_wait3A_629 = arith.constant 0 : i32
      %dma_wait3A_630 = tpu.memref_slice %arg7[%dma_wait3A_629] : memref<61440xf32, #tpu.memory_space<vmem>> -> memref<3840xf32, #tpu.memory_space<vmem>>
      %dma_wait3A_631 = arith.constant 0 : i32
      %dma_wait3A_632 = tpu.memref_slice %arg5[%dma_wait3A_631] : memref<384000xf32, #tpu.memory_space<vmem_shared>> -> memref<3840xf32, #tpu.memory_space<vmem_shared>>
      %dma_wait3A_633 = arith.constant 0 : i32
      %dma_wait3A_634 = tpu.memref_slice %arg7[%dma_wait3A_633] : memref<61440xf32, #tpu.memory_space<vmem>> -> memref<3840xf32, #tpu.memory_space<vmem>>
      %dma_wait3A_635 = arith.constant 0 : i32
      %dma_wait3A_636 = tpu.memref_slice %arg5[%dma_wait3A_635] : memref<384000xf32, #tpu.memory_space<vmem_shared>> -> memref<3840xf32, #tpu.memory_space<vmem_shared>>
      tpu.wait_dma2 semaphore(%arg8 : memref<!tpu.dma_semaphore, #tpu.memory_space<semaphore_mem>>) src(%dma_wait3A_636 : memref<3840xf32, #tpu.memory_space<vmem_shared>>) dst(%dma_wait3A_634 : memref<3840xf32, #tpu.memory_space<vmem>>)
      %sub3A_637 = arith.constant 1 : i32
      %sub3A_638 = arith.subi %add3A_566, %sub3A_637 : i32
      %mul3A_639 = arith.constant 30720 : i32
      %mul3A_640 = arith.muli %sub3A_638, %mul3A_639 : i32
      %add3A_641 = arith.addi %mul3A_4, %mul3A_640 : i32
      %dma_start3A_642 = arith.constant 0 : i32
      %dma_start3A_643 = tpu.memref_slice %arg7[%dma_start3A_642] : memref<61440xf32, #tpu.memory_space<vmem>> -> memref<30720xf32, #tpu.memory_space<vmem>>
      %dma_start3A_644 = tpu.memref_slice %arg4[%add3A_641] : memref<39321600xf32, #tpu.memory_space<hbm>> -> memref<30720xf32, #tpu.memory_space<hbm>>
      %dma_start3A_645 = tpu.memref_slice %arg4[%add3A_641] : memref<39321600xf32, #tpu.memory_space<hbm>> -> memref<30720xf32, #tpu.memory_space<hbm>>
      %dma_start3A_646 = arith.constant 0 : i32
      %dma_start3A_647 = tpu.memref_slice %arg7[%dma_start3A_646] : memref<61440xf32, #tpu.memory_space<vmem>> -> memref<30720xf32, #tpu.memory_space<vmem>>
      tpu.enqueue_dma source(%dma_start3A_647 : memref<30720xf32, #tpu.memory_space<vmem>>) target(%dma_start3A_645 : memref<30720xf32, #tpu.memory_space<hbm>>) target_semaphore(%arg9 : memref<!tpu.dma_semaphore, #tpu.memory_space<semaphore_mem>>)
      %slice3A_648 = vector.extract_strided_slice %get3A_394 {offsets = [8], sizes = [1], strides = [1]} : vector<16xi32> to vector<1xi32>
      %squeeze3A_649 = vector.extract %slice3A_648[0] : i32 from vector<1xi32>
      %mul3A_650 = arith.constant 3840 : i32
      %mul3A_651 = arith.muli %squeeze3A_649, %mul3A_650 : i32
      %dma_start3A_652 = arith.constant 30720 : i32
      %dma_start3A_653 = tpu.memref_slice %arg7[%dma_start3A_652] : memref<61440xf32, #tpu.memory_space<vmem>> -> memref<3840xf32, #tpu.memory_space<vmem>>
      %dma_start3A_654 = tpu.memref_slice %arg5[%mul3A_651] : memref<384000xf32, #tpu.memory_space<vmem_shared>> -> memref<3840xf32, #tpu.memory_space<vmem_shared>>
      %dma_start3A_655 = arith.constant 30720 : i32
      %dma_start3A_656 = tpu.memref_slice %arg7[%dma_start3A_655] : memref<61440xf32, #tpu.memory_space<vmem>> -> memref<3840xf32, #tpu.memory_space<vmem>>
      %dma_start3A_657 = tpu.memref_slice %arg5[%mul3A_651] : memref<384000xf32, #tpu.memory_space<vmem_shared>> -> memref<3840xf32, #tpu.memory_space<vmem_shared>>
      tpu.enqueue_dma source(%dma_start3A_657 : memref<3840xf32, #tpu.memory_space<vmem_shared>>) target(%dma_start3A_656 : memref<3840xf32, #tpu.memory_space<vmem>>) target_semaphore(%arg8 : memref<!tpu.dma_semaphore, #tpu.memory_space<semaphore_mem>>)
      %slice3A_658 = vector.extract_strided_slice %get3A_394 {offsets = [9], sizes = [1], strides = [1]} : vector<16xi32> to vector<1xi32>
      %squeeze3A_659 = vector.extract %slice3A_658[0] : i32 from vector<1xi32>
      %mul3A_660 = arith.constant 3840 : i32
      %mul3A_661 = arith.muli %squeeze3A_659, %mul3A_660 : i32
      %dma_start3A_662 = arith.constant 34560 : i32
      %dma_start3A_663 = tpu.memref_slice %arg7[%dma_start3A_662] : memref<61440xf32, #tpu.memory_space<vmem>> -> memref<3840xf32, #tpu.memory_space<vmem>>
      %dma_start3A_664 = tpu.memref_slice %arg5[%mul3A_661] : memref<384000xf32, #tpu.memory_space<vmem_shared>> -> memref<3840xf32, #tpu.memory_space<vmem_shared>>
      %dma_start3A_665 = arith.constant 34560 : i32
      %dma_start3A_666 = tpu.memref_slice %arg7[%dma_start3A_665] : memref<61440xf32, #tpu.memory_space<vmem>> -> memref<3840xf32, #tpu.memory_space<vmem>>
      %dma_start3A_667 = tpu.memref_slice %arg5[%mul3A_661] : memref<384000xf32, #tpu.memory_space<vmem_shared>> -> memref<3840xf32, #tpu.memory_space<vmem_shared>>
      tpu.enqueue_dma source(%dma_start3A_667 : memref<3840xf32, #tpu.memory_space<vmem_shared>>) target(%dma_start3A_666 : memref<3840xf32, #tpu.memory_space<vmem>>) target_semaphore(%arg8 : memref<!tpu.dma_semaphore, #tpu.memory_space<semaphore_mem>>)
      %slice3A_668 = vector.extract_strided_slice %get3A_394 {offsets = [10], sizes = [1], strides = [1]} : vector<16xi32> to vector<1xi32>
      %squeeze3A_669 = vector.extract %slice3A_668[0] : i32 from vector<1xi32>
      %mul3A_670 = arith.constant 3840 : i32
      %mul3A_671 = arith.muli %squeeze3A_669, %mul3A_670 : i32
      %dma_start3A_672 = arith.constant 38400 : i32
      %dma_start3A_673 = tpu.memref_slice %arg7[%dma_start3A_672] : memref<61440xf32, #tpu.memory_space<vmem>> -> memref<3840xf32, #tpu.memory_space<vmem>>
      %dma_start3A_674 = tpu.memref_slice %arg5[%mul3A_671] : memref<384000xf32, #tpu.memory_space<vmem_shared>> -> memref<3840xf32, #tpu.memory_space<vmem_shared>>
      %dma_start3A_675 = arith.constant 38400 : i32
      %dma_start3A_676 = tpu.memref_slice %arg7[%dma_start3A_675] : memref<61440xf32, #tpu.memory_space<vmem>> -> memref<3840xf32, #tpu.memory_space<vmem>>
      %dma_start3A_677 = tpu.memref_slice %arg5[%mul3A_671] : memref<384000xf32, #tpu.memory_space<vmem_shared>> -> memref<3840xf32, #tpu.memory_space<vmem_shared>>
      tpu.enqueue_dma source(%dma_start3A_677 : memref<3840xf32, #tpu.memory_space<vmem_shared>>) target(%dma_start3A_676 : memref<3840xf32, #tpu.memory_space<vmem>>) target_semaphore(%arg8 : memref<!tpu.dma_semaphore, #tpu.memory_space<semaphore_mem>>)
      %slice3A_678 = vector.extract_strided_slice %get3A_394 {offsets = [11], sizes = [1], strides = [1]} : vector<16xi32> to vector<1xi32>
      %squeeze3A_679 = vector.extract %slice3A_678[0] : i32 from vector<1xi32>
      %mul3A_680 = arith.constant 3840 : i32
      %mul3A_681 = arith.muli %squeeze3A_679, %mul3A_680 : i32
      %dma_start3A_682 = arith.constant 42240 : i32
      %dma_start3A_683 = tpu.memref_slice %arg7[%dma_start3A_682] : memref<61440xf32, #tpu.memory_space<vmem>> -> memref<3840xf32, #tpu.memory_space<vmem>>
      %dma_start3A_684 = tpu.memref_slice %arg5[%mul3A_681] : memref<384000xf32, #tpu.memory_space<vmem_shared>> -> memref<3840xf32, #tpu.memory_space<vmem_shared>>
      %dma_start3A_685 = arith.constant 42240 : i32
      %dma_start3A_686 = tpu.memref_slice %arg7[%dma_start3A_685] : memref<61440xf32, #tpu.memory_space<vmem>> -> memref<3840xf32, #tpu.memory_space<vmem>>
      %dma_start3A_687 = tpu.memref_slice %arg5[%mul3A_681] : memref<384000xf32, #tpu.memory_space<vmem_shared>> -> memref<3840xf32, #tpu.memory_space<vmem_shared>>
      tpu.enqueue_dma source(%dma_start3A_687 : memref<3840xf32, #tpu.memory_space<vmem_shared>>) target(%dma_start3A_686 : memref<3840xf32, #tpu.memory_space<vmem>>) target_semaphore(%arg8 : memref<!tpu.dma_semaphore, #tpu.memory_space<semaphore_mem>>)
      %slice3A_688 = vector.extract_strided_slice %get3A_394 {offsets = [12], sizes = [1], strides = [1]} : vector<16xi32> to vector<1xi32>
      %squeeze3A_689 = vector.extract %slice3A_688[0] : i32 from vector<1xi32>
      %mul3A_690 = arith.constant 3840 : i32
      %mul3A_691 = arith.muli %squeeze3A_689, %mul3A_690 : i32
      %dma_start3A_692 = arith.constant 46080 : i32
      %dma_start3A_693 = tpu.memref_slice %arg7[%dma_start3A_692] : memref<61440xf32, #tpu.memory_space<vmem>> -> memref<3840xf32, #tpu.memory_space<vmem>>
      %dma_start3A_694 = tpu.memref_slice %arg5[%mul3A_691] : memref<384000xf32, #tpu.memory_space<vmem_shared>> -> memref<3840xf32, #tpu.memory_space<vmem_shared>>
      %dma_start3A_695 = arith.constant 46080 : i32
      %dma_start3A_696 = tpu.memref_slice %arg7[%dma_start3A_695] : memref<61440xf32, #tpu.memory_space<vmem>> -> memref<3840xf32, #tpu.memory_space<vmem>>
      %dma_start3A_697 = tpu.memref_slice %arg5[%mul3A_691] : memref<384000xf32, #tpu.memory_space<vmem_shared>> -> memref<3840xf32, #tpu.memory_space<vmem_shared>>
      tpu.enqueue_dma source(%dma_start3A_697 : memref<3840xf32, #tpu.memory_space<vmem_shared>>) target(%dma_start3A_696 : memref<3840xf32, #tpu.memory_space<vmem>>) target_semaphore(%arg8 : memref<!tpu.dma_semaphore, #tpu.memory_space<semaphore_mem>>)
      %slice3A_698 = vector.extract_strided_slice %get3A_394 {offsets = [13], sizes = [1], strides = [1]} : vector<16xi32> to vector<1xi32>
      %squeeze3A_699 = vector.extract %slice3A_698[0] : i32 from vector<1xi32>
      %mul3A_700 = arith.constant 3840 : i32
      %mul3A_701 = arith.muli %squeeze3A_699, %mul3A_700 : i32
      %dma_start3A_702 = arith.constant 49920 : i32
      %dma_start3A_703 = tpu.memref_slice %arg7[%dma_start3A_702] : memref<61440xf32, #tpu.memory_space<vmem>> -> memref<3840xf32, #tpu.memory_space<vmem>>
      %dma_start3A_704 = tpu.memref_slice %arg5[%mul3A_701] : memref<384000xf32, #tpu.memory_space<vmem_shared>> -> memref<3840xf32, #tpu.memory_space<vmem_shared>>
      %dma_start3A_705 = arith.constant 49920 : i32
      %dma_start3A_706 = tpu.memref_slice %arg7[%dma_start3A_705] : memref<61440xf32, #tpu.memory_space<vmem>> -> memref<3840xf32, #tpu.memory_space<vmem>>
      %dma_start3A_707 = tpu.memref_slice %arg5[%mul3A_701] : memref<384000xf32, #tpu.memory_space<vmem_shared>> -> memref<3840xf32, #tpu.memory_space<vmem_shared>>
      tpu.enqueue_dma source(%dma_start3A_707 : memref<3840xf32, #tpu.memory_space<vmem_shared>>) target(%dma_start3A_706 : memref<3840xf32, #tpu.memory_space<vmem>>) target_semaphore(%arg8 : memref<!tpu.dma_semaphore, #tpu.memory_space<semaphore_mem>>)
      %slice3A_708 = vector.extract_strided_slice %get3A_394 {offsets = [14], sizes = [1], strides = [1]} : vector<16xi32> to vector<1xi32>
      %squeeze3A_709 = vector.extract %slice3A_708[0] : i32 from vector<1xi32>
      %mul3A_710 = arith.constant 3840 : i32
      %mul3A_711 = arith.muli %squeeze3A_709, %mul3A_710 : i32
      %dma_start3A_712 = arith.constant 53760 : i32
      %dma_start3A_713 = tpu.memref_slice %arg7[%dma_start3A_712] : memref<61440xf32, #tpu.memory_space<vmem>> -> memref<3840xf32, #tpu.memory_space<vmem>>
      %dma_start3A_714 = tpu.memref_slice %arg5[%mul3A_711] : memref<384000xf32, #tpu.memory_space<vmem_shared>> -> memref<3840xf32, #tpu.memory_space<vmem_shared>>
      %dma_start3A_715 = arith.constant 53760 : i32
      %dma_start3A_716 = tpu.memref_slice %arg7[%dma_start3A_715] : memref<61440xf32, #tpu.memory_space<vmem>> -> memref<3840xf32, #tpu.memory_space<vmem>>
      %dma_start3A_717 = tpu.memref_slice %arg5[%mul3A_711] : memref<384000xf32, #tpu.memory_space<vmem_shared>> -> memref<3840xf32, #tpu.memory_space<vmem_shared>>
      tpu.enqueue_dma source(%dma_start3A_717 : memref<3840xf32, #tpu.memory_space<vmem_shared>>) target(%dma_start3A_716 : memref<3840xf32, #tpu.memory_space<vmem>>) target_semaphore(%arg8 : memref<!tpu.dma_semaphore, #tpu.memory_space<semaphore_mem>>)
      %slice3A_718 = vector.extract_strided_slice %get3A_394 {offsets = [15], sizes = [1], strides = [1]} : vector<16xi32> to vector<1xi32>
      %squeeze3A_719 = vector.extract %slice3A_718[0] : i32 from vector<1xi32>
      %mul3A_720 = arith.constant 3840 : i32
      %mul3A_721 = arith.muli %squeeze3A_719, %mul3A_720 : i32
      %dma_start3A_722 = arith.constant 57600 : i32
      %dma_start3A_723 = tpu.memref_slice %arg7[%dma_start3A_722] : memref<61440xf32, #tpu.memory_space<vmem>> -> memref<3840xf32, #tpu.memory_space<vmem>>
      %dma_start3A_724 = tpu.memref_slice %arg5[%mul3A_721] : memref<384000xf32, #tpu.memory_space<vmem_shared>> -> memref<3840xf32, #tpu.memory_space<vmem_shared>>
      %dma_start3A_725 = arith.constant 57600 : i32
      %dma_start3A_726 = tpu.memref_slice %arg7[%dma_start3A_725] : memref<61440xf32, #tpu.memory_space<vmem>> -> memref<3840xf32, #tpu.memory_space<vmem>>
      %dma_start3A_727 = tpu.memref_slice %arg5[%mul3A_721] : memref<384000xf32, #tpu.memory_space<vmem_shared>> -> memref<3840xf32, #tpu.memory_space<vmem_shared>>
      tpu.enqueue_dma source(%dma_start3A_727 : memref<3840xf32, #tpu.memory_space<vmem_shared>>) target(%dma_start3A_726 : memref<3840xf32, #tpu.memory_space<vmem>>) target_semaphore(%arg8 : memref<!tpu.dma_semaphore, #tpu.memory_space<semaphore_mem>>)
    }
    %scan3A_303 = arith.constant 19 : i32
    %dma_wait3A_304 = arith.constant 0 : i32
    %dma_wait3A_305 = tpu.memref_slice %arg7[%dma_wait3A_304] : memref<61440xf32, #tpu.memory_space<vmem>> -> memref<30720xf32, #tpu.memory_space<vmem>>
    %dma_wait3A_306 = tpu.memref_slice %arg4[%mul3A_4] : memref<39321600xf32, #tpu.memory_space<hbm>> -> memref<30720xf32, #tpu.memory_space<hbm>>
    %dma_wait3A_307 = tpu.memref_slice %arg4[%mul3A_4] : memref<39321600xf32, #tpu.memory_space<hbm>> -> memref<30720xf32, #tpu.memory_space<hbm>>
    %dma_wait3A_308 = arith.constant 0 : i32
    %dma_wait3A_309 = tpu.memref_slice %arg7[%dma_wait3A_308] : memref<61440xf32, #tpu.memory_space<vmem>> -> memref<30720xf32, #tpu.memory_space<vmem>>
    tpu.wait_dma2 semaphore(%arg9 : memref<!tpu.dma_semaphore, #tpu.memory_space<semaphore_mem>>) src(%dma_wait3A_309 : memref<30720xf32, #tpu.memory_space<vmem>>) dst(%dma_wait3A_307 : memref<30720xf32, #tpu.memory_space<hbm>>)
    %dma_wait3A_310 = arith.constant 0 : i32
    %dma_wait3A_311 = tpu.memref_slice %arg7[%dma_wait3A_310] : memref<61440xf32, #tpu.memory_space<vmem>> -> memref<3840xf32, #tpu.memory_space<vmem>>
    %dma_wait3A_312 = arith.constant 0 : i32
    %dma_wait3A_313 = tpu.memref_slice %arg5[%dma_wait3A_312] : memref<384000xf32, #tpu.memory_space<vmem_shared>> -> memref<3840xf32, #tpu.memory_space<vmem_shared>>
    %dma_wait3A_314 = arith.constant 0 : i32
    %dma_wait3A_315 = tpu.memref_slice %arg7[%dma_wait3A_314] : memref<61440xf32, #tpu.memory_space<vmem>> -> memref<3840xf32, #tpu.memory_space<vmem>>
    %dma_wait3A_316 = arith.constant 0 : i32
    %dma_wait3A_317 = tpu.memref_slice %arg5[%dma_wait3A_316] : memref<384000xf32, #tpu.memory_space<vmem_shared>> -> memref<3840xf32, #tpu.memory_space<vmem_shared>>
    tpu.wait_dma2 semaphore(%arg8 : memref<!tpu.dma_semaphore, #tpu.memory_space<semaphore_mem>>) src(%dma_wait3A_317 : memref<3840xf32, #tpu.memory_space<vmem_shared>>) dst(%dma_wait3A_315 : memref<3840xf32, #tpu.memory_space<vmem>>)
    %dma_wait3A_318 = arith.constant 0 : i32
    %dma_wait3A_319 = tpu.memref_slice %arg7[%dma_wait3A_318] : memref<61440xf32, #tpu.memory_space<vmem>> -> memref<3840xf32, #tpu.memory_space<vmem>>
    %dma_wait3A_320 = arith.constant 0 : i32
    %dma_wait3A_321 = tpu.memref_slice %arg5[%dma_wait3A_320] : memref<384000xf32, #tpu.memory_space<vmem_shared>> -> memref<3840xf32, #tpu.memory_space<vmem_shared>>
    %dma_wait3A_322 = arith.constant 0 : i32
    %dma_wait3A_323 = tpu.memref_slice %arg7[%dma_wait3A_322] : memref<61440xf32, #tpu.memory_space<vmem>> -> memref<3840xf32, #tpu.memory_space<vmem>>
    %dma_wait3A_324 = arith.constant 0 : i32
    %dma_wait3A_325 = tpu.memref_slice %arg5[%dma_wait3A_324] : memref<384000xf32, #tpu.memory_space<vmem_shared>> -> memref<3840xf32, #tpu.memory_space<vmem_shared>>
    tpu.wait_dma2 semaphore(%arg8 : memref<!tpu.dma_semaphore, #tpu.memory_space<semaphore_mem>>) src(%dma_wait3A_325 : memref<3840xf32, #tpu.memory_space<vmem_shared>>) dst(%dma_wait3A_323 : memref<3840xf32, #tpu.memory_space<vmem>>)
    %dma_wait3A_326 = arith.constant 0 : i32
    %dma_wait3A_327 = tpu.memref_slice %arg7[%dma_wait3A_326] : memref<61440xf32, #tpu.memory_space<vmem>> -> memref<3840xf32, #tpu.memory_space<vmem>>
    %dma_wait3A_328 = arith.constant 0 : i32
    %dma_wait3A_329 = tpu.memref_slice %arg5[%dma_wait3A_328] : memref<384000xf32, #tpu.memory_space<vmem_shared>> -> memref<3840xf32, #tpu.memory_space<vmem_shared>>
    %dma_wait3A_330 = arith.constant 0 : i32
    %dma_wait3A_331 = tpu.memref_slice %arg7[%dma_wait3A_330] : memref<61440xf32, #tpu.memory_space<vmem>> -> memref<3840xf32, #tpu.memory_space<vmem>>
    %dma_wait3A_332 = arith.constant 0 : i32
    %dma_wait3A_333 = tpu.memref_slice %arg5[%dma_wait3A_332] : memref<384000xf32, #tpu.memory_space<vmem_shared>> -> memref<3840xf32, #tpu.memory_space<vmem_shared>>
    tpu.wait_dma2 semaphore(%arg8 : memref<!tpu.dma_semaphore, #tpu.memory_space<semaphore_mem>>) src(%dma_wait3A_333 : memref<3840xf32, #tpu.memory_space<vmem_shared>>) dst(%dma_wait3A_331 : memref<3840xf32, #tpu.memory_space<vmem>>)
    %dma_wait3A_334 = arith.constant 0 : i32
    %dma_wait3A_335 = tpu.memref_slice %arg7[%dma_wait3A_334] : memref<61440xf32, #tpu.memory_space<vmem>> -> memref<3840xf32, #tpu.memory_space<vmem>>
    %dma_wait3A_336 = arith.constant 0 : i32
    %dma_wait3A_337 = tpu.memref_slice %arg5[%dma_wait3A_336] : memref<384000xf32, #tpu.memory_space<vmem_shared>> -> memref<3840xf32, #tpu.memory_space<vmem_shared>>
    %dma_wait3A_338 = arith.constant 0 : i32
    %dma_wait3A_339 = tpu.memref_slice %arg7[%dma_wait3A_338] : memref<61440xf32, #tpu.memory_space<vmem>> -> memref<3840xf32, #tpu.memory_space<vmem>>
    %dma_wait3A_340 = arith.constant 0 : i32
    %dma_wait3A_341 = tpu.memref_slice %arg5[%dma_wait3A_340] : memref<384000xf32, #tpu.memory_space<vmem_shared>> -> memref<3840xf32, #tpu.memory_space<vmem_shared>>
    tpu.wait_dma2 semaphore(%arg8 : memref<!tpu.dma_semaphore, #tpu.memory_space<semaphore_mem>>) src(%dma_wait3A_341 : memref<3840xf32, #tpu.memory_space<vmem_shared>>) dst(%dma_wait3A_339 : memref<3840xf32, #tpu.memory_space<vmem>>)
    %dma_wait3A_342 = arith.constant 0 : i32
    %dma_wait3A_343 = tpu.memref_slice %arg7[%dma_wait3A_342] : memref<61440xf32, #tpu.memory_space<vmem>> -> memref<3840xf32, #tpu.memory_space<vmem>>
    %dma_wait3A_344 = arith.constant 0 : i32
    %dma_wait3A_345 = tpu.memref_slice %arg5[%dma_wait3A_344] : memref<384000xf32, #tpu.memory_space<vmem_shared>> -> memref<3840xf32, #tpu.memory_space<vmem_shared>>
    %dma_wait3A_346 = arith.constant 0 : i32
    %dma_wait3A_347 = tpu.memref_slice %arg7[%dma_wait3A_346] : memref<61440xf32, #tpu.memory_space<vmem>> -> memref<3840xf32, #tpu.memory_space<vmem>>
    %dma_wait3A_348 = arith.constant 0 : i32
    %dma_wait3A_349 = tpu.memref_slice %arg5[%dma_wait3A_348] : memref<384000xf32, #tpu.memory_space<vmem_shared>> -> memref<3840xf32, #tpu.memory_space<vmem_shared>>
    tpu.wait_dma2 semaphore(%arg8 : memref<!tpu.dma_semaphore, #tpu.memory_space<semaphore_mem>>) src(%dma_wait3A_349 : memref<3840xf32, #tpu.memory_space<vmem_shared>>) dst(%dma_wait3A_347 : memref<3840xf32, #tpu.memory_space<vmem>>)
    %dma_wait3A_350 = arith.constant 0 : i32
    %dma_wait3A_351 = tpu.memref_slice %arg7[%dma_wait3A_350] : memref<61440xf32, #tpu.memory_space<vmem>> -> memref<3840xf32, #tpu.memory_space<vmem>>
    %dma_wait3A_352 = arith.constant 0 : i32
    %dma_wait3A_353 = tpu.memref_slice %arg5[%dma_wait3A_352] : memref<384000xf32, #tpu.memory_space<vmem_shared>> -> memref<3840xf32, #tpu.memory_space<vmem_shared>>
    %dma_wait3A_354 = arith.constant 0 : i32
    %dma_wait3A_355 = tpu.memref_slice %arg7[%dma_wait3A_354] : memref<61440xf32, #tpu.memory_space<vmem>> -> memref<3840xf32, #tpu.memory_space<vmem>>
    %dma_wait3A_356 = arith.constant 0 : i32
    %dma_wait3A_357 = tpu.memref_slice %arg5[%dma_wait3A_356] : memref<384000xf32, #tpu.memory_space<vmem_shared>> -> memref<3840xf32, #tpu.memory_space<vmem_shared>>
    tpu.wait_dma2 semaphore(%arg8 : memref<!tpu.dma_semaphore, #tpu.memory_space<semaphore_mem>>) src(%dma_wait3A_357 : memref<3840xf32, #tpu.memory_space<vmem_shared>>) dst(%dma_wait3A_355 : memref<3840xf32, #tpu.memory_space<vmem>>)
    %dma_wait3A_358 = arith.constant 0 : i32
    %dma_wait3A_359 = tpu.memref_slice %arg7[%dma_wait3A_358] : memref<61440xf32, #tpu.memory_space<vmem>> -> memref<3840xf32, #tpu.memory_space<vmem>>
    %dma_wait3A_360 = arith.constant 0 : i32
    %dma_wait3A_361 = tpu.memref_slice %arg5[%dma_wait3A_360] : memref<384000xf32, #tpu.memory_space<vmem_shared>> -> memref<3840xf32, #tpu.memory_space<vmem_shared>>
    %dma_wait3A_362 = arith.constant 0 : i32
    %dma_wait3A_363 = tpu.memref_slice %arg7[%dma_wait3A_362] : memref<61440xf32, #tpu.memory_space<vmem>> -> memref<3840xf32, #tpu.memory_space<vmem>>
    %dma_wait3A_364 = arith.constant 0 : i32
    %dma_wait3A_365 = tpu.memref_slice %arg5[%dma_wait3A_364] : memref<384000xf32, #tpu.memory_space<vmem_shared>> -> memref<3840xf32, #tpu.memory_space<vmem_shared>>
    tpu.wait_dma2 semaphore(%arg8 : memref<!tpu.dma_semaphore, #tpu.memory_space<semaphore_mem>>) src(%dma_wait3A_365 : memref<3840xf32, #tpu.memory_space<vmem_shared>>) dst(%dma_wait3A_363 : memref<3840xf32, #tpu.memory_space<vmem>>)
    %dma_wait3A_366 = arith.constant 0 : i32
    %dma_wait3A_367 = tpu.memref_slice %arg7[%dma_wait3A_366] : memref<61440xf32, #tpu.memory_space<vmem>> -> memref<3840xf32, #tpu.memory_space<vmem>>
    %dma_wait3A_368 = arith.constant 0 : i32
    %dma_wait3A_369 = tpu.memref_slice %arg5[%dma_wait3A_368] : memref<384000xf32, #tpu.memory_space<vmem_shared>> -> memref<3840xf32, #tpu.memory_space<vmem_shared>>
    %dma_wait3A_370 = arith.constant 0 : i32
    %dma_wait3A_371 = tpu.memref_slice %arg7[%dma_wait3A_370] : memref<61440xf32, #tpu.memory_space<vmem>> -> memref<3840xf32, #tpu.memory_space<vmem>>
    %dma_wait3A_372 = arith.constant 0 : i32
    %dma_wait3A_373 = tpu.memref_slice %arg5[%dma_wait3A_372] : memref<384000xf32, #tpu.memory_space<vmem_shared>> -> memref<3840xf32, #tpu.memory_space<vmem_shared>>
    tpu.wait_dma2 semaphore(%arg8 : memref<!tpu.dma_semaphore, #tpu.memory_space<semaphore_mem>>) src(%dma_wait3A_373 : memref<3840xf32, #tpu.memory_space<vmem_shared>>) dst(%dma_wait3A_371 : memref<3840xf32, #tpu.memory_space<vmem>>)
    %add3A_374 = arith.constant 1198080 : i32
    %add3A_375 = arith.addi %mul3A_4, %add3A_374 : i32
    %dma_start3A_376 = arith.constant 30720 : i32
    %dma_start3A_377 = tpu.memref_slice %arg7[%dma_start3A_376] : memref<61440xf32, #tpu.memory_space<vmem>> -> memref<30720xf32, #tpu.memory_space<vmem>>
    %dma_start3A_378 = tpu.memref_slice %arg4[%add3A_375] : memref<39321600xf32, #tpu.memory_space<hbm>> -> memref<30720xf32, #tpu.memory_space<hbm>>
    %dma_start3A_379 = tpu.memref_slice %arg4[%add3A_375] : memref<39321600xf32, #tpu.memory_space<hbm>> -> memref<30720xf32, #tpu.memory_space<hbm>>
    %dma_start3A_380 = arith.constant 30720 : i32
    %dma_start3A_381 = tpu.memref_slice %arg7[%dma_start3A_380] : memref<61440xf32, #tpu.memory_space<vmem>> -> memref<30720xf32, #tpu.memory_space<vmem>>
    tpu.enqueue_dma source(%dma_start3A_381 : memref<30720xf32, #tpu.memory_space<vmem>>) target(%dma_start3A_379 : memref<30720xf32, #tpu.memory_space<hbm>>) target_semaphore(%arg9 : memref<!tpu.dma_semaphore, #tpu.memory_space<semaphore_mem>>)
    %dma_wait3A_382 = arith.constant 0 : i32
    %dma_wait3A_383 = tpu.memref_slice %arg7[%dma_wait3A_382] : memref<61440xf32, #tpu.memory_space<vmem>> -> memref<30720xf32, #tpu.memory_space<vmem>>
    %dma_wait3A_384 = tpu.memref_slice %arg4[%mul3A_4] : memref<39321600xf32, #tpu.memory_space<hbm>> -> memref<30720xf32, #tpu.memory_space<hbm>>
    %dma_wait3A_385 = tpu.memref_slice %arg4[%mul3A_4] : memref<39321600xf32, #tpu.memory_space<hbm>> -> memref<30720xf32, #tpu.memory_space<hbm>>
    %dma_wait3A_386 = arith.constant 0 : i32
    %dma_wait3A_387 = tpu.memref_slice %arg7[%dma_wait3A_386] : memref<61440xf32, #tpu.memory_space<vmem>> -> memref<30720xf32, #tpu.memory_space<vmem>>
    tpu.wait_dma2 semaphore(%arg9 : memref<!tpu.dma_semaphore, #tpu.memory_space<semaphore_mem>>) src(%dma_wait3A_387 : memref<30720xf32, #tpu.memory_space<vmem>>) dst(%dma_wait3A_385 : memref<30720xf32, #tpu.memory_space<hbm>>)
    return
  }
}

module attributes {stable_mosaic.version = 14 : i64} {
  func.func @_topk_body(%arg0: i32, %arg1: memref<256x768xf32, #tpu.memory_space<vmem>>, %arg2: memref<768x128xf32, #tpu.memory_space<vmem>>, %arg3: memref<256x10xi32, #tpu.memory_space<vmem>>, %arg4: memref<256x1xf32, #tpu.memory_space<vmem>>) attributes {dimension_semantics = [#tpu.dimension_semantics<arbitrary>], iteration_bounds = array<i64: 4>, scalar_prefetch = 0 : i64, scratch_operands = 0 : i64, tpu.core_type = #tpu.core_type<tc>, window_params = [{transform_indices = @transform_0, window_bounds = array<i64: 256, 768>}, {pipeline_mode = #tpu.pipeline_mode<synchronous>, transform_indices = @transform_1, window_bounds = array<i64: 768, 128>}, {transform_indices = @transform_2, window_bounds = array<i64: 256, 10>}, {transform_indices = @transform_3, window_bounds = array<i64: 256, 1>}]} {
    %get3A = arith.constant 0 : index
    %get3A_0 = arith.constant 0 : index
    %get3A_1 = vector.load %arg1[%get3A, %get3A_0] : memref<256x768xf32, #tpu.memory_space<vmem>>, vector<256x768xf32>
    %get3A_2 = arith.constant 0 : index
    %get3A_3 = arith.constant 0 : index
    %get3A_4 = vector.load %arg2[%get3A_2, %get3A_3] : memref<768x128xf32, #tpu.memory_space<vmem>>, vector<768x128xf32>
    %dot_general3A = arith.constant dense<0.000000e+00> : vector<256x128xf32>
    %dot_general3A_5 = tpu.matmul %get3A_1, %get3A_4, %dot_general3A {dimension_numbers = #tpu.dot_dimension_numbers<[1], [0], [0], [1], [0, 0, 1, 1], [], []>, transpose_lhs_hint = false} : vector<256x768xf32>, vector<768x128xf32>, vector<256x128xf32> -> vector<256x128xf32>
    %mul3A = arith.mulf %get3A_1, %get3A_1 : vector<256x768xf32>
    %reduce_sum3A = arith.constant dense<0.000000e+00> : vector<256xf32>
    %reduce_sum3A_6 = vector.multi_reduction <add>, %mul3A, %reduce_sum3A [1] : vector<256x768xf32> to vector<256xf32>
    %broadcast_in_dim3A = vector.shape_cast %reduce_sum3A_6 : vector<256xf32> to vector<256x1xf32>
    %sqrt3A = math.sqrt %broadcast_in_dim3A : vector<256x1xf32>
    %mul3A_7 = arith.mulf %get3A_4, %get3A_4 : vector<768x128xf32>
    %reduce_sum3A_8 = arith.constant dense<0.000000e+00> : vector<128xf32>
    %reduce_sum3A_9 = vector.multi_reduction <add>, %mul3A_7, %reduce_sum3A_8 [0] : vector<768x128xf32> to vector<128xf32>
    %broadcast_in_dim3A_10 = vector.shape_cast %reduce_sum3A_9 : vector<128xf32> to vector<1x128xf32>
    %sqrt3A_11 = math.sqrt %broadcast_in_dim3A_10 : vector<1x128xf32>
    %mul3A_12 = vector.broadcast %sqrt3A : vector<256x1xf32> to vector<256x128xf32>
    %mul3A_13 = vector.broadcast %sqrt3A_11 : vector<1x128xf32> to vector<256x128xf32>
    %mul3A_14 = arith.mulf %mul3A_12, %mul3A_13 : vector<256x128xf32>
    %max3A = arith.constant 9.99999993E-9 : f32
    %max3A_15 = vector.broadcast %max3A : f32 to vector<256x128xf32>
    %max3A_16 = arith.maximumf %mul3A_14, %max3A_15 : vector<256x128xf32>
    %div3A = arith.divf %dot_general3A_5, %max3A_16 : vector<256x128xf32>
    %sub3A = arith.constant 1.000000e+00 : f32
    %sub3A_17 = vector.broadcast %sub3A : f32 to vector<256x128xf32>
    %sub3A_18 = arith.subf %sub3A_17, %div3A : vector<256x128xf32>
    %iota3A = tpu.iota {dimensions = array<i32: 1>} : vector<256x128xi32>
    %lt3A = arith.constant 100 : i32
    %lt3A_19 = vector.broadcast %lt3A : i32 to vector<256x128xi32>
    %lt3A_20 = arith.cmpi slt, %iota3A, %lt3A_19 : vector<256x128xi32>
    %jit3A = arith.constant 1.000000e+30 : f32
    %broadcast_in_dim3A_21 = vector.broadcast %jit3A : f32 to vector<256x128xf32>
    %select_n3A = arith.select %lt3A_20, %sub3A_18, %broadcast_in_dim3A_21 : vector<256x128xi1>, vector<256x128xf32>
    %broadcast_in_dim3A_22 = arith.constant 0.000000e+00 : f32
    %broadcast_in_dim3A_23 = vector.broadcast %broadcast_in_dim3A_22 : f32 to vector<256x1xf32>
    %reduce_min3A = arith.constant dense<0x7F800000> : vector<256xf32>
    %reduce_min3A_24 = vector.multi_reduction <minimumf>, %select_n3A, %reduce_min3A [1] : vector<256x128xf32> to vector<256xf32>
    %broadcast_in_dim3A_25 = vector.shape_cast %reduce_min3A_24 : vector<256xf32> to vector<256x1xf32>
    %eq3A = vector.broadcast %broadcast_in_dim3A_25 : vector<256x1xf32> to vector<256x128xf32>
    %eq3A_26 = arith.cmpf oeq, %select_n3A, %eq3A : vector<256x128xf32>
    %jit3A_27 = arith.constant 128 : i32
    %broadcast_in_dim3A_28 = vector.broadcast %jit3A_27 : i32 to vector<256x128xi32>
    %select_n3A_29 = arith.select %eq3A_26, %iota3A, %broadcast_in_dim3A_28 : vector<256x128xi1>, vector<256x128xi32>
    %reduce_min3A_30 = arith.constant dense<2147483647> : vector<256xi32>
    %reduce_min3A_31 = vector.multi_reduction <minsi>, %select_n3A_29, %reduce_min3A_30 [1] : vector<256x128xi32> to vector<256xi32>
    %broadcast_in_dim3A_32 = vector.shape_cast %reduce_min3A_31 : vector<256xi32> to vector<256x1xi32>
    %add3A = arith.addf %broadcast_in_dim3A_23, %broadcast_in_dim3A_25 : vector<256x1xf32>
    %eq3A_33 = vector.broadcast %broadcast_in_dim3A_32 : vector<256x1xi32> to vector<256x128xi32>
    %eq3A_34 = arith.cmpi eq, %iota3A, %eq3A_33 : vector<256x128xi32>
    %jit3A_35 = arith.constant 1.000000e+30 : f32
    %broadcast_in_dim3A_36 = vector.broadcast %jit3A_35 : f32 to vector<256x128xf32>
    %select_n3A_37 = arith.select %eq3A_34, %broadcast_in_dim3A_36, %select_n3A : vector<256x128xi1>, vector<256x128xf32>
    %reduce_min3A_38 = arith.constant dense<0x7F800000> : vector<256xf32>
    %reduce_min3A_39 = vector.multi_reduction <minimumf>, %select_n3A_37, %reduce_min3A_38 [1] : vector<256x128xf32> to vector<256xf32>
    %broadcast_in_dim3A_40 = vector.shape_cast %reduce_min3A_39 : vector<256xf32> to vector<256x1xf32>
    %eq3A_41 = vector.broadcast %broadcast_in_dim3A_40 : vector<256x1xf32> to vector<256x128xf32>
    %eq3A_42 = arith.cmpf oeq, %select_n3A_37, %eq3A_41 : vector<256x128xf32>
    %jit3A_43 = arith.constant 128 : i32
    %broadcast_in_dim3A_44 = vector.broadcast %jit3A_43 : i32 to vector<256x128xi32>
    %select_n3A_45 = arith.select %eq3A_42, %iota3A, %broadcast_in_dim3A_44 : vector<256x128xi1>, vector<256x128xi32>
    %reduce_min3A_46 = arith.constant dense<2147483647> : vector<256xi32>
    %reduce_min3A_47 = vector.multi_reduction <minsi>, %select_n3A_45, %reduce_min3A_46 [1] : vector<256x128xi32> to vector<256xi32>
    %broadcast_in_dim3A_48 = vector.shape_cast %reduce_min3A_47 : vector<256xi32> to vector<256x1xi32>
    %add3A_49 = arith.addf %add3A, %broadcast_in_dim3A_40 : vector<256x1xf32>
    %eq3A_50 = vector.broadcast %broadcast_in_dim3A_48 : vector<256x1xi32> to vector<256x128xi32>
    %eq3A_51 = arith.cmpi eq, %iota3A, %eq3A_50 : vector<256x128xi32>
    %jit3A_52 = arith.constant 1.000000e+30 : f32
    %broadcast_in_dim3A_53 = vector.broadcast %jit3A_52 : f32 to vector<256x128xf32>
    %select_n3A_54 = arith.select %eq3A_51, %broadcast_in_dim3A_53, %select_n3A_37 : vector<256x128xi1>, vector<256x128xf32>
    %reduce_min3A_55 = arith.constant dense<0x7F800000> : vector<256xf32>
    %reduce_min3A_56 = vector.multi_reduction <minimumf>, %select_n3A_54, %reduce_min3A_55 [1] : vector<256x128xf32> to vector<256xf32>
    %broadcast_in_dim3A_57 = vector.shape_cast %reduce_min3A_56 : vector<256xf32> to vector<256x1xf32>
    %eq3A_58 = vector.broadcast %broadcast_in_dim3A_57 : vector<256x1xf32> to vector<256x128xf32>
    %eq3A_59 = arith.cmpf oeq, %select_n3A_54, %eq3A_58 : vector<256x128xf32>
    %jit3A_60 = arith.constant 128 : i32
    %broadcast_in_dim3A_61 = vector.broadcast %jit3A_60 : i32 to vector<256x128xi32>
    %select_n3A_62 = arith.select %eq3A_59, %iota3A, %broadcast_in_dim3A_61 : vector<256x128xi1>, vector<256x128xi32>
    %reduce_min3A_63 = arith.constant dense<2147483647> : vector<256xi32>
    %reduce_min3A_64 = vector.multi_reduction <minsi>, %select_n3A_62, %reduce_min3A_63 [1] : vector<256x128xi32> to vector<256xi32>
    %broadcast_in_dim3A_65 = vector.shape_cast %reduce_min3A_64 : vector<256xi32> to vector<256x1xi32>
    %add3A_66 = arith.addf %add3A_49, %broadcast_in_dim3A_57 : vector<256x1xf32>
    %eq3A_67 = vector.broadcast %broadcast_in_dim3A_65 : vector<256x1xi32> to vector<256x128xi32>
    %eq3A_68 = arith.cmpi eq, %iota3A, %eq3A_67 : vector<256x128xi32>
    %jit3A_69 = arith.constant 1.000000e+30 : f32
    %broadcast_in_dim3A_70 = vector.broadcast %jit3A_69 : f32 to vector<256x128xf32>
    %select_n3A_71 = arith.select %eq3A_68, %broadcast_in_dim3A_70, %select_n3A_54 : vector<256x128xi1>, vector<256x128xf32>
    %reduce_min3A_72 = arith.constant dense<0x7F800000> : vector<256xf32>
    %reduce_min3A_73 = vector.multi_reduction <minimumf>, %select_n3A_71, %reduce_min3A_72 [1] : vector<256x128xf32> to vector<256xf32>
    %broadcast_in_dim3A_74 = vector.shape_cast %reduce_min3A_73 : vector<256xf32> to vector<256x1xf32>
    %eq3A_75 = vector.broadcast %broadcast_in_dim3A_74 : vector<256x1xf32> to vector<256x128xf32>
    %eq3A_76 = arith.cmpf oeq, %select_n3A_71, %eq3A_75 : vector<256x128xf32>
    %jit3A_77 = arith.constant 128 : i32
    %broadcast_in_dim3A_78 = vector.broadcast %jit3A_77 : i32 to vector<256x128xi32>
    %select_n3A_79 = arith.select %eq3A_76, %iota3A, %broadcast_in_dim3A_78 : vector<256x128xi1>, vector<256x128xi32>
    %reduce_min3A_80 = arith.constant dense<2147483647> : vector<256xi32>
    %reduce_min3A_81 = vector.multi_reduction <minsi>, %select_n3A_79, %reduce_min3A_80 [1] : vector<256x128xi32> to vector<256xi32>
    %broadcast_in_dim3A_82 = vector.shape_cast %reduce_min3A_81 : vector<256xi32> to vector<256x1xi32>
    %add3A_83 = arith.addf %add3A_66, %broadcast_in_dim3A_74 : vector<256x1xf32>
    %eq3A_84 = vector.broadcast %broadcast_in_dim3A_82 : vector<256x1xi32> to vector<256x128xi32>
    %eq3A_85 = arith.cmpi eq, %iota3A, %eq3A_84 : vector<256x128xi32>
    %jit3A_86 = arith.constant 1.000000e+30 : f32
    %broadcast_in_dim3A_87 = vector.broadcast %jit3A_86 : f32 to vector<256x128xf32>
    %select_n3A_88 = arith.select %eq3A_85, %broadcast_in_dim3A_87, %select_n3A_71 : vector<256x128xi1>, vector<256x128xf32>
    %reduce_min3A_89 = arith.constant dense<0x7F800000> : vector<256xf32>
    %reduce_min3A_90 = vector.multi_reduction <minimumf>, %select_n3A_88, %reduce_min3A_89 [1] : vector<256x128xf32> to vector<256xf32>
    %broadcast_in_dim3A_91 = vector.shape_cast %reduce_min3A_90 : vector<256xf32> to vector<256x1xf32>
    %eq3A_92 = vector.broadcast %broadcast_in_dim3A_91 : vector<256x1xf32> to vector<256x128xf32>
    %eq3A_93 = arith.cmpf oeq, %select_n3A_88, %eq3A_92 : vector<256x128xf32>
    %jit3A_94 = arith.constant 128 : i32
    %broadcast_in_dim3A_95 = vector.broadcast %jit3A_94 : i32 to vector<256x128xi32>
    %select_n3A_96 = arith.select %eq3A_93, %iota3A, %broadcast_in_dim3A_95 : vector<256x128xi1>, vector<256x128xi32>
    %reduce_min3A_97 = arith.constant dense<2147483647> : vector<256xi32>
    %reduce_min3A_98 = vector.multi_reduction <minsi>, %select_n3A_96, %reduce_min3A_97 [1] : vector<256x128xi32> to vector<256xi32>
    %broadcast_in_dim3A_99 = vector.shape_cast %reduce_min3A_98 : vector<256xi32> to vector<256x1xi32>
    %add3A_100 = arith.addf %add3A_83, %broadcast_in_dim3A_91 : vector<256x1xf32>
    %eq3A_101 = vector.broadcast %broadcast_in_dim3A_99 : vector<256x1xi32> to vector<256x128xi32>
    %eq3A_102 = arith.cmpi eq, %iota3A, %eq3A_101 : vector<256x128xi32>
    %jit3A_103 = arith.constant 1.000000e+30 : f32
    %broadcast_in_dim3A_104 = vector.broadcast %jit3A_103 : f32 to vector<256x128xf32>
    %select_n3A_105 = arith.select %eq3A_102, %broadcast_in_dim3A_104, %select_n3A_88 : vector<256x128xi1>, vector<256x128xf32>
    %reduce_min3A_106 = arith.constant dense<0x7F800000> : vector<256xf32>
    %reduce_min3A_107 = vector.multi_reduction <minimumf>, %select_n3A_105, %reduce_min3A_106 [1] : vector<256x128xf32> to vector<256xf32>
    %broadcast_in_dim3A_108 = vector.shape_cast %reduce_min3A_107 : vector<256xf32> to vector<256x1xf32>
    %eq3A_109 = vector.broadcast %broadcast_in_dim3A_108 : vector<256x1xf32> to vector<256x128xf32>
    %eq3A_110 = arith.cmpf oeq, %select_n3A_105, %eq3A_109 : vector<256x128xf32>
    %jit3A_111 = arith.constant 128 : i32
    %broadcast_in_dim3A_112 = vector.broadcast %jit3A_111 : i32 to vector<256x128xi32>
    %select_n3A_113 = arith.select %eq3A_110, %iota3A, %broadcast_in_dim3A_112 : vector<256x128xi1>, vector<256x128xi32>
    %reduce_min3A_114 = arith.constant dense<2147483647> : vector<256xi32>
    %reduce_min3A_115 = vector.multi_reduction <minsi>, %select_n3A_113, %reduce_min3A_114 [1] : vector<256x128xi32> to vector<256xi32>
    %broadcast_in_dim3A_116 = vector.shape_cast %reduce_min3A_115 : vector<256xi32> to vector<256x1xi32>
    %add3A_117 = arith.addf %add3A_100, %broadcast_in_dim3A_108 : vector<256x1xf32>
    %eq3A_118 = vector.broadcast %broadcast_in_dim3A_116 : vector<256x1xi32> to vector<256x128xi32>
    %eq3A_119 = arith.cmpi eq, %iota3A, %eq3A_118 : vector<256x128xi32>
    %jit3A_120 = arith.constant 1.000000e+30 : f32
    %broadcast_in_dim3A_121 = vector.broadcast %jit3A_120 : f32 to vector<256x128xf32>
    %select_n3A_122 = arith.select %eq3A_119, %broadcast_in_dim3A_121, %select_n3A_105 : vector<256x128xi1>, vector<256x128xf32>
    %reduce_min3A_123 = arith.constant dense<0x7F800000> : vector<256xf32>
    %reduce_min3A_124 = vector.multi_reduction <minimumf>, %select_n3A_122, %reduce_min3A_123 [1] : vector<256x128xf32> to vector<256xf32>
    %broadcast_in_dim3A_125 = vector.shape_cast %reduce_min3A_124 : vector<256xf32> to vector<256x1xf32>
    %eq3A_126 = vector.broadcast %broadcast_in_dim3A_125 : vector<256x1xf32> to vector<256x128xf32>
    %eq3A_127 = arith.cmpf oeq, %select_n3A_122, %eq3A_126 : vector<256x128xf32>
    %jit3A_128 = arith.constant 128 : i32
    %broadcast_in_dim3A_129 = vector.broadcast %jit3A_128 : i32 to vector<256x128xi32>
    %select_n3A_130 = arith.select %eq3A_127, %iota3A, %broadcast_in_dim3A_129 : vector<256x128xi1>, vector<256x128xi32>
    %reduce_min3A_131 = arith.constant dense<2147483647> : vector<256xi32>
    %reduce_min3A_132 = vector.multi_reduction <minsi>, %select_n3A_130, %reduce_min3A_131 [1] : vector<256x128xi32> to vector<256xi32>
    %broadcast_in_dim3A_133 = vector.shape_cast %reduce_min3A_132 : vector<256xi32> to vector<256x1xi32>
    %add3A_134 = arith.addf %add3A_117, %broadcast_in_dim3A_125 : vector<256x1xf32>
    %eq3A_135 = vector.broadcast %broadcast_in_dim3A_133 : vector<256x1xi32> to vector<256x128xi32>
    %eq3A_136 = arith.cmpi eq, %iota3A, %eq3A_135 : vector<256x128xi32>
    %jit3A_137 = arith.constant 1.000000e+30 : f32
    %broadcast_in_dim3A_138 = vector.broadcast %jit3A_137 : f32 to vector<256x128xf32>
    %select_n3A_139 = arith.select %eq3A_136, %broadcast_in_dim3A_138, %select_n3A_122 : vector<256x128xi1>, vector<256x128xf32>
    %reduce_min3A_140 = arith.constant dense<0x7F800000> : vector<256xf32>
    %reduce_min3A_141 = vector.multi_reduction <minimumf>, %select_n3A_139, %reduce_min3A_140 [1] : vector<256x128xf32> to vector<256xf32>
    %broadcast_in_dim3A_142 = vector.shape_cast %reduce_min3A_141 : vector<256xf32> to vector<256x1xf32>
    %eq3A_143 = vector.broadcast %broadcast_in_dim3A_142 : vector<256x1xf32> to vector<256x128xf32>
    %eq3A_144 = arith.cmpf oeq, %select_n3A_139, %eq3A_143 : vector<256x128xf32>
    %jit3A_145 = arith.constant 128 : i32
    %broadcast_in_dim3A_146 = vector.broadcast %jit3A_145 : i32 to vector<256x128xi32>
    %select_n3A_147 = arith.select %eq3A_144, %iota3A, %broadcast_in_dim3A_146 : vector<256x128xi1>, vector<256x128xi32>
    %reduce_min3A_148 = arith.constant dense<2147483647> : vector<256xi32>
    %reduce_min3A_149 = vector.multi_reduction <minsi>, %select_n3A_147, %reduce_min3A_148 [1] : vector<256x128xi32> to vector<256xi32>
    %broadcast_in_dim3A_150 = vector.shape_cast %reduce_min3A_149 : vector<256xi32> to vector<256x1xi32>
    %add3A_151 = arith.addf %add3A_134, %broadcast_in_dim3A_142 : vector<256x1xf32>
    %eq3A_152 = vector.broadcast %broadcast_in_dim3A_150 : vector<256x1xi32> to vector<256x128xi32>
    %eq3A_153 = arith.cmpi eq, %iota3A, %eq3A_152 : vector<256x128xi32>
    %jit3A_154 = arith.constant 1.000000e+30 : f32
    %broadcast_in_dim3A_155 = vector.broadcast %jit3A_154 : f32 to vector<256x128xf32>
    %select_n3A_156 = arith.select %eq3A_153, %broadcast_in_dim3A_155, %select_n3A_139 : vector<256x128xi1>, vector<256x128xf32>
    %reduce_min3A_157 = arith.constant dense<0x7F800000> : vector<256xf32>
    %reduce_min3A_158 = vector.multi_reduction <minimumf>, %select_n3A_156, %reduce_min3A_157 [1] : vector<256x128xf32> to vector<256xf32>
    %broadcast_in_dim3A_159 = vector.shape_cast %reduce_min3A_158 : vector<256xf32> to vector<256x1xf32>
    %eq3A_160 = vector.broadcast %broadcast_in_dim3A_159 : vector<256x1xf32> to vector<256x128xf32>
    %eq3A_161 = arith.cmpf oeq, %select_n3A_156, %eq3A_160 : vector<256x128xf32>
    %jit3A_162 = arith.constant 128 : i32
    %broadcast_in_dim3A_163 = vector.broadcast %jit3A_162 : i32 to vector<256x128xi32>
    %select_n3A_164 = arith.select %eq3A_161, %iota3A, %broadcast_in_dim3A_163 : vector<256x128xi1>, vector<256x128xi32>
    %reduce_min3A_165 = arith.constant dense<2147483647> : vector<256xi32>
    %reduce_min3A_166 = vector.multi_reduction <minsi>, %select_n3A_164, %reduce_min3A_165 [1] : vector<256x128xi32> to vector<256xi32>
    %broadcast_in_dim3A_167 = vector.shape_cast %reduce_min3A_166 : vector<256xi32> to vector<256x1xi32>
    %add3A_168 = arith.addf %add3A_151, %broadcast_in_dim3A_159 : vector<256x1xf32>
    %eq3A_169 = vector.broadcast %broadcast_in_dim3A_167 : vector<256x1xi32> to vector<256x128xi32>
    %eq3A_170 = arith.cmpi eq, %iota3A, %eq3A_169 : vector<256x128xi32>
    %jit3A_171 = arith.constant 1.000000e+30 : f32
    %broadcast_in_dim3A_172 = vector.broadcast %jit3A_171 : f32 to vector<256x128xf32>
    %select_n3A_173 = arith.select %eq3A_170, %broadcast_in_dim3A_172, %select_n3A_156 : vector<256x128xi1>, vector<256x128xf32>
    %reduce_min3A_174 = arith.constant dense<0x7F800000> : vector<256xf32>
    %reduce_min3A_175 = vector.multi_reduction <minimumf>, %select_n3A_173, %reduce_min3A_174 [1] : vector<256x128xf32> to vector<256xf32>
    %broadcast_in_dim3A_176 = vector.shape_cast %reduce_min3A_175 : vector<256xf32> to vector<256x1xf32>
    %eq3A_177 = vector.broadcast %broadcast_in_dim3A_176 : vector<256x1xf32> to vector<256x128xf32>
    %eq3A_178 = arith.cmpf oeq, %select_n3A_173, %eq3A_177 : vector<256x128xf32>
    %jit3A_179 = arith.constant 128 : i32
    %broadcast_in_dim3A_180 = vector.broadcast %jit3A_179 : i32 to vector<256x128xi32>
    %select_n3A_181 = arith.select %eq3A_178, %iota3A, %broadcast_in_dim3A_180 : vector<256x128xi1>, vector<256x128xi32>
    %reduce_min3A_182 = arith.constant dense<2147483647> : vector<256xi32>
    %reduce_min3A_183 = vector.multi_reduction <minsi>, %select_n3A_181, %reduce_min3A_182 [1] : vector<256x128xi32> to vector<256xi32>
    %broadcast_in_dim3A_184 = vector.shape_cast %reduce_min3A_183 : vector<256xi32> to vector<256x1xi32>
    %add3A_185 = arith.addf %add3A_168, %broadcast_in_dim3A_176 : vector<256x1xf32>
    %concatenate3A = tpu.concatenate %broadcast_in_dim3A_32, %broadcast_in_dim3A_48, %broadcast_in_dim3A_65, %broadcast_in_dim3A_82, %broadcast_in_dim3A_99, %broadcast_in_dim3A_116, %broadcast_in_dim3A_133, %broadcast_in_dim3A_150, %broadcast_in_dim3A_167, %broadcast_in_dim3A_184 in 1 : vector<256x1xi32>, vector<256x1xi32>, vector<256x1xi32>, vector<256x1xi32>, vector<256x1xi32>, vector<256x1xi32>, vector<256x1xi32>, vector<256x1xi32>, vector<256x1xi32>, vector<256x1xi32> -> vector<256x10xi32>
    %swap3A = arith.constant 0 : index
    %swap3A_186 = arith.constant 0 : index
    %swap3A_187 = vector.load %arg3[%swap3A, %swap3A_186] : memref<256x10xi32, #tpu.memory_space<vmem>>, vector<256x10xi32>
    tpu.vector_store %arg3[%swap3A, %swap3A_186], %concatenate3A {strides = array<i32>} : memref<256x10xi32, #tpu.memory_space<vmem>>, vector<256x10xi32>,
    %swap3A_188 = arith.constant 0 : index
    %swap3A_189 = arith.constant 0 : index
    %swap3A_190 = vector.load %arg4[%swap3A_188, %swap3A_189] : memref<256x1xf32, #tpu.memory_space<vmem>>, vector<256x1xf32>
    tpu.vector_store %arg4[%swap3A_188, %swap3A_189], %add3A_185 {strides = array<i32>} : memref<256x1xf32, #tpu.memory_space<vmem>>, vector<256x1xf32>,
    return
  }
  func.func @transform_0(%arg0: i32) -> (i32, i32) {
    %c0_i32 = arith.constant 0 : i32
    %c0_i32_0 = arith.constant 0 : i32
    return %arg0, %c0_i32 : i32, i32
  }
  func.func @transform_1(%arg0: i32) -> (i32, i32) {
    %c0_i32 = arith.constant 0 : i32
    %c0_i32_0 = arith.constant 0 : i32
    %c0_i32_1 = arith.constant 0 : i32
    return %c0_i32, %c0_i32_0 : i32, i32
  }
  func.func @transform_2(%arg0: i32) -> (i32, i32) {
    %c0_i32 = arith.constant 0 : i32
    %c0_i32_0 = arith.constant 0 : i32
    return %arg0, %c0_i32 : i32, i32
  }
  func.func @transform_3(%arg0: i32) -> (i32, i32) {
    %c0_i32 = arith.constant 0 : i32
    %c0_i32_0 = arith.constant 0 : i32
    return %arg0, %c0_i32 : i32, i32
  }
}

</mosaic_0001>

<sc_bundles>
// kernel: kernel.4.cloned.1.call-start
scs
__scs_entry_jumppad:
0x0: {  	(pc) =	sbr.rel $0x88, $3  }
0x1: {  	(tag) =	ssettag $0x0;
	lr =	simm.s32 $0x1  }
0x2: {  	[smem:$0x3F9E] =	sst lr;
	_ =	strace $0xD0000000  }
0x3: {  	_ = 	snop  }
0x4: {  	_ = 	snop  }
0x5: {  	_ = 	snop  }
0x6: {  	_ = 	snop  }
0x7: {  	_ = 	snop  }
__scs_overlays_trampoline_lowered:
0x8: {  	[smem:$0x3FAD] =	sst s0  }
0x9: {  	[smem:$0x3FAE] =	sst s1  }
0xa: {  	[smem:$0x3FAF] =	sst s2  }
0xb: {  	[smem:$0x3FB0] =	sst s3  }
0xc: {  	[smem:$0x3FB1] =	sst s4  }
0xd: {  	[smem:$0x3FB2] =	sst s5  }
0xe: {  	[smem:$0x3FB3] =	sst s6  }
0xf: {  	[smem:$0x3FB4] =	sst s7  }
0x10: {  	[smem:$0x3FB5] =	sst s8  }
0x11: {  	[smem:$0x3FB6] =	sst s9;
	s0 =	simm.s32 @!p0 $0x0  }
0x12: {  	s1 =	sld [smem:$0x3F9C];
	s0 =	simm.s32 @p0 $0x1  }
0x13: {  	[smem:$0x3FB7] =	sst s0;
	s0 =	simm.s32 @!p1 $0x0  }
0x14: {  	s2 =	sld [smem:$0x3F9B];
	s0 =	simm.s32 @p1 $0x1  }
0x15: {  	[smem:$0x3FB8] =	sst s0;
	s0 =	simm.s32 @!p2 $0x0  }
0x16: {  	s3 =	sld [smem:$0x3FDB];
	s0 =	simm.s32 @p2 $0x1  }
0x17: {  	s4 =	simm.s32 $0x1BF5;
	[smem:$0x3FBA] =	sst s0  }
0x18: {  	s0 =	sld [smem:$0x3F9D];
	_ =	swait.ge [sflag:s4], $0x0  }
0x19: {  	s7 =	sld [smem:$0x3F9E]  }
0x1a: {  	s8 =	sadd.s32 $0xFFFFE003, lr  }
0x1b: {  	s9 =	sadd.s32 $0xFFFFFEF7, lr;
	s5 =	simm.s32 $0xFFFFFFFF;
	p2 =	slt.u32 s8, $0xFFFFF086  }
0x1c: {  	p1 =	slt.u32 s9, $0xF7A;
	s5 =	simm.s32 @!p2 $0x0  }
0x1d: {  	s5 =	simm.s32 @p1 $0x1;
	p0 =	seq.s32 s7, s2  }
0x1e: {  	s7 =	smul.u32 @!p0 $0xF7A, s2;
	p2 =	seq.s32 @!p0 s5, $0x0  }
0x1f: {  	s9 =	smul.u32 $0xF7A, s1;
	s8 =	simm.s32 @!p0 $0x1BF5;
	p2 =	por !p2, p0  }
0x20: {  	[sflag:s8] =	ssyncset.s32 @!p0 $0xFFFFF086;
	s6 =	sadd.s32 @!p0 s3, s7;
	s7 =	simm.s32 @!p0 $0x108  }
0x21: {  	s3 =	sadd.s32 s3, s9;
	s6 =	sadd.s32 @!p0 $0x88, s6;
	s7 =	simm.s32 @p2 $0x1082  }
0x22: {  	[simem:s7], [sflag:s8] =	dma.local @!p0 [hbm:s6], $0xF7A  }
0x23: {  	s9 =	sor.u32 $0xD0000000, s2;
	s6 =	simm.s32 $0x108;
	_ =	swait.ge @!p0 [sflag:s8], $0x0  }
0x24: {  	s3 =	sadd.s32 $0x88, s3;
	s6 =	simm.s32 @!p1 $0x1082;
	[sflag:s4] =	ssyncset.s32 $0xFFFFF086  }
0x25: {  	[simem:s6], [sflag:s4] =	dma.local [hbm:s3], $0xF7A  }
0x26: {  	[smem:$0x3F9E] =	sst s1;
	(tag) =	ssettag s2;
	_ =	strace s9  }
0x27: {  	s1 =	sld [smem:$0x3FAE]  }
0x28: {  	s2 =	sld [smem:$0x3FAF]  }
0x29: {  	s4 =	sld [smem:$0x3FB1]  }
0x2a: {  	p0 =	seq.s32 s5, $0x0;
	s5 =	sld [smem:$0x3FB2]  }
0x2b: {  	s6 =	sld [smem:$0x3FB3]  }
0x2c: {  	s7 =	sld [smem:$0x3FB4]  }
0x2d: {  	s3 =	simm.s32 $0x108;
	s8 =	sld [smem:$0x3FB5]  }
0x2e: {  	s3 =	simm.s32 @!p0 $0x1082;
	s9 =	sld [smem:$0x3FB6]  }
0x2f: {  	lr =	sadd.s32 s0, s3;
	s0 =	sld [smem:$0x3FAD]  }
0x30: {  	s3 =	sld [smem:$0x3FB0]  }
0x31: {  	[smem:$0x3FB9] =	sst s10  }
0x32: {  	s10 =	sld [smem:$0x3FB7];
	_ =	sdelay $0x3  }
0x33: {  	p0 =	seq.s32 s10, $0x1;
	s10 =	sld [smem:$0x3FB9];
	_ =	sdelay $0x3  }
0x34: {  	[smem:$0x3FB9] =	sst s10  }
0x35: {  	s10 =	sld [smem:$0x3FB8];
	_ =	sdelay $0x3  }
0x36: {  	p1 =	seq.s32 s10, $0x1;
	s10 =	sld [smem:$0x3FB9];
	_ =	sdelay $0x3  }
0x37: {  	[smem:$0x3FB9] =	sst s10  }
0x38: {  	s10 =	sld [smem:$0x3FBA]  }
0x39: {  	_ = 	snop;
	(pc) =	sbr.ind lr, $3  }
0x3a: {  	_ = 	snop  }
0x3b: {  	_ = 	snop  }
0x3c: {  	p2 =	seq.s32 s10, $0x1;
	s10 =	sld [smem:$0x3FB9]  }
0x3d: {  	_ =	shalt  }
0x3e: {  	_ =	shalt  }
0x3f: {  	_ =	shalt  }
0x40: {  	_ =	shalt  }
0x41: {  	_ =	shalt  }
0x42: {  	_ =	shalt  }
0x43: {  	_ =	shalt  }
0x44: {  	_ =	shalt  }
0x45: {  	_ =	shalt  }
0x46: {  	_ =	shalt  }
0x47: {  	_ =	shalt  }
0x48: {  	_ =	shalt  }
0x49: {  	_ =	shalt  }
0x4a: {  	_ =	shalt  }
0x4b: {  	_ =	shalt  }
0x4c: {  	_ =	shalt  }
0x4d: {  	_ =	shalt  }
0x4e: {  	_ =	shalt  }
0x4f: {  	_ =	shalt  }
0x50: {  	_ =	shalt  }
0x51: {  	_ =	shalt  }
0x52: {  	_ =	shalt  }
0x53: {  	_ =	shalt  }
0x54: {  	_ =	shalt  }
0x55: {  	_ =	shalt  }
0x56: {  	_ =	shalt  }
0x57: {  	_ =	shalt  }
0x58: {  	_ =	shalt  }
0x59: {  	_ =	shalt  }
0x5a: {  	_ =	shalt  }
0x5b: {  	_ =	shalt  }
0x5c: {  	_ =	shalt  }
0x5d: {  	_ =	shalt  }
0x5e: {  	_ =	shalt  }
0x5f: {  	_ =	shalt  }
0x60: {  	_ =	shalt  }
0x61: {  	_ =	shalt  }
0x62: {  	_ =	shalt  }
0x63: {  	_ =	shalt  }
0x64: {  	_ =	shalt  }
0x65: {  	_ =	shalt  }
0x66: {  	_ =	shalt  }
0x67: {  	_ =	shalt  }
0x68: {  	_ =	shalt  }
0x69: {  	_ =	shalt  }
0x6a: {  	_ =	shalt  }
0x6b: {  	_ =	shalt  }
0x6c: {  	_ =	shalt  }
0x6d: {  	_ =	shalt  }
0x6e: {  	_ =	shalt  }
0x6f: {  	_ =	shalt  }
0x70: {  	_ =	shalt  }
0x71: {  	_ =	shalt  }
0x72: {  	_ =	shalt  }
0x73: {  	_ =	shalt  }
0x74: {  	_ =	shalt  }
0x75: {  	_ =	shalt  }
0x76: {  	_ =	shalt  }
0x77: {  	_ =	shalt  }
0x78: {  	_ =	shalt  }
0x79: {  	_ =	shalt  }
0x7a: {  	_ =	shalt  }
0x7b: {  	_ =	shalt  }
0x7c: {  	_ =	shalt  }
0x7d: {  	_ =	shalt  }
0x7e: {  	_ =	shalt  }
0x7f: {  	_ =	shalt  }
0x80: {  	_ =	shalt  }
0x81: {  	_ =	shalt  }
0x82: {  	_ =	shalt  }
0x83: {  	_ =	shalt  }
0x84: {  	_ =	shalt  }
0x85: {  	_ =	shalt  }
0x86: {  	_ =	shalt  }
0x87: {  	_ =	shalt  }
.Lfunc_end0:
.L_simem_size_0:
called_computation.1_lowered:
.L_overlay_start_0:
0x88: {  	s2 =	sld [smem:$0x3FD9]  }
0x89: {  	s3 =	sld [smem:$0x3FFE];
	_ =	sdelay $0x1  }
0x8a: {  	s1 =	srdreg.scid  }
0x8b: {  	s0 =	sand.u32 $0x1, s1  }
0x8c: {  	s14 =	sshll.u32 s0, $0xA;
	s2 =	sadd.s32 s3, s2  }
0x8d: {  	s2 =	sadd.s32 s2, s14  }
0x8e: {  	[smem:$0x3FC5] =	sst s2  }
0x8f: {  	_ = 	snop  }
0x90: {  	s2 =	sld [smem:$0x3FD0];
	_ =	sdelay $0x2  }
0x91: {  	s15 =	simm.s32 $0xA;
	s4 =	simm.s32 $0x10  }
0x92: {  	[smem:s4], [sflag:s15] =	dma.local [hbm:s2], $0x1  }
0x93: {  	_ =	swait.eq [sflag:s15], $0x1  }
0x94: {  	[sflag:s15] =	ssyncset.done $0x0  }
0x95: {  	[sflag:s15] =	ssyncadd.s32 $0xFFFFFFFF  }
0x96: {  	s16 =	sld [smem:$0x11];
	(tm) =	ssettm $0x1  }
0x97: {  	s17 =	sld [smem:$0x3FFB];
	_ =	sdelay $0x3  }
0x98: {  	_ =	strace s17  }
0x99: {  	s3 =	sld [smem:$0x3FFC];
	_ =	sdelay $0x3  }
0x9a: {  	_ =	strace s3  }
0x9b: {  	s3 =	sld [smem:$0x3FFD];
	_ =	sdelay $0x3  }
0x9c: {  	_ =	strace s3  }
0x9d: {  	_ =	strace $0x8FFFFFFF  }
0x9e: {  	s18 =	sld [smem:$0x3FDB];
	_ =	sdelay $0x1  }
0x9f: {  	s19 =	simm.s32 $_scs_section_size  }
0xa0: {  	s5 =	simm.s32 $_size__tile_overlayer_lowered;
	s6 =	simm.s32 $_tile_overlayer_lowered  }
0xa1: {  	s22 =	simm.s32 $0x1BFF;
	s21 =	sshll.u32 s6, $0x1;
	s3 =	sadd.s32 s19, s18  }
0xa2: {  	s7 =	simm.s32 $0x0;
	s20 =	sshll.u32 s5, $0x1;
	s5 =	sadd.s32 s21, s3  }
0xa3: {  	[timem:s7], [sflag:s22] =	dma.local [hbm:s5], s20  }
0xa4: {  	_ =	swait.ge [sflag:s22], s20  }
0xa5: {  	s4 =	ssub.s32 $0x0, s20;
	[sflag:s22] =	ssyncset.done $0x0  }
0xa6: {  	[sflag:s22] =	ssyncadd.s32 s4;
	_ =	sdelay $0x1  }
0xa7: {  	s23 =	simm.s32 $0x1B8B  }
0xa8: {  	_ =	swait.ge [sflag:s23], $0x1  }
0xa9: {  	[sflag:s23] =	ssyncset.done $0x0  }
0xaa: {  	s25 =	simm.s32 $0x1B8E;
	s24 =	sld [smem:$0x3FFE];
	[sflag:s23] =	ssyncadd.s32 $0xFFFFFFFF  }
0xab: {  	s26 =	simm.s32 $execute0_lowered;
	[smem:$0x3FD2] =	sst s25  }
0xac: {  	s5 =	sshll.u32 s26, $0x1;
	_ =	strace $0x80000046;
	[dreg:$0x1] =	wrdreg $0xFFFFFFFF  }
0xad: {  	s28 =	simm.s32 $_size_execute0_lowered;
	s3 =	sadd.s32 s3, s5;
	[dreg:$0x0] =	wrdreg $0x0  }
0xae: {  	s5 =	sshll.u32 s28, $0x1;
	[dreg:$0x2] =	wrdreg s3  }
0xaf: {  	[dreg:$0x3] =	wrdreg s5  }
0xb0: {  	[dreg:$0x4] =	wrdreg $0xC0  }
0xb1: {  	_ =	task [dreg:s7], $0x5FFFF  }
0xb2: {  	[dreg:$0x1] =	wrdreg $0xFFFFFFFF  }
0xb3: {  	[dreg:$0x0] =	wrdreg $0x60  }
0xb4: {  	[dreg:$0x2] =	wrdreg s24  }
0xb5: {  	[dreg:$0x3] =	wrdreg s16  }
0xb6: {  	[dreg:$0x4] =	wrdreg $0x0  }
0xb7: {  	[dreg:$0x5] =	wrdreg $0x9  }
0xb8: {  	_ =	task.clear_ibuf [dreg:s7], $0x6FFFF;
	_ =	strace $0x90000046  }
0xb9: {  	s29 =	simm.s32 $0x9;
	_ =	strace $0x80000048  }
0xba: {  	_ =	swait.ge [sflag:s29], $0x1  }
0xbb: {  	[sflag:s29] =	ssyncadd.s32 $0xFFFFFFFF  }
0xbc: {  	_ =	strace $0x90000048  }
0xbd: {  	_ =	sfence  }
0xbe: {  	s30 =	sld [smem:$0x0];
	_ =	sdelay $0x2  }
0xbf: {  	s31 =	sshll.u32 s1, $0xD;
	s1 =	sshrl.u32 s1, $0x2  }
0xc0: {  	s3 =	sand.u32 $0x4000, s31;
	s1 =	sadd.s32 s1, s30  }
0xc1: {  	s0 =	sor.u32 s3, s0;
	s1 =	sshll.u32 s1, $0x11  }
0xc2: {  	s0 =	sor.u32 s1, s0  }
0xc3: {  	s0 =	sadd.s32 $0x8F2B, s0  }
0xc4: {  	[sflag:s0] =	ssyncadd.remote.s32 $0x1  }
0xc5: {  	_ =	sfence.sel $0xFFFF  }
0xc6: {  	[dreg:$0x0] =	wrdreg $0xFFFFFFFF;
	(pc) =	sbr.abs _section_cstart, $3  }
0xc7: {  	[dreg:$0x1] =	wrdreg $0xFFFFFFFF  }
0xc8: {  	_ =	task.clear_ibuf [dreg:s7], $0x2FFFF;
	_ =	strace $0x9FFFFFFF  }
0xc9: {  	(tm) =	ssettm $0x7FFFFFFF  }
tec
execute0_lowered:
.L_overlay_start_1:
0x0: {  	(tag) =	ssettag $0x1  }
0x1: {  	s0 =	rddreg [dreg:$0x0]  }
0x2: {  	s2 =	rddreg [dreg:$0x1]  }
0x3: {  	s3 =	rddreg [dreg:$0x2];
	s4 =	simm.s32 $0x0  }
0x4: {  	[smem:$0x7FF] =	sst s4;
	s10 =	sadd.s32 $0x7800, s0  }
0x5: {  	s12 =	sadd.s32 $0x12480, s0;
	_ =	strace $0x80000047;
	[dreg:$0x4] =	wrdreg s10  }
0x6: {  	s1 =	srdreg.scid;
	s13 =	sadd.s32 $0x56400, s3;
	[dreg:$0x5] =	wrdreg s12  }
0x7: {  	s9 =	stileid.u32;
	s14 =	sadd.s32 $0x11D00, s0;
	[dreg:$0x6] =	wrdreg s13  }
0x8: {  	s28 =	simm.s32 $0xFFC0;
	s15 =	sadd.s32 $0x52800, s3;
	[dreg:$0x7] =	wrdreg s14  }
0x9: {  	s29 =	simm.s32 $0x10EC0;
	s16 =	sadd.s32 $0x10E00, s0;
	[dreg:$0x8] =	wrdreg s15  }
0xa: {  	s30 =	simm.s32 $0x11DC0;
	s17 =	sadd.s32 $0x4B000, s3;
	[dreg:$0x9] =	wrdreg s16  }
0xb: {  	s31 =	simm.s32 $0x12CC0;
	s18 =	sadd.s32 $0xFF00, s0;
	[dreg:$0xa] =	wrdreg s17  }
0xc: {  	s1 =	sand.u32 $0x1, s1;
	s20 =	sadd.s32 $0xF000, s0;
	[dreg:$0xb] =	wrdreg s18  }
0xd: {  	s5 =	sshll.u32 s9, $0x1;
	s21 =	sadd.s32 $0xE100, s0;
	[dreg:$0xc] =	wrdreg s20  }
0xe: {  	s19 =	smul.u32 $0x258000, s9;
	s22 =	sadd.s32 $0xD200, s0;
	[dreg:$0xd] =	wrdreg s21  }
0xf: {  	s23 =	sadd.s32 $0xC300, s0;
	s24 =	sadd.s32 $0xB400, s0;
	[dreg:$0xe] =	wrdreg s22  }
0x10: {  	s25 =	sadd.s32 $0xA500, s0;
	s26 =	sadd.s32 $0x9600, s0;
	[dreg:$0xf] =	wrdreg s23  }
0x11: {  	p0 =	sgt.s32 s9, $0x5;
	p1 =	sgt.s32 s9, $0x2;
	[dreg:$0x10] =	wrdreg s24  }
0x12: {  	p2 =	seq.s32 s9, $0x0;
	p5 =	seq.s32 s9, $0x3;
	[dreg:$0x11] =	wrdreg s25  }
0x13: {  	p4 =	sgt.s32 s9, $0x8;
	[dreg:$0x12] =	wrdreg s26;
	s15 =	sadd.s32 $0x43800, s3  }
0x14: {  	p3 =	seq.s32 s9, $0x6;
	s16 =	sadd.s32 $0x3C000, s3;
	[dreg:$0x16] =	wrdreg s15  }
0x15: {  	p6 =	sgt.s32 s9, $0xA;
	s17 =	sadd.s32 $0x34800, s3;
	[dreg:$0x17] =	wrdreg s16  }
0x16: {  	s5 =	sor.u32 s1, s5;
	s18 =	sadd.s32 $0x2D000, s3;
	[dreg:$0x18] =	wrdreg s17  }
0x17: {  	s7 =	ssub.s32 $0x2, s1;
	s20 =	sadd.s32 $0x1E000, s3;
	[dreg:$0x19] =	wrdreg s18  }
0x18: {  	s1 =	smul.u32 $0x12C000, s1;
	s21 =	sadd.s32 $0x16800, s3;
	[dreg:$0x1b] =	wrdreg s20  }
0x19: {  	s22 =	sadd.s32 $0xF000, s3;
	s23 =	sadd.s32 $0x7800, s3;
	[dreg:$0x1c] =	wrdreg s21  }
0x1a: {  	s6 =	smul.u32 $0x180, s5;
	s8 =	sshrl.u32 s7, $0x1;
	[dreg:$0x1d] =	wrdreg s22  }
0x1b: {  	s5 =	smul.u32 $0x12C000, s5;
	[dreg:$0x1e] =	wrdreg s23;
	s15 =	simm.s32 $0xA5C0  }
0x1c: {  	s16 =	simm.s32 $0xB4C0;
	s17 =	simm.s32 $0xC3C0;
	s18 =	simm.s32 $0xD2C0  }
0x1d: {  	s20 =	simm.s32 $0xE1C0;
	s7 =	ssub.s32 s7, s8;
	s1 =	sadd.s32 s1, s19  }
0x1e: {  	s19 =	sadd.s32 $0x25800, s3;
	s6 =	sadd.s32 s6, s0;
	s0 =	sadd.s32 $0x8700, s0  }
0x1f: {  	s10 =	sshrl.u32 s5, $0x3;
	[dreg:$0x13] =	wrdreg s0;
	s0 =	simm.s32 @!p2 $0x0  }
0x20: {  	s11 =	sadd.s32 $0x7800, s1;
	s0 =	simm.s32 @p2 $0x1;
	p2 =	seq.s32 s9, $0x1  }
0x21: {  	s14 =	smax.u32 s7, $0x1;
	[smem:$0x7F3] =	sst s0;
	s0 =	simm.s32 @!p2 $0x0  }
0x22: {  	[dreg:$0x1a] =	wrdreg s19;
	s0 =	simm.s32 @p2 $0x1;
	p2 =	seq.s32 s9, $0x2  }
0x23: {  	s24 =	sadd.s32 $0xF000, s1;
	[smem:$0x7F4] =	sst s0;
	s0 =	simm.s32 @!p2 $0x0  }
0x24: {  	s19 =	simm.s32 $0x1;
	s0 =	simm.s32 @p2 $0x1;
	p2 =	seq.s32 s9, $0x4  }
0x25: {  	s1 =	simm.s32 $0x13BC0;
	[smem:$0x7F5] =	sst s0;
	s0 =	simm.s32 @!p2 $0x0  }
0x26: {  	s5 =	simm.s32 $0x14AC0;
	s0 =	simm.s32 @p2 $0x1;
	p2 =	seq.s32 s9, $0x5  }
0x27: {  	s7 =	simm.s32 $0x0;
	[smem:$0x7F6] =	sst s0;
	s0 =	simm.s32 @!p2 $0x0  }
0x28: {  	s6 =	sadd.s32 $0x4800, s6;
	s0 =	simm.s32 @p2 $0x1;
	p2 =	seq.s32 s9, $0x7  }
0x29: {  	s12 =	sadd.s32 s2, s10;
	[smem:$0x7F7] =	sst s0;
	s0 =	simm.s32 @!p2 $0x0  }
0x2a: {  	[dreg:$0x15] =	wrdreg s14;
	s0 =	simm.s32 @p2 $0x1;
	p2 =	seq.s32 s9, $0x8  }
0x2b: {  	s13 =	sshrl.u32 s11, $0x3;
	[smem:$0x7F8] =	sst s0;
	s0 =	simm.s32 @!p2 $0x0  }
0x2c: {  	s10 =	simm.s32 $0x3;
	s0 =	simm.s32 @p2 $0x1;
	p2 =	seq.s32 s9, $0x9  }
0x2d: {  	s14 =	simm.s32 $0x96C0;
	[smem:$0x7F9] =	sst s0;
	s0 =	simm.s32 @!p2 $0x0  }
0x2e: {  	[dreg:$0x14] =	wrdreg s6;
	s0 =	simm.s32 @p2 $0x1;
	p2 =	seq.s32 s9, $0xA  }
0x2f: {  	s25 =	sadd.s32 s13, s2;
	[smem:$0x7FA] =	sst s0;
	s0 =	simm.s32 @!p2 $0x0  }
0x30: {  	s8 =	smov.u32 s12;
	s0 =	simm.s32 @p2 $0x1;
	p2 =	seq.s32 s9, $0xB  }
0x31: {  	s26 =	sadd.s32 $0x24900, s12;
	[smem:$0x7FB] =	sst s0;
	s0 =	simm.s32 @!p2 $0x0  }
0x32: {  	s12 =	simm.s32 $0x78C0;
	s0 =	simm.s32 @p2 $0x1;
	p2 =	seq.s32 s9, $0xC  }
0x33: {  	s13 =	simm.s32 $0x87C0;
	[smem:$0x7FC] =	sst s0;
	s0 =	simm.s32 @!p2 $0x0  }
0x34: {  	s6 =	simm.s32 $0x2;
	[dreg:$0x1f] =	wrdreg s26;
	s0 =	simm.s32 @p2 $0x1  }
0x35: {  	s26 =	simm.s32 $0xF0C0;
	s9 =	simm.s32 $0x69C0;
	[smem:$0x7FD] =	sst s0  }
.LBB2_1:
.Ltmp0:
0x36: {  	(pc) =	sbr.rel @!p0 .LBB2_2-.Ltmp0, $1  }
0x37: {  	_ =	sdelay $0x3  }
.Ltmp1:
0x38: {  	(pc) =	sbr.rel @!p4 .LBB2_12-.Ltmp1, $1  }
0x39: {  	_ =	sdelay $0x3  }
.Ltmp2:
0x3a: {  	(pc) =	sbr.rel @p6 .LBB2_20-.Ltmp2, $1  }
0x3b: {  	_ =	sdelay $0x3  }
0x3c: {  	s0 =	sld [smem:$0x7FA];
	_ =	sdelay $0x2  }
0x3d: {  	p2 =	seq.s32 s0, $0x1  }
.Ltmp3:
0x3e: {  	_ = 	snop;
	(pc) =	sbr.rel @p2 .LBB2_29-.Ltmp3, $1  }
0x3f: {  	_ =	sdelay $0x3  }
0x40: {  	s0 =	sld [smem:$0x7FB];
	_ =	sdelay $0x2  }
0x41: {  	p2 =	seq.s32 s0, $0x1  }
.Ltmp4:
0x42: {  	_ = 	snop;
	(pc) =	sbr.rel @!p2 .LBB2_32-.Ltmp4, $1  }
0x43: {  	_ =	sdelay $0x3  }
0x44: {  	s0 =	rddreg [dreg:$0x9]  }
0x45: {  	[tilespmem:s9], [sflag:$0x3] =	stream.linear.gather [hbm4b:s0+s4], $0x7800, $0x38;
	[tilespmem:$0x159C0] =	vst v63  }
.Ltmp5:
0x46: {  	_ = 	snop;
	(pc) =	sbr.rel .LBB2_31-.Ltmp5, $4  }
0x47: {  	_ =	swait.ge [sflag:s10], $0x7800  }
0x48: {  	[sflag:s10] =	ssyncset.done $0x0  }
0x49: {  	s23 =	rddreg [dreg:$0xa];
	[sflag:s10] =	ssyncadd.s32 $0xFFFF8800  }
0x4a: {  	[spmem:s23] =	stream.linear.scatter [tilespmem:s9], [sflag:$0x3], $0x7800, $0x38;
	[tilespmem:$0x159C0] =	vst v63  }
.LBB2_2:
.Ltmp6:
0x4b: {  	(pc) =	sbr.rel @p1 .LBB2_7-.Ltmp6, $1  }
0x4c: {  	_ =	sdelay $0x3  }
0x4d: {  	s0 =	sld [smem:$0x7F3];
	_ =	sdelay $0x2  }
0x4e: {  	p2 =	seq.s32 s0, $0x1  }
.Ltmp7:
0x4f: {  	_ = 	snop;
	(pc) =	sbr.rel @p2 .LBB2_23-.Ltmp7, $1  }
0x50: {  	_ =	sdelay $0x3  }
0x51: {  	s0 =	sld [smem:$0x7F4];
	_ =	sdelay $0x2  }
0x52: {  	p2 =	seq.s32 s0, $0x1  }
.Ltmp8:
0x53: {  	_ = 	snop;
	(pc) =	sbr.rel @p2 .LBB2_24-.Ltmp8, $1  }
0x54: {  	_ =	sdelay $0x3  }
0x55: {  	s0 =	sld [smem:$0x7F5];
	_ =	sdelay $0x2  }
0x56: {  	p2 =	seq.s32 s0, $0x1  }
.Ltmp9:
0x57: {  	_ = 	snop;
	(pc) =	sbr.rel @!p2 .LBB2_32-.Ltmp9, $1  }
0x58: {  	_ =	sdelay $0x3  }
0x59: {  	s0 =	rddreg [dreg:$0x12]  }
0x5a: {  	[tilespmem:s9], [sflag:$0x3] =	stream.linear.gather [hbm4b:s0+s4], $0x7800, $0x38;
	[tilespmem:$0x159C0] =	vst v63  }
.Ltmp10:
0x5b: {  	_ = 	snop;
	(pc) =	sbr.rel .LBB2_31-.Ltmp10, $4  }
0x5c: {  	_ =	swait.ge [sflag:s10], $0x7800  }
0x5d: {  	[sflag:s10] =	ssyncset.done $0x0  }
0x5e: {  	s23 =	rddreg [dreg:$0x1d];
	[sflag:s10] =	ssyncadd.s32 $0xFFFF8800  }
0x5f: {  	[spmem:s23] =	stream.linear.scatter [tilespmem:s9], [sflag:$0x3], $0x7800, $0x38;
	[tilespmem:$0x159C0] =	vst v63  }
.LBB2_12:
.Ltmp11:
0x60: {  	(pc) =	sbr.rel @p3 .LBB2_27-.Ltmp11, $1  }
0x61: {  	_ =	sdelay $0x3  }
0x62: {  	s0 =	sld [smem:$0x7F8];
	_ =	sdelay $0x2  }
0x63: {  	p2 =	seq.s32 s0, $0x1  }
.Ltmp12:
0x64: {  	_ = 	snop;
	(pc) =	sbr.rel @p2 .LBB2_28-.Ltmp12, $1  }
0x65: {  	_ =	sdelay $0x3  }
0x66: {  	s0 =	sld [smem:$0x7F9];
	_ =	sdelay $0x2  }
0x67: {  	p2 =	seq.s32 s0, $0x1  }
.Ltmp13:
0x68: {  	_ = 	snop;
	(pc) =	sbr.rel @!p2 .LBB2_32-.Ltmp13, $1  }
0x69: {  	_ =	sdelay $0x3  }
0x6a: {  	s0 =	rddreg [dreg:$0xc]  }
0x6b: {  	[tilespmem:s9], [sflag:$0x3] =	stream.linear.gather [hbm4b:s0+s4], $0x7800, $0x38;
	[tilespmem:$0x159C0] =	vst v63  }
.Ltmp14:
0x6c: {  	_ = 	snop;
	(pc) =	sbr.rel .LBB2_31-.Ltmp14, $4  }
0x6d: {  	_ =	swait.ge [sflag:s10], $0x7800  }
0x6e: {  	[sflag:s10] =	ssyncset.done $0x0  }
0x6f: {  	s23 =	rddreg [dreg:$0x17];
	[sflag:s10] =	ssyncadd.s32 $0xFFFF8800  }
0x70: {  	[spmem:s23] =	stream.linear.scatter [tilespmem:s9], [sflag:$0x3], $0x7800, $0x38;
	[tilespmem:$0x159C0] =	vst v63  }
.LBB2_7:
.Ltmp15:
0x71: {  	(pc) =	sbr.rel @p5 .LBB2_25-.Ltmp15, $1  }
0x72: {  	_ =	sdelay $0x3  }
0x73: {  	s0 =	sld [smem:$0x7F6];
	_ =	sdelay $0x2  }
0x74: {  	p2 =	seq.s32 s0, $0x1  }
.Ltmp16:
0x75: {  	_ = 	snop;
	(pc) =	sbr.rel @p2 .LBB2_26-.Ltmp16, $1  }
0x76: {  	_ =	sdelay $0x3  }
0x77: {  	s0 =	sld [smem:$0x7F7];
	_ =	sdelay $0x2  }
0x78: {  	p2 =	seq.s32 s0, $0x1  }
.Ltmp17:
0x79: {  	_ = 	snop;
	(pc) =	sbr.rel @!p2 .LBB2_32-.Ltmp17, $1  }
0x7a: {  	_ =	sdelay $0x3  }
0x7b: {  	s0 =	rddreg [dreg:$0xf]  }
0x7c: {  	[tilespmem:s9], [sflag:$0x3] =	stream.linear.gather [hbm4b:s0+s4], $0x7800, $0x38;
	[tilespmem:$0x159C0] =	vst v63  }
.Ltmp18:
0x7d: {  	_ = 	snop;
	(pc) =	sbr.rel .LBB2_31-.Ltmp18, $4  }
0x7e: {  	_ =	swait.ge [sflag:s10], $0x7800  }
0x7f: {  	[sflag:s10] =	ssyncset.done $0x0  }
0x80: {  	s23 =	rddreg [dreg:$0x1a];
	[sflag:s10] =	ssyncadd.s32 $0xFFFF8800  }
0x81: {  	[spmem:s23] =	stream.linear.scatter [tilespmem:s9], [sflag:$0x3], $0x7800, $0x38;
	[tilespmem:$0x159C0] =	vst v63  }
.LBB2_20:
0x82: {  	s0 =	sld [smem:$0x7FC];
	_ =	sdelay $0x2  }
0x83: {  	p2 =	seq.s32 s0, $0x1  }
.Ltmp19:
0x84: {  	_ = 	snop;
	(pc) =	sbr.rel @p2 .LBB2_30-.Ltmp19, $1  }
0x85: {  	_ =	sdelay $0x3  }
0x86: {  	s0 =	sld [smem:$0x7FD];
	_ =	sdelay $0x2  }
0x87: {  	p2 =	seq.s32 s0, $0x1  }
.Ltmp20:
0x88: {  	_ = 	snop;
	(pc) =	sbr.rel @!p2 .LBB2_32-.Ltmp20, $1  }
0x89: {  	_ =	sdelay $0x3  }
0x8a: {  	s0 =	rddreg [dreg:$0x5]  }
0x8b: {  	[tilespmem:s9], [sflag:$0x3] =	stream.linear.gather [hbm4b:s0+s4], $0x7800, $0x38;
	[tilespmem:$0x159C0] =	vst v63  }
.Ltmp21:
0x8c: {  	_ = 	snop;
	(pc) =	sbr.rel .LBB2_31-.Ltmp21, $4  }
0x8d: {  	_ =	swait.ge [sflag:s10], $0x7800  }
0x8e: {  	[sflag:s10] =	ssyncset.done $0x0  }
0x8f: {  	s23 =	rddreg [dreg:$0x6];
	[sflag:s10] =	ssyncadd.s32 $0xFFFF8800  }
0x90: {  	[spmem:s23] =	stream.linear.scatter [tilespmem:s9], [sflag:$0x3], $0x7800, $0x38;
	[tilespmem:$0x159C0] =	vst v63  }
.LBB2_29:
0x91: {  	s0 =	rddreg [dreg:$0xb]  }
0x92: {  	[tilespmem:s9], [sflag:$0x3] =	stream.linear.gather [hbm4b:s0+s4], $0x7800, $0x38;
	[tilespmem:$0x159C0] =	vst v63  }
.Ltmp22:
0x93: {  	_ = 	snop;
	(pc) =	sbr.rel .LBB2_31-.Ltmp22, $4  }
0x94: {  	_ =	swait.ge [sflag:s10], $0x7800  }
0x95: {  	[sflag:s10] =	ssyncset.done $0x0  }
0x96: {  	s23 =	rddreg [dreg:$0x16];
	[sflag:s10] =	ssyncadd.s32 $0xFFFF8800  }
0x97: {  	[spmem:s23] =	stream.linear.scatter [tilespmem:s9], [sflag:$0x3], $0x7800, $0x38;
	[tilespmem:$0x159C0] =	vst v63  }
.LBB2_30:
0x98: {  	s0 =	rddreg [dreg:$0x7]  }
0x99: {  	[tilespmem:s9], [sflag:$0x3] =	stream.linear.gather [hbm4b:s0+s4], $0x7800, $0x38;
	[tilespmem:$0x159C0] =	vst v63  }
.Ltmp23:
0x9a: {  	_ = 	snop;
	(pc) =	sbr.rel .LBB2_31-.Ltmp23, $4  }
0x9b: {  	_ =	swait.ge [sflag:s10], $0x7800  }
0x9c: {  	[sflag:s10] =	ssyncset.done $0x0  }
0x9d: {  	s23 =	rddreg [dreg:$0x8];
	[sflag:s10] =	ssyncadd.s32 $0xFFFF8800  }
0x9e: {  	[spmem:s23] =	stream.linear.scatter [tilespmem:s9], [sflag:$0x3], $0x7800, $0x38;
	[tilespmem:$0x159C0] =	vst v63  }
.LBB2_27:
0x9f: {  	s0 =	rddreg [dreg:$0xe]  }
0xa0: {  	[tilespmem:s9], [sflag:$0x3] =	stream.linear.gather [hbm4b:s0+s4], $0x7800, $0x38;
	[tilespmem:$0x159C0] =	vst v63  }
.Ltmp24:
0xa1: {  	_ = 	snop;
	(pc) =	sbr.rel .LBB2_31-.Ltmp24, $4  }
0xa2: {  	_ =	swait.ge [sflag:s10], $0x7800  }
0xa3: {  	[sflag:s10] =	ssyncset.done $0x0  }
0xa4: {  	s23 =	rddreg [dreg:$0x19];
	[sflag:s10] =	ssyncadd.s32 $0xFFFF8800  }
0xa5: {  	[spmem:s23] =	stream.linear.scatter [tilespmem:s9], [sflag:$0x3], $0x7800, $0x38;
	[tilespmem:$0x159C0] =	vst v63  }
.LBB2_28:
0xa6: {  	s0 =	rddreg [dreg:$0xd]  }
0xa7: {  	[tilespmem:s9], [sflag:$0x3] =	stream.linear.gather [hbm4b:s0+s4], $0x7800, $0x38;
	[tilespmem:$0x159C0] =	vst v63  }
.Ltmp25:
0xa8: {  	_ = 	snop;
	(pc) =	sbr.rel .LBB2_31-.Ltmp25, $4  }
0xa9: {  	_ =	swait.ge [sflag:s10], $0x7800  }
0xaa: {  	[sflag:s10] =	ssyncset.done $0x0  }
0xab: {  	s23 =	rddreg [dreg:$0x18];
	[sflag:s10] =	ssyncadd.s32 $0xFFFF8800  }
0xac: {  	[spmem:s23] =	stream.linear.scatter [tilespmem:s9], [sflag:$0x3], $0x7800, $0x38;
	[tilespmem:$0x159C0] =	vst v63  }
.LBB2_23:
0xad: {  	s0 =	rddreg [dreg:$0x4]  }
0xae: {  	[tilespmem:s9], [sflag:$0x3] =	stream.linear.gather [hbm4b:s0+s4], $0x7800, $0x38;
	[tilespmem:$0x159C0] =	vst v63  }
.Ltmp26:
0xaf: {  	_ = 	snop;
	(pc) =	sbr.rel .LBB2_31-.Ltmp26, $4  }
0xb0: {  	_ =	swait.ge [sflag:s10], $0x7800  }
0xb1: {  	[sflag:s10] =	ssyncset.done $0x0  }
0xb2: {  	[sflag:s10] =	ssyncadd.s32 $0xFFFF8800  }
0xb3: {  	[spmem:s3] =	stream.linear.scatter [tilespmem:s9], [sflag:$0x3], $0x7800, $0x38;
	[tilespmem:$0x159C0] =	vst v63  }
.LBB2_25:
0xb4: {  	s0 =	rddreg [dreg:$0x11]  }
0xb5: {  	[tilespmem:s9], [sflag:$0x3] =	stream.linear.gather [hbm4b:s0+s4], $0x7800, $0x38;
	[tilespmem:$0x159C0] =	vst v63  }
.Ltmp27:
0xb6: {  	_ = 	snop;
	(pc) =	sbr.rel .LBB2_31-.Ltmp27, $4  }
0xb7: {  	_ =	swait.ge [sflag:s10], $0x7800  }
0xb8: {  	[sflag:s10] =	ssyncset.done $0x0  }
0xb9: {  	s23 =	rddreg [dreg:$0x1c];
	[sflag:s10] =	ssyncadd.s32 $0xFFFF8800  }
0xba: {  	[spmem:s23] =	stream.linear.scatter [tilespmem:s9], [sflag:$0x3], $0x7800, $0x38;
	[tilespmem:$0x159C0] =	vst v63  }
.LBB2_24:
0xbb: {  	s0 =	rddreg [dreg:$0x13]  }
0xbc: {  	[tilespmem:s9], [sflag:$0x3] =	stream.linear.gather [hbm4b:s0+s4], $0x7800, $0x38;
	[tilespmem:$0x159C0] =	vst v63  }
.Ltmp28:
0xbd: {  	_ = 	snop;
	(pc) =	sbr.rel .LBB2_31-.Ltmp28, $4  }
0xbe: {  	_ =	swait.ge [sflag:s10], $0x7800  }
0xbf: {  	[sflag:s10] =	ssyncset.done $0x0  }
0xc0: {  	s23 =	rddreg [dreg:$0x1e];
	[sflag:s10] =	ssyncadd.s32 $0xFFFF8800  }
0xc1: {  	[spmem:s23] =	stream.linear.scatter [tilespmem:s9], [sflag:$0x3], $0x7800, $0x38;
	[tilespmem:$0x159C0] =	vst v63  }
.LBB2_26:
0xc2: {  	s0 =	rddreg [dreg:$0x10]  }
0xc3: {  	[tilespmem:s9], [sflag:$0x3] =	stream.linear.gather [hbm4b:s0+s4], $0x7800, $0x38;
	[tilespmem:$0x159C0] =	vst v63  }
0xc4: {  	_ =	swait.ge [sflag:s10], $0x7800  }
0xc5: {  	[sflag:s10] =	ssyncset.done $0x0  }
0xc6: {  	s23 =	rddreg [dreg:$0x1b];
	[sflag:s10] =	ssyncadd.s32 $0xFFFF8800  }
0xc7: {  	[spmem:s23] =	stream.linear.scatter [tilespmem:s9], [sflag:$0x3], $0x7800, $0x38;
	[tilespmem:$0x159C0] =	vst v63  }
.LBB2_31:
0xc8: {  	_ =	swait.ge [sflag:s10], $0x7800  }
0xc9: {  	[sflag:s10] =	ssyncset.done $0x0  }
0xca: {  	[sflag:s10] =	ssyncadd.s32 $0xFFFF8800  }
.LBB2_32:
0xcb: {  	s0 =	rddreg [dreg:$0x14];
	s11 =	simm.s32 $0x5DC0  }
0xcc: {  	[tilespmem:s11], [sflag:$0x3] =	stream.linear.gather [hbm4b:s0+s4], $0xA00, $0x38;
	[tilespmem:$0x159C0] =	vst v63  }
0xcd: {  	_ =	swait.ge [sflag:s10], $0xA00  }
0xce: {  	[sflag:s10] =	ssyncset.done $0x0  }
0xcf: {  	[sflag:s10] =	ssyncadd.s32 $0xFFFFF600  }
0xd0: {  	[bflag:$0x0] =	sbarrier.arrive $0xFFFF  }
0xd1: {  	v0 =	vld [tilespmem:$0x5DC0];
	_ =	sdelay $0x4  }
0xd2: {  	v0 =	vmul.u32 $0x3C00, v0;
	_ =	sdelay $0x1  }
0xd3: {  	v0 =	vshra.s32 v0, $0x2  }
0xd4: {  	v0 =	vadd.s32 s3, v0  }
0xd5: {  	(v2sf) =	vpush v0, $0x0;
	_ =	sdelay $0x1  }
0xd6: {  	(v2sf) =	vpush v0, $0x1;
	_ =	sdelay $0x1  }
0xd7: {  	(v2sf) =	vpush v0, $0x2;
	_ =	sdelay $0x1  }
0xd8: {  	(v2sf) =	vpush v0, $0x3;
	_ =	sdelay $0x1  }
0xd9: {  	(v2sf) =	vpush v0, $0x4;
	_ =	sdelay $0x1  }
0xda: {  	(v2sf) =	vpush v0, $0x5;
	_ =	sdelay $0x1  }
0xdb: {  	(v2sf) =	vpush v0, $0x6;
	_ =	sdelay $0x1  }
0xdc: {  	(v2sf) =	vpush v0, $0x7  }
0xdd: {  	s23 =	spop (v2sf)  }
0xde: {  	[tilespmem:s9], [sflag:$0x1] =	stream.linear.gather [spmem:s23], $0xF00, $0x38;
	[tilespmem:$0x159C0] =	vst v63  }
0xdf: {  	s11 =	spop (v2sf)  }
0xe0: {  	[tilespmem:s12], [sflag:$0x1] =	stream.linear.gather [spmem:s11], $0xF00, $0x38;
	[tilespmem:$0x159C0] =	vst v63  }
0xe1: {  	s21 =	spop (v2sf)  }
0xe2: {  	[tilespmem:s13], [sflag:$0x1] =	stream.linear.gather [spmem:s21], $0xF00, $0x38;
	[tilespmem:$0x159C0] =	vst v63  }
0xe3: {  	s22 =	spop (v2sf)  }
0xe4: {  	[tilespmem:s14], [sflag:$0x1] =	stream.linear.gather [spmem:s22], $0xF00, $0x38;
	[tilespmem:$0x159C0] =	vst v63  }
0xe5: {  	s23 =	spop (v2sf)  }
0xe6: {  	[tilespmem:s15], [sflag:$0x1] =	stream.linear.gather [spmem:s23], $0xF00, $0x38;
	[tilespmem:$0x159C0] =	vst v63  }
0xe7: {  	s11 =	spop (v2sf)  }
0xe8: {  	[tilespmem:s16], [sflag:$0x1] =	stream.linear.gather [spmem:s11], $0xF00, $0x38;
	[tilespmem:$0x159C0] =	vst v63  }
0xe9: {  	s21 =	spop (v2sf)  }
0xea: {  	[tilespmem:s17], [sflag:$0x1] =	stream.linear.gather [spmem:s21], $0xF00, $0x38;
	[tilespmem:$0x159C0] =	vst v63  }
0xeb: {  	s22 =	spop (v2sf)  }
0xec: {  	[tilespmem:s18], [sflag:$0x1] =	stream.linear.gather [spmem:s22], $0xF00, $0x38;
	[tilespmem:$0x159C0] =	vst v63  }
0xed: {  	_ =	swait.ge [sflag:s19], $0xF00  }
0xee: {  	[sflag:s19] =	ssyncset.done $0x0  }
0xef: {  	[sflag:s19] =	ssyncadd.s32 $0xFFFFF100  }
0xf0: {  	_ =	swait.ge [sflag:s19], $0xF00  }
0xf1: {  	[sflag:s19] =	ssyncset.done $0x0  }
0xf2: {  	[sflag:s19] =	ssyncadd.s32 $0xFFFFF100  }
0xf3: {  	_ =	swait.ge [sflag:s19], $0xF00  }
0xf4: {  	[sflag:s19] =	ssyncset.done $0x0  }
0xf5: {  	[sflag:s19] =	ssyncadd.s32 $0xFFFFF100  }
0xf6: {  	_ =	swait.ge [sflag:s19], $0xF00  }
0xf7: {  	[sflag:s19] =	ssyncset.done $0x0  }
0xf8: {  	[sflag:s19] =	ssyncadd.s32 $0xFFFFF100  }
0xf9: {  	_ =	swait.ge [sflag:s19], $0xF00  }
0xfa: {  	[sflag:s19] =	ssyncset.done $0x0  }
0xfb: {  	[sflag:s19] =	ssyncadd.s32 $0xFFFFF100  }
0xfc: {  	_ =	swait.ge [sflag:s19], $0xF00  }
0xfd: {  	[sflag:s19] =	ssyncset.done $0x0  }
0xfe: {  	[sflag:s19] =	ssyncadd.s32 $0xFFFFF100  }
0xff: {  	_ =	swait.ge [sflag:s19], $0xF00  }
0x100: {  	[sflag:s19] =	ssyncset.done $0x0  }
0x101: {  	[sflag:s19] =	ssyncadd.s32 $0xFFFFF100  }
0x102: {  	_ =	swait.ge [sflag:s19], $0xF00  }
0x103: {  	(v2sf) =	vpush v0, $0x8;
	_ =	sdelay $0x1  }
0x104: {  	(v2sf) =	vpush v0, $0x9;
	_ =	sdelay $0x1  }
0x105: {  	(v2sf) =	vpush v0, $0xA;
	_ =	sdelay $0x1  }
0x106: {  	(v2sf) =	vpush v0, $0xB;
	_ =	sdelay $0x1  }
0x107: {  	(v2sf) =	vpush v0, $0xC;
	_ =	sdelay $0x1  }
0x108: {  	(v2sf) =	vpush v0, $0xD;
	_ =	sdelay $0x1  }
0x109: {  	[sflag:s19] =	ssyncset.done $0x0;
	(v2sf) =	vpush v0, $0xE  }
0x10a: {  	[sflag:s19] =	ssyncadd.s32 $0xFFFFF100  }
0x10b: {  	[hbm4b:s8+s4] =	stream.linear.scatter [tilespmem:s9], [sflag:$0x2], $0x7800, $0x38;
	(v2sf) =	vpush v0, $0xF;
	[tilespmem:$0x159C0] =	vst v63  }
0x10c: {  	s23 =	spop (v2sf)  }
0x10d: {  	[tilespmem:s20], [sflag:$0x1] =	stream.linear.gather [spmem:s23], $0xF00, $0x38;
	[tilespmem:$0x159C0] =	vst v63  }
0x10e: {  	s11 =	spop (v2sf)  }
0x10f: {  	[tilespmem:s26], [sflag:$0x1] =	stream.linear.gather [spmem:s11], $0xF00, $0x38;
	[tilespmem:$0x159C0] =	vst v63  }
0x110: {  	s21 =	spop (v2sf)  }
0x111: {  	[tilespmem:s28], [sflag:$0x1] =	stream.linear.gather [spmem:s21], $0xF00, $0x38;
	[tilespmem:$0x159C0] =	vst v63  }
0x112: {  	s22 =	spop (v2sf)  }
0x113: {  	[tilespmem:s29], [sflag:$0x1] =	stream.linear.gather [spmem:s22], $0xF00, $0x38;
	[tilespmem:$0x159C0] =	vst v63  }
0x114: {  	s23 =	spop (v2sf)  }
0x115: {  	[tilespmem:s30], [sflag:$0x1] =	stream.linear.gather [spmem:s23], $0xF00, $0x38;
	[tilespmem:$0x159C0] =	vst v63  }
0x116: {  	s11 =	spop (v2sf)  }
0x117: {  	[tilespmem:s31], [sflag:$0x1] =	stream.linear.gather [spmem:s11], $0xF00, $0x38;
	[tilespmem:$0x159C0] =	vst v63  }
0x118: {  	s21 =	spop (v2sf)  }
0x119: {  	[tilespmem:s1], [sflag:$0x1] =	stream.linear.gather [spmem:s21], $0xF00, $0x38;
	[tilespmem:$0x159C0] =	vst v63  }
0x11a: {  	s22 =	spop (v2sf);
	s23 =	simm.s32 $0x80  }
0x11b: {  	[tilespmem:s5], [sflag:$0x1] =	stream.linear.gather [spmem:s22], $0xF00, $0x38;
	[tilespmem:$0x159C0] =	vst v63  }
0x11c: {  	v63 =	vld [tilespmem:s23+$0x5DC0];
	_ =	swait.ge [sflag:s6], $0x7800  }
0x11d: {  	[sflag:s6] =	ssyncset.done $0x0  }
0x11e: {  	[sflag:s6] =	ssyncadd.s32 $0xFFFF8800  }
0x11f: {  	_ =	swait.ge [sflag:s19], $0xF00  }
0x120: {  	[sflag:s19] =	ssyncset.done $0x0  }
0x121: {  	[sflag:s19] =	ssyncadd.s32 $0xFFFFF100  }
0x122: {  	_ =	swait.ge [sflag:s19], $0xF00  }
0x123: {  	[sflag:s19] =	ssyncset.done $0x0  }
0x124: {  	[sflag:s19] =	ssyncadd.s32 $0xFFFFF100  }
0x125: {  	_ =	swait.ge [sflag:s19], $0xF00  }
0x126: {  	v0 =	vmul.u32 $0x3C00, v63;
	[sflag:s19] =	ssyncset.done $0x0  }
0x127: {  	[sflag:s19] =	ssyncadd.s32 $0xFFFFF100  }
0x128: {  	v0 =	vshra.s32 v0, $0x2;
	_ =	swait.ge [sflag:s19], $0xF00  }
0x129: {  	v0 =	vadd.s32 s3, v0;
	[sflag:s19] =	ssyncset.done $0x0  }
0x12a: {  	(v2sf) =	vpush v0, $0x0;
	[sflag:s19] =	ssyncadd.s32 $0xFFFFF100  }
0x12b: {  	_ =	swait.ge [sflag:s19], $0xF00  }
0x12c: {  	(v2sf) =	vpush v0, $0x1;
	[sflag:s19] =	ssyncset.done $0x0  }
0x12d: {  	[sflag:s19] =	ssyncadd.s32 $0xFFFFF100;
	(v2sf) =	vpush v0, $0x2  }
0x12e: {  	_ =	swait.ge [sflag:s19], $0xF00  }
0x12f: {  	[sflag:s19] =	ssyncset.done $0x0  }
0x130: {  	(v2sf) =	vpush v0, $0x3;
	[sflag:s19] =	ssyncadd.s32 $0xFFFFF100  }
0x131: {  	_ =	swait.ge [sflag:s19], $0xF00  }
0x132: {  	(v2sf) =	vpush v0, $0x4  }
0x133: {  	[sflag:s19] =	ssyncset.done $0x0  }
0x134: {  	[sflag:s19] =	ssyncadd.s32 $0xFFFFF100;
	(v2sf) =	vpush v0, $0x5  }
0x135: {  	_ =	swait.ge [sflag:s19], $0xF00  }
0x136: {  	[sflag:s19] =	ssyncset.done $0x0;
	(v2sf) =	vpush v0, $0x6  }
0x137: {  	[sflag:s19] =	ssyncadd.s32 $0xFFFFF100  }
0x138: {  	(v2sf) =	vpush v0, $0x7;
	[hbm4b:s25+s4] =	stream.linear.scatter [tilespmem:s20], [sflag:$0x2], $0x7800, $0x38;
	[tilespmem:$0x159C0] =	vst v63  }
0x139: {  	s11 =	spop (v2sf)  }
0x13a: {  	[tilespmem:s9], [sflag:$0x1] =	stream.linear.gather [spmem:s11], $0xF00, $0x38;
	[tilespmem:$0x159C0] =	vst v63  }
0x13b: {  	s21 =	spop (v2sf)  }
0x13c: {  	[tilespmem:s12], [sflag:$0x1] =	stream.linear.gather [spmem:s21], $0xF00, $0x38;
	[tilespmem:$0x159C0] =	vst v63  }
0x13d: {  	s22 =	spop (v2sf)  }
0x13e: {  	[tilespmem:s13], [sflag:$0x1] =	stream.linear.gather [spmem:s22], $0xF00, $0x38;
	[tilespmem:$0x159C0] =	vst v63  }
0x13f: {  	s23 =	spop (v2sf)  }
0x140: {  	[tilespmem:s14], [sflag:$0x1] =	stream.linear.gather [spmem:s23], $0xF00, $0x38;
	[tilespmem:$0x159C0] =	vst v63  }
0x141: {  	s11 =	spop (v2sf)  }
0x142: {  	[tilespmem:s15], [sflag:$0x1] =	stream.linear.gather [spmem:s11], $0xF00, $0x38;
	[tilespmem:$0x159C0] =	vst v63  }
0x143: {  	s21 =	spop (v2sf)  }
0x144: {  	[tilespmem:s16], [sflag:$0x1] =	stream.linear.gather [spmem:s21], $0xF00, $0x38;
	[tilespmem:$0x159C0] =	vst v63  }
0x145: {  	s22 =	spop (v2sf)  }
0x146: {  	[tilespmem:s17], [sflag:$0x1] =	stream.linear.gather [spmem:s22], $0xF00, $0x38;
	[tilespmem:$0x159C0] =	vst v63  }
0x147: {  	s23 =	spop (v2sf)  }
0x148: {  	[tilespmem:s18], [sflag:$0x1] =	stream.linear.gather [spmem:s23], $0xF00, $0x38;
	[tilespmem:$0x159C0] =	vst v63  }
0x149: {  	_ =	swait.ge [sflag:s6], $0x7800  }
0x14a: {  	[sflag:s6] =	ssyncset.done $0x0  }
0x14b: {  	[sflag:s6] =	ssyncadd.s32 $0xFFFF8800  }
0x14c: {  	_ =	swait.ge [sflag:s19], $0xF00  }
0x14d: {  	[sflag:s19] =	ssyncset.done $0x0  }
0x14e: {  	[sflag:s19] =	ssyncadd.s32 $0xFFFFF100  }
0x14f: {  	_ =	swait.ge [sflag:s19], $0xF00  }
0x150: {  	[sflag:s19] =	ssyncset.done $0x0  }
0x151: {  	[sflag:s19] =	ssyncadd.s32 $0xFFFFF100  }
0x152: {  	_ =	swait.ge [sflag:s19], $0xF00  }
0x153: {  	[sflag:s19] =	ssyncset.done $0x0  }
0x154: {  	[sflag:s19] =	ssyncadd.s32 $0xFFFFF100  }
0x155: {  	_ =	swait.ge [sflag:s19], $0xF00  }
0x156: {  	[sflag:s19] =	ssyncset.done $0x0  }
0x157: {  	(v2sf) =	vpush v0, $0x8;
	[sflag:s19] =	ssyncadd.s32 $0xFFFFF100  }
0x158: {  	_ =	swait.ge [sflag:s19], $0xF00  }
0x159: {  	(v2sf) =	vpush v0, $0x9;
	[sflag:s19] =	ssyncset.done $0x0  }
0x15a: {  	[sflag:s19] =	ssyncadd.s32 $0xFFFFF100;
	(v2sf) =	vpush v0, $0xA  }
0x15b: {  	_ =	swait.ge [sflag:s19], $0xF00  }
0x15c: {  	[sflag:s19] =	ssyncset.done $0x0  }
0x15d: {  	(v2sf) =	vpush v0, $0xB;
	[sflag:s19] =	ssyncadd.s32 $0xFFFFF100  }
0x15e: {  	_ =	swait.ge [sflag:s19], $0xF00  }
0x15f: {  	(v2sf) =	vpush v0, $0xC  }
0x160: {  	[sflag:s19] =	ssyncset.done $0x0  }
0x161: {  	[sflag:s19] =	ssyncadd.s32 $0xFFFFF100;
	(v2sf) =	vpush v0, $0xD  }
0x162: {  	_ =	swait.ge [sflag:s19], $0xF00  }
0x163: {  	s11 =	sshrl.u32 s24, $0x3;
	[sflag:s19] =	ssyncset.done $0x0;
	(v2sf) =	vpush v0, $0xE  }
0x164: {  	s0 =	sadd.s32 s2, s11;
	[sflag:s19] =	ssyncadd.s32 $0xFFFFF100  }
0x165: {  	(v2sf) =	vpush v0, $0xF;
	[hbm4b:s0+s4] =	stream.linear.scatter [tilespmem:s9], [sflag:$0x2], $0x7800, $0x38;
	[tilespmem:$0x159C0] =	vst v63  }
0x166: {  	s21 =	spop (v2sf)  }
0x167: {  	[tilespmem:s20], [sflag:$0x1] =	stream.linear.gather [spmem:s21], $0xF00, $0x38;
	[tilespmem:$0x159C0] =	vst v63  }
0x168: {  	s22 =	spop (v2sf)  }
0x169: {  	[tilespmem:s26], [sflag:$0x1] =	stream.linear.gather [spmem:s22], $0xF00, $0x38;
	[tilespmem:$0x159C0] =	vst v63  }
0x16a: {  	s23 =	spop (v2sf)  }
0x16b: {  	[tilespmem:s28], [sflag:$0x1] =	stream.linear.gather [spmem:s23], $0xF00, $0x38;
	[tilespmem:$0x159C0] =	vst v63  }
0x16c: {  	s11 =	spop (v2sf)  }
0x16d: {  	[tilespmem:s29], [sflag:$0x1] =	stream.linear.gather [spmem:s11], $0xF00, $0x38;
	[tilespmem:$0x159C0] =	vst v63  }
0x16e: {  	s21 =	spop (v2sf)  }
0x16f: {  	[tilespmem:s30], [sflag:$0x1] =	stream.linear.gather [spmem:s21], $0xF00, $0x38;
	[tilespmem:$0x159C0] =	vst v63  }
0x170: {  	s22 =	spop (v2sf)  }
0x171: {  	[tilespmem:s31], [sflag:$0x1] =	stream.linear.gather [spmem:s22], $0xF00, $0x38;
	[tilespmem:$0x159C0] =	vst v63  }
0x172: {  	s0 =	sadd.s32 $0xF000, s24;
	s11 =	sadd.s32 $0x1E00, s25;
	s23 =	spop (v2sf)  }
0x173: {  	[tilespmem:s1], [sflag:$0x1] =	stream.linear.gather [spmem:s23], $0xF00, $0x38;
	[tilespmem:$0x159C0] =	vst v63  }
0x174: {  	s21 =	simm.s32 $0x100;
	s22 =	spop (v2sf);
	s23 =	simm.s32 $0x600  }
.LBB2_33:
0x175: {  	[tilespmem:s5], [sflag:$0x1] =	stream.linear.gather [spmem:s22], $0xF00, $0x38;
	[tilespmem:$0x159C0] =	vst v63  }
0x176: {  	p2 =	sne.s32 s23, $0x2600;
	v0 =	vld [tilespmem:s21+$0x5DC0];
	s21 =	sshra.s32 s23, $0x2;
	s23 =	sadd.s32 $0x200, s23  }
0x177: {  	_ =	swait.ge [sflag:s6], $0x7800  }
0x178: {  	[sflag:s6] =	ssyncset.done $0x0  }
0x179: {  	[sflag:s6] =	ssyncadd.s32 $0xFFFF8800  }
0x17a: {  	_ =	swait.ge [sflag:s19], $0xF00  }
0x17b: {  	[sflag:s19] =	ssyncset.done $0x0;
	v0 =	vmul.u32 $0x3C00, v0  }
0x17c: {  	[sflag:s19] =	ssyncadd.s32 $0xFFFFF100  }
0x17d: {  	_ =	swait.ge [sflag:s19], $0xF00;
	v0 =	vshra.s32 v0, $0x2  }
0x17e: {  	[sflag:s19] =	ssyncset.done $0x0;
	v0 =	vadd.s32 s3, v0  }
0x17f: {  	[sflag:s19] =	ssyncadd.s32 $0xFFFFF100  }
0x180: {  	_ =	swait.ge [sflag:s19], $0xF00  }
0x181: {  	[sflag:s19] =	ssyncset.done $0x0  }
0x182: {  	[sflag:s19] =	ssyncadd.s32 $0xFFFFF100  }
0x183: {  	_ =	swait.ge [sflag:s19], $0xF00  }
0x184: {  	[sflag:s19] =	ssyncset.done $0x0;
	(v2sf) =	vpush v0, $0x0  }
0x185: {  	[sflag:s19] =	ssyncadd.s32 $0xFFFFF100  }
0x186: {  	_ =	swait.ge [sflag:s19], $0xF00  }
0x187: {  	(v2sf) =	vpush v0, $0x1  }
0x188: {  	[sflag:s19] =	ssyncset.done $0x0  }
0x189: {  	[sflag:s19] =	ssyncadd.s32 $0xFFFFF100;
	(v2sf) =	vpush v0, $0x2  }
0x18a: {  	_ =	swait.ge [sflag:s19], $0xF00  }
0x18b: {  	[sflag:s19] =	ssyncset.done $0x0;
	(v2sf) =	vpush v0, $0x3  }
0x18c: {  	[sflag:s19] =	ssyncadd.s32 $0xFFFFF100  }
0x18d: {  	_ =	swait.ge [sflag:s19], $0xF00  }
0x18e: {  	(v2sf) =	vpush v0, $0x4  }
0x18f: {  	[sflag:s19] =	ssyncset.done $0x0  }
0x190: {  	[sflag:s19] =	ssyncadd.s32 $0xFFFFF100;
	(v2sf) =	vpush v0, $0x5  }
0x191: {  	_ =	swait.ge [sflag:s19], $0xF00  }
0x192: {  	[sflag:s19] =	ssyncset.done $0x0;
	(v2sf) =	vpush v0, $0x6  }
0x193: {  	[sflag:s19] =	ssyncadd.s32 $0xFFFFF100  }
0x194: {  	[hbm4b:s11+s4] =	stream.linear.scatter [tilespmem:s20], [sflag:$0x2], $0x7800, $0x38;
	(v2sf) =	vpush v0, $0x7;
	[tilespmem:$0x159C0] =	vst v63  }
0x195: {  	s22 =	spop (v2sf)  }
0x196: {  	[tilespmem:s9], [sflag:$0x1] =	stream.linear.gather [spmem:s22], $0xF00, $0x38;
	[tilespmem:$0x159C0] =	vst v63  }
0x197: {  	s22 =	spop (v2sf)  }
0x198: {  	[tilespmem:s12], [sflag:$0x1] =	stream.linear.gather [spmem:s22], $0xF00, $0x38;
	[tilespmem:$0x159C0] =	vst v63  }
0x199: {  	s22 =	spop (v2sf)  }
0x19a: {  	[tilespmem:s13], [sflag:$0x1] =	stream.linear.gather [spmem:s22], $0xF00, $0x38;
	[tilespmem:$0x159C0] =	vst v63  }
0x19b: {  	s22 =	spop (v2sf)  }
0x19c: {  	[tilespmem:s14], [sflag:$0x1] =	stream.linear.gather [spmem:s22], $0xF00, $0x38;
	[tilespmem:$0x159C0] =	vst v63  }
0x19d: {  	s22 =	spop (v2sf)  }
0x19e: {  	[tilespmem:s15], [sflag:$0x1] =	stream.linear.gather [spmem:s22], $0xF00, $0x38;
	[tilespmem:$0x159C0] =	vst v63  }
0x19f: {  	s22 =	spop (v2sf)  }
0x1a0: {  	[tilespmem:s16], [sflag:$0x1] =	stream.linear.gather [spmem:s22], $0xF00, $0x38;
	[tilespmem:$0x159C0] =	vst v63  }
0x1a1: {  	s22 =	spop (v2sf)  }
0x1a2: {  	[tilespmem:s17], [sflag:$0x1] =	stream.linear.gather [spmem:s22], $0xF00, $0x38;
	[tilespmem:$0x159C0] =	vst v63  }
0x1a3: {  	s22 =	spop (v2sf)  }
0x1a4: {  	[tilespmem:s18], [sflag:$0x1] =	stream.linear.gather [spmem:s22], $0xF00, $0x38;
	[tilespmem:$0x159C0] =	vst v63  }
0x1a5: {  	_ =	swait.ge [sflag:s6], $0x7800  }
0x1a6: {  	[sflag:s6] =	ssyncset.done $0x0  }
0x1a7: {  	[sflag:s6] =	ssyncadd.s32 $0xFFFF8800  }
0x1a8: {  	_ =	swait.ge [sflag:s19], $0xF00  }
0x1a9: {  	[sflag:s19] =	ssyncset.done $0x0  }
0x1aa: {  	[sflag:s19] =	ssyncadd.s32 $0xFFFFF100  }
0x1ab: {  	_ =	swait.ge [sflag:s19], $0xF00  }
0x1ac: {  	[sflag:s19] =	ssyncset.done $0x0  }
0x1ad: {  	[sflag:s19] =	ssyncadd.s32 $0xFFFFF100  }
0x1ae: {  	_ =	swait.ge [sflag:s19], $0xF00  }
0x1af: {  	[sflag:s19] =	ssyncset.done $0x0  }
0x1b0: {  	[sflag:s19] =	ssyncadd.s32 $0xFFFFF100  }
0x1b1: {  	_ =	swait.ge [sflag:s19], $0xF00  }
0x1b2: {  	[sflag:s19] =	ssyncset.done $0x0;
	(v2sf) =	vpush v0, $0x8  }
0x1b3: {  	[sflag:s19] =	ssyncadd.s32 $0xFFFFF100  }
0x1b4: {  	_ =	swait.ge [sflag:s19], $0xF00  }
0x1b5: {  	(v2sf) =	vpush v0, $0x9  }
0x1b6: {  	[sflag:s19] =	ssyncset.done $0x0  }
0x1b7: {  	[sflag:s19] =	ssyncadd.s32 $0xFFFFF100;
	(v2sf) =	vpush v0, $0xA  }
0x1b8: {  	_ =	swait.ge [sflag:s19], $0xF00  }
0x1b9: {  	[sflag:s19] =	ssyncset.done $0x0;
	(v2sf) =	vpush v0, $0xB  }
0x1ba: {  	[sflag:s19] =	ssyncadd.s32 $0xFFFFF100  }
0x1bb: {  	_ =	swait.ge [sflag:s19], $0xF00  }
0x1bc: {  	(v2sf) =	vpush v0, $0xC  }
0x1bd: {  	[sflag:s19] =	ssyncset.done $0x0  }
0x1be: {  	[sflag:s19] =	ssyncadd.s32 $0xFFFFF100;
	(v2sf) =	vpush v0, $0xD  }
0x1bf: {  	_ =	swait.ge [sflag:s19], $0xF00  }
0x1c0: {  	s22 =	sshrl.u32 s0, $0x3;
	[sflag:s19] =	ssyncset.done $0x0;
	(v2sf) =	vpush v0, $0xE  }
0x1c1: {  	s22 =	sadd.s32 s2, s22;
	[sflag:s19] =	ssyncadd.s32 $0xFFFFF100  }
0x1c2: {  	[hbm4b:s22+s4] =	stream.linear.scatter [tilespmem:s9], [sflag:$0x2], $0x7800, $0x38;
	(v2sf) =	vpush v0, $0xF;
	[tilespmem:$0x159C0] =	vst v63  }
0x1c3: {  	s22 =	spop (v2sf)  }
0x1c4: {  	[tilespmem:s20], [sflag:$0x1] =	stream.linear.gather [spmem:s22], $0xF00, $0x38;
	[tilespmem:$0x159C0] =	vst v63  }
0x1c5: {  	s22 =	spop (v2sf)  }
0x1c6: {  	[tilespmem:s26], [sflag:$0x1] =	stream.linear.gather [spmem:s22], $0xF00, $0x38;
	[tilespmem:$0x159C0] =	vst v63  }
0x1c7: {  	s22 =	spop (v2sf)  }
0x1c8: {  	[tilespmem:s28], [sflag:$0x1] =	stream.linear.gather [spmem:s22], $0xF00, $0x38;
	[tilespmem:$0x159C0] =	vst v63  }
0x1c9: {  	s22 =	spop (v2sf)  }
0x1ca: {  	[tilespmem:s29], [sflag:$0x1] =	stream.linear.gather [spmem:s22], $0xF00, $0x38;
	[tilespmem:$0x159C0] =	vst v63  }
0x1cb: {  	s22 =	spop (v2sf)  }
0x1cc: {  	[tilespmem:s30], [sflag:$0x1] =	stream.linear.gather [spmem:s22], $0xF00, $0x38;
	[tilespmem:$0x159C0] =	vst v63  }
.Ltmp29:
0x1cd: {  	s22 =	spop (v2sf);
	(pc) =	sbr.rel @p2 .LBB2_33-.Ltmp29, $4  }
0x1ce: {  	[tilespmem:s31], [sflag:$0x1] =	stream.linear.gather [spmem:s22], $0xF00, $0x38;
	[tilespmem:$0x159C0] =	vst v63  }
0x1cf: {  	s22 =	spop (v2sf)  }
0x1d0: {  	[tilespmem:s1], [sflag:$0x1] =	stream.linear.gather [spmem:s22], $0xF00, $0x38;
	[tilespmem:$0x159C0] =	vst v63  }
0x1d1: {  	s11 =	sadd.s32 $0x1E00, s11;
	s0 =	sadd.s32 $0xF000, s0;
	s22 =	spop (v2sf)  }
0x1d2: {  	[tilespmem:s5], [sflag:$0x1] =	stream.linear.gather [spmem:s22], $0xF00, $0x38;
	[tilespmem:$0x159C0] =	vst v63  }
0x1d3: {  	v0 =	vld [tilespmem:s21+$0x5DC0];
	_ =	swait.ge [sflag:s6], $0x7800  }
0x1d4: {  	[sflag:s6] =	ssyncset.done $0x0  }
0x1d5: {  	[sflag:s6] =	ssyncadd.s32 $0xFFFF8800  }
0x1d6: {  	_ =	swait.ge [sflag:s19], $0xF00  }
0x1d7: {  	[sflag:s19] =	ssyncset.done $0x0  }
0x1d8: {  	[sflag:s19] =	ssyncadd.s32 $0xFFFFF100  }
0x1d9: {  	_ =	swait.ge [sflag:s19], $0xF00  }
0x1da: {  	[sflag:s19] =	ssyncset.done $0x0  }
0x1db: {  	[sflag:s19] =	ssyncadd.s32 $0xFFFFF100  }
0x1dc: {  	_ =	swait.ge [sflag:s19], $0xF00  }
0x1dd: {  	v0 =	vmul.u32 $0x3C00, v0;
	[sflag:s19] =	ssyncset.done $0x0  }
0x1de: {  	[sflag:s19] =	ssyncadd.s32 $0xFFFFF100  }
0x1df: {  	v0 =	vshra.s32 v0, $0x2;
	_ =	swait.ge [sflag:s19], $0xF00  }
0x1e0: {  	v0 =	vadd.s32 s3, v0;
	[sflag:s19] =	ssyncset.done $0x0  }
0x1e1: {  	(v2sf) =	vpush v0, $0x0;
	[sflag:s19] =	ssyncadd.s32 $0xFFFFF100  }
0x1e2: {  	_ =	swait.ge [sflag:s19], $0xF00  }
0x1e3: {  	(v2sf) =	vpush v0, $0x1;
	[sflag:s19] =	ssyncset.done $0x0  }
0x1e4: {  	[sflag:s19] =	ssyncadd.s32 $0xFFFFF100;
	(v2sf) =	vpush v0, $0x2  }
0x1e5: {  	_ =	swait.ge [sflag:s19], $0xF00  }
0x1e6: {  	[sflag:s19] =	ssyncset.done $0x0  }
0x1e7: {  	(v2sf) =	vpush v0, $0x3;
	[sflag:s19] =	ssyncadd.s32 $0xFFFFF100  }
0x1e8: {  	_ =	swait.ge [sflag:s19], $0xF00  }
0x1e9: {  	(v2sf) =	vpush v0, $0x4  }
0x1ea: {  	[sflag:s19] =	ssyncset.done $0x0  }
0x1eb: {  	[sflag:s19] =	ssyncadd.s32 $0xFFFFF100;
	(v2sf) =	vpush v0, $0x5  }
0x1ec: {  	_ =	swait.ge [sflag:s19], $0xF00  }
0x1ed: {  	[sflag:s19] =	ssyncset.done $0x0;
	(v2sf) =	vpush v0, $0x6  }
0x1ee: {  	[sflag:s19] =	ssyncadd.s32 $0xFFFFF100  }
0x1ef: {  	(v2sf) =	vpush v0, $0x7;
	[hbm4b:s11+s4] =	stream.linear.scatter [tilespmem:s20], [sflag:$0x2], $0x7800, $0x38;
	[tilespmem:$0x159C0] =	vst v63  }
0x1f0: {  	s23 =	spop (v2sf)  }
0x1f1: {  	[tilespmem:s9], [sflag:$0x1] =	stream.linear.gather [spmem:s23], $0xF00, $0x38;
	[tilespmem:$0x159C0] =	vst v63  }
0x1f2: {  	s21 =	spop (v2sf)  }
0x1f3: {  	[tilespmem:s12], [sflag:$0x1] =	stream.linear.gather [spmem:s21], $0xF00, $0x38;
	[tilespmem:$0x159C0] =	vst v63  }
0x1f4: {  	s22 =	spop (v2sf)  }
0x1f5: {  	[tilespmem:s13], [sflag:$0x1] =	stream.linear.gather [spmem:s22], $0xF00, $0x38;
	[tilespmem:$0x159C0] =	vst v63  }
0x1f6: {  	s23 =	spop (v2sf)  }
0x1f7: {  	[tilespmem:s14], [sflag:$0x1] =	stream.linear.gather [spmem:s23], $0xF00, $0x38;
	[tilespmem:$0x159C0] =	vst v63  }
0x1f8: {  	s21 =	spop (v2sf)  }
0x1f9: {  	[tilespmem:s15], [sflag:$0x1] =	stream.linear.gather [spmem:s21], $0xF00, $0x38;
	[tilespmem:$0x159C0] =	vst v63  }
0x1fa: {  	s22 =	spop (v2sf)  }
0x1fb: {  	[tilespmem:s16], [sflag:$0x1] =	stream.linear.gather [spmem:s22], $0xF00, $0x38;
	[tilespmem:$0x159C0] =	vst v63  }
0x1fc: {  	s23 =	spop (v2sf)  }
0x1fd: {  	[tilespmem:s17], [sflag:$0x1] =	stream.linear.gather [spmem:s23], $0xF00, $0x38;
	[tilespmem:$0x159C0] =	vst v63  }
0x1fe: {  	s21 =	spop (v2sf)  }
0x1ff: {  	[tilespmem:s18], [sflag:$0x1] =	stream.linear.gather [spmem:s21], $0xF00, $0x38;
	[tilespmem:$0x159C0] =	vst v63  }
0x200: {  	_ =	swait.ge [sflag:s6], $0x7800  }
0x201: {  	[sflag:s6] =	ssyncset.done $0x0  }
0x202: {  	[sflag:s6] =	ssyncadd.s32 $0xFFFF8800  }
0x203: {  	_ =	swait.ge [sflag:s19], $0xF00  }
0x204: {  	[sflag:s19] =	ssyncset.done $0x0  }
0x205: {  	[sflag:s19] =	ssyncadd.s32 $0xFFFFF100  }
0x206: {  	_ =	swait.ge [sflag:s19], $0xF00  }
0x207: {  	[sflag:s19] =	ssyncset.done $0x0  }
0x208: {  	[sflag:s19] =	ssyncadd.s32 $0xFFFFF100  }
0x209: {  	_ =	swait.ge [sflag:s19], $0xF00  }
0x20a: {  	[sflag:s19] =	ssyncset.done $0x0  }
0x20b: {  	[sflag:s19] =	ssyncadd.s32 $0xFFFFF100  }
0x20c: {  	_ =	swait.ge [sflag:s19], $0xF00  }
0x20d: {  	[sflag:s19] =	ssyncset.done $0x0  }
0x20e: {  	(v2sf) =	vpush v0, $0x8;
	[sflag:s19] =	ssyncadd.s32 $0xFFFFF100  }
0x20f: {  	_ =	swait.ge [sflag:s19], $0xF00  }
0x210: {  	(v2sf) =	vpush v0, $0x9;
	[sflag:s19] =	ssyncset.done $0x0  }
0x211: {  	[sflag:s19] =	ssyncadd.s32 $0xFFFFF100;
	(v2sf) =	vpush v0, $0xA  }
0x212: {  	_ =	swait.ge [sflag:s19], $0xF00  }
0x213: {  	[sflag:s19] =	ssyncset.done $0x0  }
0x214: {  	(v2sf) =	vpush v0, $0xB;
	[sflag:s19] =	ssyncadd.s32 $0xFFFFF100  }
0x215: {  	_ =	swait.ge [sflag:s19], $0xF00  }
0x216: {  	(v2sf) =	vpush v0, $0xC  }
0x217: {  	[sflag:s19] =	ssyncset.done $0x0  }
0x218: {  	[sflag:s19] =	ssyncadd.s32 $0xFFFFF100;
	(v2sf) =	vpush v0, $0xD  }
0x219: {  	_ =	swait.ge [sflag:s19], $0xF00  }
0x21a: {  	s0 =	sshrl.u32 s0, $0x3;
	[sflag:s19] =	ssyncset.done $0x0;
	(v2sf) =	vpush v0, $0xE  }
0x21b: {  	s0 =	sadd.s32 s2, s0;
	[sflag:s19] =	ssyncadd.s32 $0xFFFFF100  }
0x21c: {  	(v2sf) =	vpush v0, $0xF;
	[hbm4b:s0+s4] =	stream.linear.scatter [tilespmem:s9], [sflag:$0x2], $0x7800, $0x38;
	[tilespmem:$0x159C0] =	vst v63  }
0x21d: {  	s22 =	spop (v2sf)  }
0x21e: {  	[tilespmem:s20], [sflag:$0x1] =	stream.linear.gather [spmem:s22], $0xF00, $0x38;
	[tilespmem:$0x159C0] =	vst v63  }
0x21f: {  	s23 =	spop (v2sf)  }
0x220: {  	[tilespmem:s26], [sflag:$0x1] =	stream.linear.gather [spmem:s23], $0xF00, $0x38;
	[tilespmem:$0x159C0] =	vst v63  }
0x221: {  	s11 =	spop (v2sf)  }
0x222: {  	[tilespmem:s28], [sflag:$0x1] =	stream.linear.gather [spmem:s11], $0xF00, $0x38;
	[tilespmem:$0x159C0] =	vst v63  }
0x223: {  	s21 =	spop (v2sf)  }
0x224: {  	[tilespmem:s29], [sflag:$0x1] =	stream.linear.gather [spmem:s21], $0xF00, $0x38;
	[tilespmem:$0x159C0] =	vst v63  }
0x225: {  	s22 =	spop (v2sf)  }
0x226: {  	[tilespmem:s30], [sflag:$0x1] =	stream.linear.gather [spmem:s22], $0xF00, $0x38;
	[tilespmem:$0x159C0] =	vst v63  }
0x227: {  	s23 =	spop (v2sf)  }
0x228: {  	[tilespmem:s31], [sflag:$0x1] =	stream.linear.gather [spmem:s23], $0xF00, $0x38;
	[tilespmem:$0x159C0] =	vst v63  }
0x229: {  	s11 =	spop (v2sf)  }
0x22a: {  	[tilespmem:s1], [sflag:$0x1] =	stream.linear.gather [spmem:s11], $0xF00, $0x38;
	[tilespmem:$0x159C0] =	vst v63  }
0x22b: {  	s21 =	spop (v2sf)  }
0x22c: {  	[tilespmem:s5], [sflag:$0x1] =	stream.linear.gather [spmem:s21], $0xF00, $0x38;
	[tilespmem:$0x159C0] =	vst v63  }
0x22d: {  	_ =	swait.ge [sflag:s6], $0x7800  }
0x22e: {  	[sflag:s6] =	ssyncset.done $0x0  }
0x22f: {  	[sflag:s6] =	ssyncadd.s32 $0xFFFF8800  }
0x230: {  	_ =	swait.ge [sflag:s19], $0xF00  }
0x231: {  	[sflag:s19] =	ssyncset.done $0x0  }
0x232: {  	[sflag:s19] =	ssyncadd.s32 $0xFFFFF100  }
0x233: {  	_ =	swait.ge [sflag:s19], $0xF00  }
0x234: {  	[sflag:s19] =	ssyncset.done $0x0  }
0x235: {  	[sflag:s19] =	ssyncadd.s32 $0xFFFFF100  }
0x236: {  	_ =	swait.ge [sflag:s19], $0xF00  }
0x237: {  	[sflag:s19] =	ssyncset.done $0x0  }
0x238: {  	[sflag:s19] =	ssyncadd.s32 $0xFFFFF100  }
0x239: {  	_ =	swait.ge [sflag:s19], $0xF00  }
0x23a: {  	[sflag:s19] =	ssyncset.done $0x0  }
0x23b: {  	[sflag:s19] =	ssyncadd.s32 $0xFFFFF100  }
0x23c: {  	_ =	swait.ge [sflag:s19], $0xF00  }
0x23d: {  	[sflag:s19] =	ssyncset.done $0x0  }
0x23e: {  	[sflag:s19] =	ssyncadd.s32 $0xFFFFF100  }
0x23f: {  	_ =	swait.ge [sflag:s19], $0xF00  }
0x240: {  	[sflag:s19] =	ssyncset.done $0x0  }
0x241: {  	[sflag:s19] =	ssyncadd.s32 $0xFFFFF100  }
0x242: {  	_ =	swait.ge [sflag:s19], $0xF00  }
0x243: {  	[sflag:s19] =	ssyncset.done $0x0  }
0x244: {  	[sflag:s19] =	ssyncadd.s32 $0xFFFFF100  }
0x245: {  	_ =	swait.ge [sflag:s19], $0xF00  }
0x246: {  	[sflag:s19] =	ssyncset.done $0x0  }
0x247: {  	s22 =	rddreg [dreg:$0x1f];
	[sflag:s19] =	ssyncadd.s32 $0xFFFFF100  }
0x248: {  	[hbm4b:s22+s4] =	stream.linear.scatter [tilespmem:s20], [sflag:$0x2], $0x7800, $0x38;
	[tilespmem:$0x159C0] =	vst v63  }
0x249: {  	_ =	swait.ge [sflag:s6], $0x7800  }
0x24a: {  	s7 =	sadd.s32 $0x1, s7;
	s23 =	rddreg [dreg:$0x15]  }
0x24b: {  	p2 =	sne.s32 s7, s23  }
.Ltmp30:
0x24c: {  	_ = 	snop;
	(pc) =	sbr.rel @p2 .LBB2_1-.Ltmp30, $3  }
0x24d: {  	_ =	sdelay $0x1  }
0x24e: {  	[sflag:s6] =	ssyncset.done $0x0  }
0x24f: {  	[sflag:s6] =	ssyncadd.s32 $0xFFFF8800  }
0x250: {  	_ =	sfence.sel $0x180000  }
0x251: {  	[bflag:$0x0] =	sbarrier.arrive $0xFFFF  }
0x252: {  	_ =	strace $0x90000047  }
0x253: {  	s0 =	stileid.u32;
	[bflag:$0x2] =	sbarrier.arrive $0xFFFF  }
0x254: {  	p0 =	sne.s32 s0, $0x0;
	s0 =	rddreg [dreg:$0x3]  }
0x255: {  	s0 =	sadd.s32 @!p0 $0x100000, s0  }
0x256: {  	[sflag:s0] =	ssyncadd.tile.s32 @!p0 $0x1;
	_ =	shalt  }
.Lfunc_end2:
_tile_overlayer_lowered:
.L_overlay_start_2:
0x257: {  	(tag) =	ssettag $0x2  }
0x258: {  	s0 =	rddreg [dreg:$0x0];
	s2 =	stileid.u32  }
0x259: {  	s1 =	rddreg [dreg:$0x1];
	p0 =	sne.s32 s2, $0x0  }
0x25a: {  	s3 =	rddreg [dreg:$0x2];
	[bflag:$0x3] =	sbarrier.arrive $0xFFFF;
	s2 =	simm.s32 @!p0 $0x1C03  }
0x25b: {  	[timem:s3], [sflag:s2] =	dma.local @!p0 [hbm:s0], s1  }
0x25c: {  	s0 =	simm.s32 @!p0 $0x3  }
0x25d: {  	_ =	swait.ge @!p0 [sflag:s0], s1  }
0x25e: {  	s1 =	ssub.s32 @!p0 $0x0, s1;
	[sflag:s0] =	ssyncset.done @!p0 $0x0  }
0x25f: {  	[sflag:s0] =	ssyncadd.s32 @!p0 s1  }
0x260: {  	[bflag:$0x3] =	sbarrier.arrive $0xFFFF  }
0x261: {  	_ =	shalt  }

// kernel: sparse-core-data-format-call.cloned.1.call-start
scs
called_computation_lowered:
.L_overlay_start_0:
0x0: {  	s2 =	sld [smem:$0x3FD9]  }
0x1: {  	s3 =	sld [smem:$0x3FFE];
	_ =	sdelay $0x1  }
0x2: {  	s1 =	srdreg.scid  }
0x3: {  	s0 =	sand.u32 $0x1, s1  }
0x4: {  	s15 =	sshll.u32 s0, $0xA;
	s2 =	sadd.s32 s3, s2  }
0x5: {  	s2 =	sadd.s32 s2, s15  }
0x6: {  	[smem:$0x3FC5] =	sst s2  }
0x7: {  	_ = 	snop  }
0x8: {  	s2 =	sld [smem:$0x3FD0];
	_ =	sdelay $0x2  }
0x9: {  	s16 =	simm.s32 $0xA;
	s4 =	simm.s32 $0x10  }
0xa: {  	[smem:s4], [sflag:s16] =	dma.local [hbm:s2], $0x1  }
0xb: {  	_ =	swait.eq [sflag:s16], $0x1  }
0xc: {  	[sflag:s16] =	ssyncset.done $0x0  }
0xd: {  	[sflag:s16] =	ssyncadd.s32 $0xFFFFFFFF  }
0xe: {  	s17 =	sld [smem:$0x11];
	(tm) =	ssettm $0x1  }
0xf: {  	s18 =	sld [smem:$0x3FFB];
	_ =	sdelay $0x3  }
0x10: {  	_ =	strace s18  }
0x11: {  	s3 =	sld [smem:$0x3FFC];
	_ =	sdelay $0x3  }
0x12: {  	_ =	strace s3  }
0x13: {  	s3 =	sld [smem:$0x3FFD];
	_ =	sdelay $0x3  }
0x14: {  	_ =	strace s3  }
0x15: {  	_ =	strace $0x8FFFFFFF  }
0x16: {  	s19 =	sld [smem:$0x3FDB];
	_ =	sdelay $0x1  }
0x17: {  	s20 =	simm.s32 $_scs_section_size  }
0x18: {  	s5 =	simm.s32 $_size__tile_overlayer_lowered;
	s6 =	simm.s32 $_tile_overlayer_lowered  }
0x19: {  	s23 =	simm.s32 $0x1BFF;
	s22 =	sshll.u32 s6, $0x1;
	s3 =	sadd.s32 s20, s19  }
0x1a: {  	s7 =	simm.s32 $0x0;
	s21 =	sshll.u32 s5, $0x1;
	s5 =	sadd.s32 s22, s3  }
0x1b: {  	[timem:s7], [sflag:s23] =	dma.local [hbm:s5], s21  }
0x1c: {  	_ =	swait.ge [sflag:s23], s21  }
0x1d: {  	s4 =	ssub.s32 $0x0, s21;
	[sflag:s23] =	ssyncset.done $0x0  }
0x1e: {  	[sflag:s23] =	ssyncadd.s32 s4;
	_ =	sdelay $0x1  }
0x1f: {  	s24 =	simm.s32 $0x1B8B  }
0x20: {  	_ =	swait.ge [sflag:s24], $0x1  }
0x21: {  	[sflag:s24] =	ssyncset.done $0x0  }
0x22: {  	s26 =	simm.s32 $0x1B8E;
	s25 =	sld [smem:$0x3FFE];
	[sflag:s24] =	ssyncadd.s32 $0xFFFFFFFF  }
0x23: {  	s27 =	simm.s32 $execute0_lowered;
	[smem:$0x3FD2] =	sst s26  }
0x24: {  	s5 =	sshll.u32 s27, $0x1;
	_ =	strace $0x80000049;
	[dreg:$0x1] =	wrdreg $0xFFFFFFFF  }
0x25: {  	s28 =	simm.s32 $_size_execute0_lowered;
	s3 =	sadd.s32 s3, s5;
	[dreg:$0x0] =	wrdreg $0x0  }
0x26: {  	s5 =	sshll.u32 s28, $0x1;
	[dreg:$0x2] =	wrdreg s3  }
0x27: {  	[dreg:$0x3] =	wrdreg s5  }
0x28: {  	[dreg:$0x4] =	wrdreg $0xC0  }
0x29: {  	_ =	task [dreg:s7], $0x5FFFF  }
0x2a: {  	[dreg:$0x1] =	wrdreg $0xFFFFFFFF  }
0x2b: {  	[dreg:$0x0] =	wrdreg $0x60  }
0x2c: {  	[dreg:$0x2] =	wrdreg s25  }
0x2d: {  	[dreg:$0x3] =	wrdreg s17  }
0x2e: {  	[dreg:$0x4] =	wrdreg $0x9  }
0x2f: {  	_ =	task.clear_ibuf [dreg:s7], $0x5FFFF;
	_ =	strace $0x90000049  }
0x30: {  	s29 =	simm.s32 $0x9;
	_ =	strace $0x8000004B  }
0x31: {  	_ =	swait.ge [sflag:s29], $0x1  }
0x32: {  	[sflag:s29] =	ssyncadd.s32 $0xFFFFFFFF  }
0x33: {  	_ =	strace $0x9000004B  }
0x34: {  	_ =	sfence  }
0x35: {  	s30 =	sld [smem:$0x0];
	_ =	sdelay $0x2  }
0x36: {  	s31 =	sshll.u32 s1, $0xD;
	s1 =	sshrl.u32 s1, $0x2  }
0x37: {  	s3 =	sand.u32 $0x4000, s31;
	s1 =	sadd.s32 s1, s30  }
0x38: {  	s0 =	sor.u32 s3, s0;
	s1 =	sshll.u32 s1, $0x11  }
0x39: {  	s0 =	sor.u32 s1, s0  }
0x3a: {  	s0 =	sadd.s32 $0x8F2B, s0  }
0x3b: {  	[sflag:s0] =	ssyncadd.remote.s32 $0x1  }
0x3c: {  	_ =	sfence.sel $0xFFFF  }
0x3d: {  	[dreg:$0x0] =	wrdreg $0xFFFFFFFF;
	(pc) =	sbr.abs _section_cstart, $3  }
0x3e: {  	[dreg:$0x1] =	wrdreg $0xFFFFFFFF  }
0x3f: {  	_ =	task.clear_ibuf [dreg:s7], $0x2FFFF;
	_ =	strace $0x9FFFFFFF  }
0x40: {  	(tm) =	ssettm $0x7FFFFFFF  }
0x41: {  	_ =	shalt  }
tec
execute0_lowered:
.L_overlay_start_1:
0x0: {  	(tag) =	ssettag $0x1  }
0x1: {  	s0 =	stileid.u32  }
0x2: {  	s1 =	srdreg.scid;
	s7 =	rddreg [dreg:$0x0];
	s8 =	simm.s32 $0x2  }
0x3: {  	s2 =	sshll.u32 s0, $0x7;
	s3 =	sshll.u32 s0, $0x4;
	s4 =	sshll.u32 s1, $0x8  }
0x4: {  	s18 =	simm.s32 $0x0;
	s1 =	sand.u32 $0x380, s2;
	s29 =	sor.u32 s3, s4  }
0x5: {  	s9 =	simm.s32 $0x1800;
	s2 =	sand.u32 $0x180, s29;
	s30 =	ssub.s32 $0x400, s1  }
0x6: {  	s10 =	simm.s32 $0x0;
	s31 =	sand.u32 $0x380, s30;
	s5 =	ssub.s32 $0x300, s2  }
0x7: {  	s4 =	simm.s32 $0x1;
	p0 =	sne.s32 s31, $0x0;
	s6 =	sand.u32 $0x180, s5  }
0x8: {  	s4 =	simm.s32 @!p0 $0x0;
	p0 =	sne.s32 s6, $0x0;
	s6 =	simm.s32 $0x1  }
0x9: {  	s3 =	sshrl.u32 s30, $0xA;
	s5 =	sshrl.u32 s5, $0x9;
	s6 =	simm.s32 @!p0 $0x0  }
0xa: {  	s16 =	simm.s32 $0x0;
	s3 =	sadd.s32 s4, s3;
	s5 =	sadd.s32 s6, s5  }
0xb: {  	s17 =	simm.s32 $0x0;
	s19 =	simm.s32 $0x0;
	s6 =	smul.u32 s5, s3  }
.Ltmp0:
0xc: {  	s12 =	simm.s32 $0x0;
	s4 =	rddreg [dreg:$0x1];
	(pc) =	sbr.rel .LBB1_1-.Ltmp0, $4  }
0xd: {  	s13 =	simm.s32 $0x0;
	s15 =	simm.s32 $0x0;
	s3 =	rddreg [dreg:$0x2]  }
0xe: {  	_ =	strace $0x8000004A;
	s5 =	simm.s32 $0x1;
	s6 =	smul.u32 $0x32, s6  }
0xf: {  	s7 =	sadd.s32 $0x4800, s7;
	s14 =	smov.u32 s1;
	[sflag:s5] =	ssyncpa.u1 $0x0  }
0x10: {  	s11 =	smov.u32 s2;
	[sflag:s8] =	ssyncpa.u1 $0x0;
	s8 =	sor.u32 $0x1, s6  }
.LBB1_4:
0x11: {  	_ =	sdelay $0x2  }
0x12: {  	s23 =	sshrl.u32 s19, $0x3  }
0x13: {  	s24 =	sshll.u32 s18, $0x3;
	[tilespmem:v0+s22+$0xFFFFFFD0 ss:$0x1] =	vst.idx.msk $0xffff, v7;
	s23 =	smul.u32 $0x1800, s23  }
0x14: {  	s27 =	sshll.u32 s19, $0x7;
	v56 =	vld.idx.msk [tilespmem:v1+s21+$0x0 ss:$0x1], $0xffff;
	[tilespmem:v0+s22+$0xFFFFFFE0 ss:$0x1] =	vst.idx.msk $0xffff, v5;
	s24 =	sand.u32 $0xFFFFFC00, s24  }
0x15: {  	v57 =	vld.idx.msk [tilespmem:v1+s21+$0xFFFFFF90 ss:$0x1], $0xffff;
	[tilespmem:v0+s22+$0xFFFFFFF0 ss:$0x1] =	vst.idx.msk $0xffff, v4;
	s19 =	sand.u32 $0x380, s27;
	s23 =	sadd.s32 s23, s24  }
0x16: {  	s28 =	sand.u32 $0x7F, s18;
	v58 =	vld.idx.msk [tilespmem:v1+s21+$0xFFFFFFA0 ss:$0x1], $0xffff;
	[tilespmem:v0+s22+$0x0 ss:$0x1] =	vst.idx.msk $0xffff, v2;
	s19 =	sor.u32 s19, s23  }
0x17: {  	v59 =	vld.idx.msk [tilespmem:v1+s21+$0xFFFFFFB0 ss:$0x1], $0xffff;
	[tilespmem:v0+s22+$0x10 ss:$0x1] =	vst.idx.msk $0xffff, v3;
	s18 =	sor.u32 s28, s19  }
0x18: {  	[tilespmem:v0+s22+$0x20 ss:$0x1] =	vst.idx.msk $0xffff, v6;
	v60 =	vld.idx.msk [tilespmem:v1+s21+$0xFFFFFFC0 ss:$0x1], $0xffff;
	s29 =	smulhi.u32 $0xAAAAAAAB, s18  }
0x19: {  	v61 =	vld.idx.msk [tilespmem:v1+s21+$0xFFFFFFD0 ss:$0x1], $0xffff;
	[tilespmem:v0+s21+$0x30 ss:$0x1] =	vst.idx.msk $0xffff, v56;
	s19 =	smulhi.u32 $0xAAAAAAAB, s19  }
0x1a: {  	v62 =	vld.idx.msk [tilespmem:v1+s21+$0xFFFFFFE0 ss:$0x1], $0xffff;
	s17 =	smul.u32 $0x78000, s17;
	[tilespmem:v0+s21+$0xFFFFFFC0 ss:$0x1] =	vst.idx.msk $0xffff, v57;
	s30 =	sshrl.u32 s29, $0x9  }
0x1b: {  	v63 =	vld.idx.msk [tilespmem:v1+s21+$0xFFFFFFF0 ss:$0x1], $0xffff;
	[tilespmem:v0+s21+$0xFFFFFFD0 ss:$0x1] =	vst.idx.msk $0xffff, v58;
	s19 =	sshrl.u32 s19, $0x9;
	s22 =	smul.u32 $0x300, s30  }
0x1c: {  	s16 =	smul.u32 $0x18000, s16;
	[tilespmem:v0+s21+$0xFFFFFFE0 ss:$0x1] =	vst.idx.msk $0xffff, v59;
	s19 =	sand.u32 $0x3FF, s19  }
0x1d: {  	s17 =	sadd.s32 s4, s17;
	[tilespmem:v0+s21+$0xFFFFFFF0 ss:$0x1] =	vst.idx.msk $0xffff, v60;
	s19 =	smul.u32 $0x60, s19;
	s18 =	ssub.s32 s18, s22  }
0x1e: {  	s16 =	sadd.s32 s16, s17;
	[tilespmem:v0+s21+$0x0 ss:$0x1] =	vst.idx.msk $0xffff, v61;
	s31 =	sand.u32 $0x7, s18  }
0x1f: {  	[tilespmem:v0+s21+$0x10 ss:$0x1] =	vst.idx.msk $0xffff, v62;
	s16 =	sadd.s32 s19, s16;
	s18 =	sshrl.u32 s18, $0x3;
	s17 =	sshll.u32 s31, $0x12  }
0x20: {  	[tilespmem:v0+s21+$0x20 ss:$0x1] =	vst.idx.msk $0xffff, v63;
	s16 =	sadd.s32 s18, s16;
	s17 =	sor.u32 $0x400, s17  }
0x21: {  	[hbm4b:s16+s17] =	stream.strided.scatter [tilespmem:s20], [sflag:$0x2], $0x4000, s9, s17, $0x38;
	[tilespmem:$0x10000] =	vst v63  }
.LBB1_5:
0x22: {  	s20 =	sadd.s32 $0x200, s11  }
0x23: {  	s16 =	simm.s32 $0x1;
	p1 =	sgt.s32 s20, $0x2FF  }
0x24: {  	s16 =	simm.s32 @!p1 $0x0  }
0x25: {  	s21 =	sadd.s32 s16, s12  }
0x26: {  	s16 =	simm.s32 $0x1;
	p2 =	sgt.s32 s21, $0x4  }
0x27: {  	s16 =	simm.s32 @!p2 $0x0  }
0x28: {  	s22 =	sadd.s32 s16, s13  }
0x29: {  	s23 =	smov.u32 s14;
	s16 =	sadd.s32 $0x400, s14;
	p3 =	sgt.s32 s22, $0x9  }
0x2a: {  	p0 =	slt.u32 s15, $0x2;
	s23 =	smov.u32 @p3 s16  }
0x2b: {  	s18 =	smov.u32 s11;
	s20 =	smov.u32 @p1 s2;
	p1 =	sgt.s32 s23, $0x3FF  }
0x2c: {  	s24 =	simm.s32 @!p0 $0x2;
	s23 =	smov.u32 @p1 s1;
	p1 =	sne.s32 s15, s8  }
.Ltmp1:
0x2d: {  	s17 =	smov.u32 s13;
	_ =	swait.ge @!p0 [sflag:s24], $0x4000;
	(pc) =	sbr.rel @!p1 .LBB1_6-.Ltmp1, $4  }
0x2e: {  	s19 =	smov.u32 s14;
	s10 =	sadd.s32 $0x4000, s10;
	[sflag:s24] =	ssyncset.done @!p0 $0x0  }
0x2f: {  	s11 =	smov.u32 s20;
	[sflag:s24] =	ssyncadd.s32 @!p0 $0xFFFFC000;
	s21 =	simm.s32 @p2 $0x0  }
0x30: {  	s22 =	simm.s32 @p3 $0x0;
	s16 =	smov.u32 s12;
	s12 =	smov.u32 s21  }
0x31: {  	s13 =	smov.u32 s22;
	s15 =	sadd.s32 $0x1, s15;
	s14 =	smov.u32 s23  }
.LBB1_1:
0x32: {  	p0 =	sge.u32 s15, s6  }
0x33: {  	s20 =	sshrl.u32 @!p0 s12, $0x3  }
0x34: {  	s21 =	sshll.u32 @!p0 s11, $0x3;
	s20 =	smul.u32 @!p0 $0x1800, s20  }
0x35: {  	s22 =	sshll.u32 @!p0 s12, $0x7;
	s21 =	sand.u32 @!p0 $0xFFFFFC00, s21  }
0x36: {  	s20 =	sadd.s32 @!p0 s20, s21;
	s21 =	sand.u32 @!p0 $0x380, s22  }
0x37: {  	s22 =	sand.u32 @!p0 $0x7F, s11;
	s20 =	sor.u32 @!p0 s21, s20  }
0x38: {  	s21 =	sor.u32 @!p0 s22, s20  }
0x39: {  	s22 =	smulhi.u32 @!p0 $0xAAAAAAAB, s21  }
0x3a: {  	s20 =	smulhi.u32 @!p0 $0xAAAAAAAB, s20  }
0x3b: {  	s31 =	sadd.s32 $0xFFFFFFFF, s15;
	s24 =	smul.u32 @!p0 $0x1E00, s14;
	s22 =	sshrl.u32 @!p0 s22, $0x9  }
0x3c: {  	s23 =	sxor.u32 @!p0 $0xFFFFFFFF, s15;
	s20 =	sshrl.u32 @!p0 s20, $0x9;
	s22 =	smul.u32 @!p0 $0x300, s22  }
0x3d: {  	s25 =	smul.u32 @!p0 $0x300, s13;
	s23 =	sshll.u32 @!p0 s23, $0xE;
	s20 =	sand.u32 @!p0 $0x7, s20  }
0x3e: {  	s20 =	smul.u32 @!p0 $0x60, s20;
	s21 =	ssub.s32 @!p0 s21, s22;
	s22 =	sadd.s32 @!p0 s7, s24  }
0x3f: {  	s23 =	sand.u32 @!p0 $0x4000, s23;
	s22 =	sadd.s32 @!p0 s25, s22;
	s24 =	sand.u32 @!p0 $0x7, s21  }
0x40: {  	s21 =	sshrl.u32 @!p0 s21, $0x3;
	s20 =	sadd.s32 @!p0 s20, s22;
	s22 =	sshll.u32 @!p0 s24, $0x12  }
0x41: {  	s20 =	sadd.s32 @!p0 s21, s20;
	s21 =	sor.u32 @!p0 $0x80, s22;
	s22 =	simm.s32 @!p0 $0xF000  }
0x42: {  	[tilespmem:s23], [sflag:$0x1] =	stream.strided.gather @!p0 [hbm4b:s20+s21], $0x4000, s22, s21, $0x38;
	[tilespmem:$0x10000] =	vst v63  }
0x43: {  	p0 =	sge.u32 s31, s6  }
.Ltmp2:
0x44: {  	_ = 	snop;
	(pc) =	sbr.rel @p0 .LBB1_5-.Ltmp2, $1  }
0x45: {  	_ =	sdelay $0x3  }
0x46: {  	s20 =	sand.u32 $0x4000, s10  }
0x47: {  	s21 =	sor.u32 $0x70, s20  }
0x48: {  	v1 =	vmov s21;
	_ =	sdelay $0x1  }
0x49: {  	_ =	swait.ge [sflag:s5], $0x4000  }
0x4a: {  	[sflag:s5] =	ssyncset.done $0x0  }
0x4b: {  	s22 =	simm.s32 $0x0;
	[sflag:s5] =	ssyncadd.s32 $0xFFFFC000  }
0x4c: {  	s20 =	sor.u32 $0x8040, s20;
	v6 =	vld.idx.msk [tilespmem:v1+s22+$0x0 ss:$0x1], $0xffff  }
0x4d: {  	v0 =	vmov s20;
	v8 =	vld.idx.msk [tilespmem:v1+s22+$0xFFFFFF90 ss:$0x1], $0xffff  }
0x4e: {  	v7 =	vld.idx.msk [tilespmem:v1+s22+$0xFFFFFFA0 ss:$0x1], $0xffff  }
0x4f: {  	v5 =	vld.idx.msk [tilespmem:v1+s22+$0xFFFFFFB0 ss:$0x1], $0xffff  }
0x50: {  	v4 =	vld.idx.msk [tilespmem:v1+s22+$0xFFFFFFC0 ss:$0x1], $0xffff  }
0x51: {  	s31 =	sshll.u32 s15, $0xE;
	v2 =	vld.idx.msk [tilespmem:v1+s22+$0xFFFFFFD0 ss:$0x1], $0xffff  }
0x52: {  	s20 =	sand.u32 $0x4000, s31;
	v3 =	vld.idx.msk [tilespmem:v1+s22+$0xFFFFFFE0 ss:$0x1], $0xffff;
	[tilespmem:v0+s22+$0x30 ss:$0x1] =	vst.idx.msk $0xffff, v6  }
0x53: {  	s23 =	simm.s32 $0x400;
	s21 =	simm.s32 $0x80;
	s20 =	sor.u32 $0x8000, s20;
	[tilespmem:v0+s22+$0xFFFFFFC0 ss:$0x1] =	vst.idx.msk $0xffff, v8;
	v6 =	vld.idx.msk [tilespmem:v1+s22+$0xFFFFFFF0 ss:$0x1], $0xffff  }
.LBB1_3:
0x54: {  	p0 =	sne.s32 s23, $0xFE00;
	v8 =	vld.idx.msk [tilespmem:v1+s21+$0x0 ss:$0x1], $0xffff;
	[tilespmem:v0+s22+$0xFFFFFFD0 ss:$0x1] =	vst.idx.msk $0xffff, v7  }
0x55: {  	v9 =	vld.idx.msk [tilespmem:v1+s21+$0xFFFFFF90 ss:$0x1], $0xffff;
	[tilespmem:v0+s22+$0xFFFFFFE0 ss:$0x1] =	vst.idx.msk $0xffff, v5  }
0x56: {  	v7 =	vld.idx.msk [tilespmem:v1+s21+$0xFFFFFFA0 ss:$0x1], $0xffff;
	[tilespmem:v0+s22+$0xFFFFFFF0 ss:$0x1] =	vst.idx.msk $0xffff, v4  }
.Ltmp3:
0x57: {  	v5 =	vld.idx.msk [tilespmem:v1+s21+$0xFFFFFFB0 ss:$0x1], $0xffff;
	[tilespmem:v0+s22+$0x0 ss:$0x1] =	vst.idx.msk $0xffff, v2;
	(pc) =	sbr.rel @p0 .LBB1_3-.Ltmp3, $4  }
0x58: {  	v4 =	vld.idx.msk [tilespmem:v1+s21+$0xFFFFFFC0 ss:$0x1], $0xffff;
	[tilespmem:v0+s22+$0x10 ss:$0x1] =	vst.idx.msk $0xffff, v3  }
0x59: {  	v2 =	vld.idx.msk [tilespmem:v1+s21+$0xFFFFFFD0 ss:$0x1], $0xffff;
	[tilespmem:v0+s22+$0x20 ss:$0x1] =	vst.idx.msk $0xffff, v6;
	s22 =	smov.u32 s21  }
0x5a: {  	v3 =	vld.idx.msk [tilespmem:v1+s22+$0xFFFFFFE0 ss:$0x1], $0xffff;
	[tilespmem:v0+s22+$0x30 ss:$0x1] =	vst.idx.msk $0xffff, v8  }
0x5b: {  	s21 =	sshra.s32 s23, $0x2;
	s23 =	sadd.s32 $0x200, s23;
	[tilespmem:v0+s22+$0xFFFFFFC0 ss:$0x1] =	vst.idx.msk $0xffff, v9;
	v6 =	vld.idx.msk [tilespmem:v1+s22+$0xFFFFFFF0 ss:$0x1], $0xffff  }
.Ltmp4:
0x5c: {  	_ = 	snop;
	(pc) =	sbr.rel .LBB1_4-.Ltmp4, $1  }
0x5d: {  	_ =	sdelay $0x3  }
.LBB1_6:
0x5e: {  	_ =	sfence.sel $0x180000  }
0x5f: {  	s1 =	simm.s32 $0x1;
	[bflag:$0x0] =	sbarrier.arrive $0xFFFF  }
0x60: {  	s31 =	simm.s32 $0x2;
	[sflag:s1] =	ssyncpa.u1 $0x1  }
0x61: {  	[sflag:s31] =	ssyncpa.u1 $0x1  }
0x62: {  	p0 =	sne.s32 s0, $0x0;
	_ =	strace $0x9000004A  }
0x63: {  	s0 =	sadd.s32 @!p0 $0x100000, s3;
	[bflag:$0x2] =	sbarrier.arrive $0xFFFF  }
0x64: {  	[sflag:s0] =	ssyncadd.tile.s32 @!p0 $0x1;
	_ =	shalt  }
.Lfunc_end1:
_tile_overlayer_lowered:
.L_overlay_start_2:
0x65: {  	(tag) =	ssettag $0x2  }
0x66: {  	s0 =	rddreg [dreg:$0x0];
	s2 =	stileid.u32  }
0x67: {  	s1 =	rddreg [dreg:$0x1];
	p0 =	sne.s32 s2, $0x0  }
0x68: {  	s3 =	rddreg [dreg:$0x2];
	[bflag:$0x3] =	sbarrier.arrive $0xFFFF;
	s2 =	simm.s32 @!p0 $0x1C01  }
0x69: {  	[timem:s3], [sflag:s2] =	dma.local @!p0 [hbm:s0], s1  }
0x6a: {  	s0 =	simm.s32 @!p0 $0x1  }
0x6b: {  	_ =	swait.ge @!p0 [sflag:s0], s1  }
0x6c: {  	s1 =	ssub.s32 @!p0 $0x0, s1;
	[sflag:s0] =	ssyncset.done @!p0 $0x0  }
0x6d: {  	[sflag:s0] =	ssyncadd.s32 @!p0 s1  }
0x6e: {  	[bflag:$0x3] =	sbarrier.arrive $0xFFFF  }
0x6f: {  	_ =	shalt  }

</sc_bundles>
